<compile_context>
chip_gen: v7x
topology: tpu7x:2x2x1
jax: 0.10.2.dev20260603
libtpu: 0.0.44.dev20260713+nightly
codegen_flags: <defaults>
</compile_context>

<pallas_src>
import functools

import jax
import jax.numpy as jnp
from jax import lax
from jax.experimental import pallas as pl
from jax.experimental.pallas import tpu as pltpu
from jax.experimental.pallas import tpu_sc as plsc

TOPK = 256
_NC, _NS, _L = 2, 16, 16
_ROWS, _S = 32, 2048
_NV = _S // _L
_NB = 4
_CHUNK = 256
_NCHUNK = _S // _CHUNK


def _tc_scores_body(lastq_ref, wq_ref, bq_ref, k_ref, out_ref, qd_ref):
    @pl.when(pl.program_id(0) == 0)
    def _():
        qd_ref[...] = lax.dot_general(
            lastq_ref[...], wq_ref[...], (((1,), (1,)), ((), ())),
            preferred_element_type=jnp.float32,
        ) + bq_ref[...]

    q_down = qd_ref[...]
    rows = []
    for b in range(2):
        qb = q_down[b * 16:(b + 1) * 16, :]
        rows.append(lax.dot_general(
            qb, k_ref[b], (((1,), (1,)), ((), ())),
            preferred_element_type=jnp.float32,
        ))
    out_ref[...] = jnp.maximum(jnp.concatenate(rows, axis=0), 0.0)


def _sc_select_body(scores_hbm, out_hbm, row_v, bits_v, hist_v, sfx_v,
                    merged_v):
    wid = lax.axis_index("s") * _NC + lax.axis_index("c")
    pltpu.sync_copy(scores_hbm.at[wid], row_v)

    liota = lax.iota(jnp.int32, 16)

    @plsc.parallel_loop(0, _NB * 256 // _L)
    def _(j):
        hist_v[pl.ds(j * _L, _L)] = jnp.zeros((_L,), jnp.int32)

    @plsc.parallel_loop(0, _NV, step=_NB)
    def _(i):
        for u in range(_NB):
            sl = pl.ds((i + u) * _L, _L)
            v = row_v[sl]
            b = jnp.where(v > 0.0, lax.bitcast_convert_type(v, jnp.int32),
                          jnp.int32(0))
            bits_v[sl] = b
            dig = ((b >> 23) & 0xFF) + u * 256
            occ, lastm = plsc.scan_count(dig)
            plsc.addupdate_scatter(hist_v, [dig], occ.astype(jnp.int32),
                                   mask=lastm)

    pref = jnp.int32(0)
    above = jnp.int32(0)

    for pidx, (shift, dmask, shift_hi) in enumerate(
            ((23, 0xFF, 31), (15, 0xFF, 23), (7, 0xFF, 15), (0, 0x7F, 7))):
        if pidx > 0:
            ph = pref >> shift_hi

            @plsc.parallel_loop(0, _NV, step=_NB)
            def _(i, shift=shift, dmask=dmask, shift_hi=shift_hi, ph=ph):
                for u in range(_NB):
                    b = bits_v[pl.ds((i + u) * _L, _L)]
                    part = (b >> shift_hi) == ph
                    dig = ((b >> shift) & dmask) + u * 256
                    occ, lastm = plsc.scan_count(dig, mask=part)
                    plsc.addupdate_scatter(hist_v, [dig],
                                           occ.astype(jnp.int32), mask=lastm)

        @plsc.parallel_loop(0, 256 // _L)
        def _(j):
            sl = pl.ds(j * _L, _L)
            m = (hist_v[sl] + hist_v[pl.ds(256 + j * _L, _L)]
                 + hist_v[pl.ds(512 + j * _L, _L)]
                 + hist_v[pl.ds(768 + j * _L, _L)])
            merged_v[sl] = m
            rc = lax.rev(plsc.cumsum(lax.rev(m, dimensions=(0,))),
                         dimensions=(0,))
            sfx_v[sl] = rc

        r = TOPK - above
        T = plsc.load_gather(sfx_v, [liota * _L])
        S_T = lax.rev(plsc.cumsum(lax.rev(T, dimensions=(0,))),
                      dimensions=(0,))
        jstar = jnp.sum((S_T >= r).astype(jnp.int32)) - 1
        T_star = jnp.max(jnp.where(liota == jstar, T, 0))
        S_T_star = jnp.max(jnp.where(liota == jstar, S_T, 0))
        run_star = S_T_star - T_star
        rc_star = sfx_v[pl.ds(jstar * _L, _L)]
        s_star = rc_star + run_star
        c2 = jnp.sum((s_star >= r).astype(jnp.int32))
        lstar = c2 - 1
        g = jstar * _L + lstar
        s_at_g = jnp.max(jnp.where(liota == lstar, s_star, 0))
        m_star = merged_v[pl.ds(jstar * _L, _L)]
        h_at_g = jnp.max(jnp.where(liota == lstar, m_star, 0))
        above = above + s_at_g - h_at_g
        pref = pref | (g << shift)

        if pidx < 3:
            @plsc.parallel_loop(0, _NB * 256 // _L)
            def _(j):
                hist_v[pl.ds(j * _L, _L)] = jnp.zeros((_L,), jnp.int32)

    @plsc.parallel_loop(0, _NV, step=_NB)
    def _(i):
        for u in range(_NB):
            sl = pl.ds((i + u) * _L, _L)
            row_v[sl] = jnp.where(bits_v[sl] >= pref, row_v[sl], 0.0)

    pltpu.sync_copy(row_v, out_hbm.at[wid])


_sc_select = pl.kernel(
    _sc_select_body,
    out_type=jax.ShapeDtypeStruct((_ROWS, _S), jnp.float32),
    mesh=plsc.VectorSubcoreMesh(core_axis_name="c", subcore_axis_name="s",
                                num_cores=_NC, num_subcores=_NS),
    scratch_types=[
        pltpu.VMEM((_S,), jnp.float32),
        pltpu.VMEM((_S,), jnp.int32),
        pltpu.VMEM((_NB * 256,), jnp.int32),
        pltpu.VMEM((256,), jnp.int32),
        pltpu.VMEM((256,), jnp.int32),
    ],
    compiler_params=pltpu.CompilerParams(needs_layout_passes=False,
                                         skip_device_barrier=True),
)


@jax.jit
def _run(last_q, Wq, bq, K):
    scores = pl.pallas_call(
        _tc_scores_body,
        grid=(_NCHUNK,),
        in_specs=[
            pl.BlockSpec((32, 1024), lambda c: (0, 0)),
            pl.BlockSpec((256, 1024), lambda c: (0, 0)),
            pl.BlockSpec((1, 256), lambda c: (0, 0)),
            pl.BlockSpec((2, _CHUNK, 256), lambda c: (0, c, 0)),
        ],
        out_specs=pl.BlockSpec((32, _CHUNK), lambda c: (0, c)),
        out_shape=jax.ShapeDtypeStruct((_ROWS, _S), jnp.float32),
        scratch_shapes=[pltpu.VMEM((32, 256), jnp.float32)],
    )(last_q, Wq, bq, K)
    return _sc_select(scores)


def kernel(Q, K_down, V_down, Wq, bq):
    last_q = Q[:, :, -1, :].reshape(32, 1024)
    K = K_down[:, 0, :, :]
    out = _run(last_q, Wq, bq.reshape(1, 256), K)
    return out.reshape(2, 16, 2048)

# --- scband reference (transcript-rebuilt; emitter-appended) ---
"""Pipeline reference for scband-indexer-64175401337409 (READ-ONLY COPY).

The authoritative reference and input builder live on the scoring server;
editing this copy changes nothing except your own understanding.
"""

import jax, jax.numpy as jnp
import numpy as np

TOP_K = 256


def setup_inputs(seed: int = 0) -> dict:
    key = jax.random.key(seed)
    ks = jax.random.split(key, 5)
    Q = jax.random.normal(ks[0], (2, 16, 2048, 1024), dtype=jnp.float32)
    K_down = jax.random.normal(ks[1], (2, 1, 2048, 256), dtype=jnp.float32)
    V_down = jax.random.normal(ks[2], (2, 1, 2048, 256), dtype=jnp.float32)
    Wq = jax.random.normal(ks[3], (256, 1024), dtype=jnp.float32) * (1024 ** -0.5)
    bq = jnp.zeros((256,), dtype=jnp.float32)
    return {"Q": Q, "K_down": K_down, "V_down": V_down, "Wq": Wq, "bq": bq}


def reference(Q, K_down, V_down, Wq, bq):
    # last query row per head: [B, H, d_model]
    last_q = Q[:, :, -1, :]
    # down-projection (nn.Linear Wq_down): [B, H, d_latent]
    q_down = jnp.einsum('bhm,lm->bhl', last_q, Wq) + bq
    # fuzzy scores vs MQA-shared latent keys: q_down @ K_down^T -> [B, H, S]
    scores = jnp.einsum('bhl,bsl->bhs', q_down, K_down[:, 0, :, :])
    fuzzy_scores = jax.nn.relu(scores)
    # top-k masking over the kv sequence axis: keep top_k scores, zero out rest
    topk_vals = jax.lax.top_k(fuzzy_scores, TOP_K)[0]
    kth = topk_vals[..., -1:]
    masked_scores = jnp.where(fuzzy_scores >= kth, fuzzy_scores, 0.0)
    return masked_scores

if __name__ == "__main__":
    import jax
    _d = setup_inputs()
    print(jax.jit(kernel)(*tuple(_d.values())))

</pallas_src>

<mosaic_0001>
#map = affine_map<(d0, d1) -> (0, 0)>
module attributes {stable_mosaic.version = 14 : i64} {
  func.func @_sc_select_body(%arg0: i32, %arg1: i32, %arg2: memref<32x2048xf32, #tpu.memory_space<hbm>>, %arg3: memref<32x2048xf32, #tpu.memory_space<hbm>>, %arg4: memref<2048xf32, #tpu.memory_space<vmem>>, %arg5: memref<2048xi32, #tpu.memory_space<vmem>>, %arg6: memref<1024xi32, #tpu.memory_space<vmem>>, %arg7: memref<256xi32, #tpu.memory_space<vmem>>, %arg8: memref<256xi32, #tpu.memory_space<vmem>>) attributes {dimension_semantics = [#tpu.dimension_semantics<core_parallel>, #tpu.dimension_semantics<subcore_parallel>], iteration_bounds = array<i64: 2, 16>, scalar_prefetch = 0 : i64, scratch_operands = 5 : i64, tpu.core_type = #tpu.core_type<sc_vector_subcore>, window_params = [{transform_indices = #map}, {transform_indices = #map}]} {
    %mul3A = arith.constant 2 : i32
    %mul3A_0 = arith.muli %arg1, %mul3A : i32
    %add3A = arith.addi %mul3A_0, %arg0 : i32
    "tpu.region"() ({
      %run_scoped3A = tpu.sem_alloc : memref<!tpu.dma_semaphore, #tpu.memory_space<semaphore_mem>>
      %dma_start3A = arith.constant 0 : i32
      %dma_start3A_464 = tpu.memref_slice %arg2[%add3A, %dma_start3A] : memref<32x2048xf32, #tpu.memory_space<hbm>> -> memref<1x2048xf32, #tpu.memory_space<hbm>>
      %dma_start3A_465 = tpu.memref_squeeze %dma_start3A_464 : memref<1x2048xf32, #tpu.memory_space<hbm>> -> memref<2048xf32, #tpu.memory_space<hbm>>
      %dma_start3A_466 = arith.constant 0 : i32
      %dma_start3A_467 = tpu.memref_slice %arg2[%add3A, %dma_start3A_466] : memref<32x2048xf32, #tpu.memory_space<hbm>> -> memref<1x2048xf32, #tpu.memory_space<hbm>>
      %dma_start3A_468 = tpu.memref_squeeze %dma_start3A_467 : memref<1x2048xf32, #tpu.memory_space<hbm>> -> memref<2048xf32, #tpu.memory_space<hbm>>
      tpu.enqueue_dma source(%dma_start3A_468 : memref<2048xf32, #tpu.memory_space<hbm>>) target(%arg4 : memref<2048xf32, #tpu.memory_space<vmem>>) target_semaphore(%run_scoped3A : memref<!tpu.dma_semaphore, #tpu.memory_space<semaphore_mem>>)
      %dma_wait3A = arith.constant 0 : i32
      %dma_wait3A_469 = tpu.memref_slice %arg2[%add3A, %dma_wait3A] : memref<32x2048xf32, #tpu.memory_space<hbm>> -> memref<1x2048xf32, #tpu.memory_space<hbm>>
      %dma_wait3A_470 = tpu.memref_squeeze %dma_wait3A_469 : memref<1x2048xf32, #tpu.memory_space<hbm>> -> memref<2048xf32, #tpu.memory_space<hbm>>
      %dma_wait3A_471 = arith.constant 0 : i32
      %dma_wait3A_472 = tpu.memref_slice %arg2[%add3A, %dma_wait3A_471] : memref<32x2048xf32, #tpu.memory_space<hbm>> -> memref<1x2048xf32, #tpu.memory_space<hbm>>
      %dma_wait3A_473 = tpu.memref_squeeze %dma_wait3A_472 : memref<1x2048xf32, #tpu.memory_space<hbm>> -> memref<2048xf32, #tpu.memory_space<hbm>>
      tpu.wait_dma2 semaphore(%run_scoped3A : memref<!tpu.dma_semaphore, #tpu.memory_space<semaphore_mem>>) src(%dma_wait3A_473 : memref<2048xf32, #tpu.memory_space<hbm>>) dst(%arg4 : memref<2048xf32, #tpu.memory_space<vmem>>)
      tpu.yield
    }) : () -> ()
    %iota3A = tpu.iota {dimensions = array<i32: 0>} : vector<16xi32>
    %parallel_loop3A = arith.constant 0 : i32
    %parallel_loop3A_1 = arith.constant 64 : i32
    %parallel_loop3A_2 = arith.constant 1 : i32
    scf.for %parallel_loop3A_464 = %parallel_loop3A to %parallel_loop3A_1 step %parallel_loop3A_2  : i32 {
      %parallel_loop3A_465 = arith.constant 0 : i32
      %parallel_loop3A_466 = vector.broadcast %parallel_loop3A_465 : i32 to vector<16xi32>
      %parallel_loop3A_467 = arith.constant 16 : i32
      %parallel_loop3A_468 = arith.muli %parallel_loop3A_464, %parallel_loop3A_467 : i32
      %parallel_loop3A_469 = arith.index_cast %parallel_loop3A_468 : i32 to index
      %parallel_loop3A_470 = tpu.vector_load %arg6[%parallel_loop3A_469] {strides = array<i32>} : memref<1024xi32, #tpu.memory_space<vmem>>, vector<16xi32>,
      tpu.vector_store %arg6[%parallel_loop3A_469], %parallel_loop3A_466 {strides = array<i32>} : memref<1024xi32, #tpu.memory_space<vmem>>, vector<16xi32>,
    } {sc.loop_unroll_factor = 1 : i64, sc.parallel_access}
    %parallel_loop3A_3 = arith.constant 0 : i32
    %parallel_loop3A_4 = arith.constant 128 : i32
    %parallel_loop3A_5 = arith.constant 4 : i32
    scf.for %parallel_loop3A_464 = %parallel_loop3A_3 to %parallel_loop3A_4 step %parallel_loop3A_5  : i32 {
      %parallel_loop3A_465 = arith.constant 0 : i32
      %parallel_loop3A_466 = arith.addi %parallel_loop3A_464, %parallel_loop3A_465 : i32
      %parallel_loop3A_467 = arith.constant 16 : i32
      %parallel_loop3A_468 = arith.muli %parallel_loop3A_466, %parallel_loop3A_467 : i32
      %parallel_loop3A_469 = arith.index_cast %parallel_loop3A_468 : i32 to index
      %parallel_loop3A_470 = tpu.vector_load %arg4[%parallel_loop3A_469] {strides = array<i32>} : memref<2048xf32, #tpu.memory_space<vmem>>, vector<16xf32>,
      %parallel_loop3A_471 = arith.constant 0.000000e+00 : f32
      %parallel_loop3A_472 = vector.broadcast %parallel_loop3A_471 : f32 to vector<16xf32>
      %parallel_loop3A_473 = arith.cmpf ogt, %parallel_loop3A_470, %parallel_loop3A_472 : vector<16xf32>
      %parallel_loop3A_474 = tpu.bitcast %parallel_loop3A_470 : vector<16xf32> -> vector<16xi32>
      %parallel_loop3A_475 = arith.constant 0 : i32
      %parallel_loop3A_476 = vector.broadcast %parallel_loop3A_475 : i32 to vector<16xi32>
      %parallel_loop3A_477 = arith.select %parallel_loop3A_473, %parallel_loop3A_474, %parallel_loop3A_476 : vector<16xi1>, vector<16xi32>
      %parallel_loop3A_478 = arith.index_cast %parallel_loop3A_468 : i32 to index
      %parallel_loop3A_479 = tpu.vector_load %arg5[%parallel_loop3A_478] {strides = array<i32>} : memref<2048xi32, #tpu.memory_space<vmem>>, vector<16xi32>,
      tpu.vector_store %arg5[%parallel_loop3A_478], %parallel_loop3A_477 {strides = array<i32>} : memref<2048xi32, #tpu.memory_space<vmem>>, vector<16xi32>,
      %parallel_loop3A_480 = arith.constant 23 : i32
      %parallel_loop3A_481 = vector.broadcast %parallel_loop3A_480 : i32 to vector<16xi32>
      %parallel_loop3A_482 = arith.shrsi %parallel_loop3A_477, %parallel_loop3A_481 : vector<16xi32>
      %parallel_loop3A_483 = arith.constant 255 : i32
      %parallel_loop3A_484 = vector.broadcast %parallel_loop3A_483 : i32 to vector<16xi32>
      %parallel_loop3A_485 = arith.andi %parallel_loop3A_482, %parallel_loop3A_484 : vector<16xi32>
      %parallel_loop3A_486 = arith.constant 0 : i32
      %parallel_loop3A_487 = vector.broadcast %parallel_loop3A_486 : i32 to vector<16xi32>
      %parallel_loop3A_488 = arith.addi %parallel_loop3A_485, %parallel_loop3A_487 : vector<16xi32>
      %parallel_loop3A_489 = arith.constant true
      %parallel_loop3A_490 = vector.broadcast %parallel_loop3A_489 : i1 to vector<16xi1>
      %parallel_loop3A_491, %parallel_loop3A_492 = tpu.scan_count mask(%parallel_loop3A_490 : vector<16xi1>) value(%parallel_loop3A_488 : vector<16xi32>) : vector<16xi1>, vector<16xi32>
      tpu.vector_store_idx %arg6[%parallel_loop3A_488], %parallel_loop3A_492 masked %parallel_loop3A_491 {add = true} : memref<1024xi32, #tpu.memory_space<vmem>>[vector<16xi32>], vector<16xi32>, vector<16xi1>
      %parallel_loop3A_493 = arith.constant 1 : i32
      %parallel_loop3A_494 = arith.addi %parallel_loop3A_464, %parallel_loop3A_493 : i32
      %parallel_loop3A_495 = arith.constant 16 : i32
      %parallel_loop3A_496 = arith.muli %parallel_loop3A_494, %parallel_loop3A_495 : i32
      %parallel_loop3A_497 = arith.index_cast %parallel_loop3A_496 : i32 to index
      %parallel_loop3A_498 = tpu.vector_load %arg4[%parallel_loop3A_497] {strides = array<i32>} : memref<2048xf32, #tpu.memory_space<vmem>>, vector<16xf32>,
      %parallel_loop3A_499 = arith.constant 0.000000e+00 : f32
      %parallel_loop3A_500 = vector.broadcast %parallel_loop3A_499 : f32 to vector<16xf32>
      %parallel_loop3A_501 = arith.cmpf ogt, %parallel_loop3A_498, %parallel_loop3A_500 : vector<16xf32>
      %parallel_loop3A_502 = tpu.bitcast %parallel_loop3A_498 : vector<16xf32> -> vector<16xi32>
      %parallel_loop3A_503 = arith.constant 0 : i32
      %parallel_loop3A_504 = vector.broadcast %parallel_loop3A_503 : i32 to vector<16xi32>
      %parallel_loop3A_505 = arith.select %parallel_loop3A_501, %parallel_loop3A_502, %parallel_loop3A_504 : vector<16xi1>, vector<16xi32>
      %parallel_loop3A_506 = arith.index_cast %parallel_loop3A_496 : i32 to index
      %parallel_loop3A_507 = tpu.vector_load %arg5[%parallel_loop3A_506] {strides = array<i32>} : memref<2048xi32, #tpu.memory_space<vmem>>, vector<16xi32>,
      tpu.vector_store %arg5[%parallel_loop3A_506], %parallel_loop3A_505 {strides = array<i32>} : memref<2048xi32, #tpu.memory_space<vmem>>, vector<16xi32>,
      %parallel_loop3A_508 = arith.constant 23 : i32
      %parallel_loop3A_509 = vector.broadcast %parallel_loop3A_508 : i32 to vector<16xi32>
      %parallel_loop3A_510 = arith.shrsi %parallel_loop3A_505, %parallel_loop3A_509 : vector<16xi32>
      %parallel_loop3A_511 = arith.constant 255 : i32
      %parallel_loop3A_512 = vector.broadcast %parallel_loop3A_511 : i32 to vector<16xi32>
      %parallel_loop3A_513 = arith.andi %parallel_loop3A_510, %parallel_loop3A_512 : vector<16xi32>
      %parallel_loop3A_514 = arith.constant 256 : i32
      %parallel_loop3A_515 = vector.broadcast %parallel_loop3A_514 : i32 to vector<16xi32>
      %parallel_loop3A_516 = arith.addi %parallel_loop3A_513, %parallel_loop3A_515 : vector<16xi32>
      %parallel_loop3A_517 = arith.constant true
      %parallel_loop3A_518 = vector.broadcast %parallel_loop3A_517 : i1 to vector<16xi1>
      %parallel_loop3A_519, %parallel_loop3A_520 = tpu.scan_count mask(%parallel_loop3A_518 : vector<16xi1>) value(%parallel_loop3A_516 : vector<16xi32>) : vector<16xi1>, vector<16xi32>
      tpu.vector_store_idx %arg6[%parallel_loop3A_516], %parallel_loop3A_520 masked %parallel_loop3A_519 {add = true} : memref<1024xi32, #tpu.memory_space<vmem>>[vector<16xi32>], vector<16xi32>, vector<16xi1>
      %parallel_loop3A_521 = arith.constant 2 : i32
      %parallel_loop3A_522 = arith.addi %parallel_loop3A_464, %parallel_loop3A_521 : i32
      %parallel_loop3A_523 = arith.constant 16 : i32
      %parallel_loop3A_524 = arith.muli %parallel_loop3A_522, %parallel_loop3A_523 : i32
      %parallel_loop3A_525 = arith.index_cast %parallel_loop3A_524 : i32 to index
      %parallel_loop3A_526 = tpu.vector_load %arg4[%parallel_loop3A_525] {strides = array<i32>} : memref<2048xf32, #tpu.memory_space<vmem>>, vector<16xf32>,
      %parallel_loop3A_527 = arith.constant 0.000000e+00 : f32
      %parallel_loop3A_528 = vector.broadcast %parallel_loop3A_527 : f32 to vector<16xf32>
      %parallel_loop3A_529 = arith.cmpf ogt, %parallel_loop3A_526, %parallel_loop3A_528 : vector<16xf32>
      %parallel_loop3A_530 = tpu.bitcast %parallel_loop3A_526 : vector<16xf32> -> vector<16xi32>
      %parallel_loop3A_531 = arith.constant 0 : i32
      %parallel_loop3A_532 = vector.broadcast %parallel_loop3A_531 : i32 to vector<16xi32>
      %parallel_loop3A_533 = arith.select %parallel_loop3A_529, %parallel_loop3A_530, %parallel_loop3A_532 : vector<16xi1>, vector<16xi32>
      %parallel_loop3A_534 = arith.index_cast %parallel_loop3A_524 : i32 to index
      %parallel_loop3A_535 = tpu.vector_load %arg5[%parallel_loop3A_534] {strides = array<i32>} : memref<2048xi32, #tpu.memory_space<vmem>>, vector<16xi32>,
      tpu.vector_store %arg5[%parallel_loop3A_534], %parallel_loop3A_533 {strides = array<i32>} : memref<2048xi32, #tpu.memory_space<vmem>>, vector<16xi32>,
      %parallel_loop3A_536 = arith.constant 23 : i32
      %parallel_loop3A_537 = vector.broadcast %parallel_loop3A_536 : i32 to vector<16xi32>
      %parallel_loop3A_538 = arith.shrsi %parallel_loop3A_533, %parallel_loop3A_537 : vector<16xi32>
      %parallel_loop3A_539 = arith.constant 255 : i32
      %parallel_loop3A_540 = vector.broadcast %parallel_loop3A_539 : i32 to vector<16xi32>
      %parallel_loop3A_541 = arith.andi %parallel_loop3A_538, %parallel_loop3A_540 : vector<16xi32>
      %parallel_loop3A_542 = arith.constant 512 : i32
      %parallel_loop3A_543 = vector.broadcast %parallel_loop3A_542 : i32 to vector<16xi32>
      %parallel_loop3A_544 = arith.addi %parallel_loop3A_541, %parallel_loop3A_543 : vector<16xi32>
      %parallel_loop3A_545 = arith.constant true
      %parallel_loop3A_546 = vector.broadcast %parallel_loop3A_545 : i1 to vector<16xi1>
      %parallel_loop3A_547, %parallel_loop3A_548 = tpu.scan_count mask(%parallel_loop3A_546 : vector<16xi1>) value(%parallel_loop3A_544 : vector<16xi32>) : vector<16xi1>, vector<16xi32>
      tpu.vector_store_idx %arg6[%parallel_loop3A_544], %parallel_loop3A_548 masked %parallel_loop3A_547 {add = true} : memref<1024xi32, #tpu.memory_space<vmem>>[vector<16xi32>], vector<16xi32>, vector<16xi1>
      %parallel_loop3A_549 = arith.constant 3 : i32
      %parallel_loop3A_550 = arith.addi %parallel_loop3A_464, %parallel_loop3A_549 : i32
      %parallel_loop3A_551 = arith.constant 16 : i32
      %parallel_loop3A_552 = arith.muli %parallel_loop3A_550, %parallel_loop3A_551 : i32
      %parallel_loop3A_553 = arith.index_cast %parallel_loop3A_552 : i32 to index
      %parallel_loop3A_554 = tpu.vector_load %arg4[%parallel_loop3A_553] {strides = array<i32>} : memref<2048xf32, #tpu.memory_space<vmem>>, vector<16xf32>,
      %parallel_loop3A_555 = arith.constant 0.000000e+00 : f32
      %parallel_loop3A_556 = vector.broadcast %parallel_loop3A_555 : f32 to vector<16xf32>
      %parallel_loop3A_557 = arith.cmpf ogt, %parallel_loop3A_554, %parallel_loop3A_556 : vector<16xf32>
      %parallel_loop3A_558 = tpu.bitcast %parallel_loop3A_554 : vector<16xf32> -> vector<16xi32>
      %parallel_loop3A_559 = arith.constant 0 : i32
      %parallel_loop3A_560 = vector.broadcast %parallel_loop3A_559 : i32 to vector<16xi32>
      %parallel_loop3A_561 = arith.select %parallel_loop3A_557, %parallel_loop3A_558, %parallel_loop3A_560 : vector<16xi1>, vector<16xi32>
      %parallel_loop3A_562 = arith.index_cast %parallel_loop3A_552 : i32 to index
      %parallel_loop3A_563 = tpu.vector_load %arg5[%parallel_loop3A_562] {strides = array<i32>} : memref<2048xi32, #tpu.memory_space<vmem>>, vector<16xi32>,
      tpu.vector_store %arg5[%parallel_loop3A_562], %parallel_loop3A_561 {strides = array<i32>} : memref<2048xi32, #tpu.memory_space<vmem>>, vector<16xi32>,
      %parallel_loop3A_564 = arith.constant 23 : i32
      %parallel_loop3A_565 = vector.broadcast %parallel_loop3A_564 : i32 to vector<16xi32>
      %parallel_loop3A_566 = arith.shrsi %parallel_loop3A_561, %parallel_loop3A_565 : vector<16xi32>
      %parallel_loop3A_567 = arith.constant 255 : i32
      %parallel_loop3A_568 = vector.broadcast %parallel_loop3A_567 : i32 to vector<16xi32>
      %parallel_loop3A_569 = arith.andi %parallel_loop3A_566, %parallel_loop3A_568 : vector<16xi32>
      %parallel_loop3A_570 = arith.constant 768 : i32
      %parallel_loop3A_571 = vector.broadcast %parallel_loop3A_570 : i32 to vector<16xi32>
      %parallel_loop3A_572 = arith.addi %parallel_loop3A_569, %parallel_loop3A_571 : vector<16xi32>
      %parallel_loop3A_573 = arith.constant true
      %parallel_loop3A_574 = vector.broadcast %parallel_loop3A_573 : i1 to vector<16xi1>
      %parallel_loop3A_575, %parallel_loop3A_576 = tpu.scan_count mask(%parallel_loop3A_574 : vector<16xi1>) value(%parallel_loop3A_572 : vector<16xi32>) : vector<16xi1>, vector<16xi32>
      tpu.vector_store_idx %arg6[%parallel_loop3A_572], %parallel_loop3A_576 masked %parallel_loop3A_575 {add = true} : memref<1024xi32, #tpu.memory_space<vmem>>[vector<16xi32>], vector<16xi32>, vector<16xi1>
    } {sc.loop_unroll_factor = 1 : i64, sc.parallel_access}
    %parallel_loop3A_6 = arith.constant 0 : i32
    %parallel_loop3A_7 = arith.constant 16 : i32
    %parallel_loop3A_8 = arith.constant 1 : i32
    scf.for %parallel_loop3A_464 = %parallel_loop3A_6 to %parallel_loop3A_7 step %parallel_loop3A_8  : i32 {
      %parallel_loop3A_465 = arith.constant 16 : i32
      %parallel_loop3A_466 = arith.muli %parallel_loop3A_464, %parallel_loop3A_465 : i32
      %parallel_loop3A_467 = arith.index_cast %parallel_loop3A_466 : i32 to index
      %parallel_loop3A_468 = tpu.vector_load %arg6[%parallel_loop3A_467] {strides = array<i32>} : memref<1024xi32, #tpu.memory_space<vmem>>, vector<16xi32>,
      %parallel_loop3A_469 = arith.constant 16 : i32
      %parallel_loop3A_470 = arith.muli %parallel_loop3A_464, %parallel_loop3A_469 : i32
      %parallel_loop3A_471 = arith.constant 256 : i32
      %parallel_loop3A_472 = arith.addi %parallel_loop3A_471, %parallel_loop3A_470 : i32
      %parallel_loop3A_473 = arith.index_cast %parallel_loop3A_472 : i32 to index
      %parallel_loop3A_474 = tpu.vector_load %arg6[%parallel_loop3A_473] {strides = array<i32>} : memref<1024xi32, #tpu.memory_space<vmem>>, vector<16xi32>,
      %parallel_loop3A_475 = arith.addi %parallel_loop3A_468, %parallel_loop3A_474 : vector<16xi32>
      %parallel_loop3A_476 = arith.constant 16 : i32
      %parallel_loop3A_477 = arith.muli %parallel_loop3A_464, %parallel_loop3A_476 : i32
      %parallel_loop3A_478 = arith.constant 512 : i32
      %parallel_loop3A_479 = arith.addi %parallel_loop3A_478, %parallel_loop3A_477 : i32
      %parallel_loop3A_480 = arith.index_cast %parallel_loop3A_479 : i32 to index
      %parallel_loop3A_481 = tpu.vector_load %arg6[%parallel_loop3A_480] {strides = array<i32>} : memref<1024xi32, #tpu.memory_space<vmem>>, vector<16xi32>,
      %parallel_loop3A_482 = arith.addi %parallel_loop3A_475, %parallel_loop3A_481 : vector<16xi32>
      %parallel_loop3A_483 = arith.constant 16 : i32
      %parallel_loop3A_484 = arith.muli %parallel_loop3A_464, %parallel_loop3A_483 : i32
      %parallel_loop3A_485 = arith.constant 768 : i32
      %parallel_loop3A_486 = arith.addi %parallel_loop3A_485, %parallel_loop3A_484 : i32
      %parallel_loop3A_487 = arith.index_cast %parallel_loop3A_486 : i32 to index
      %parallel_loop3A_488 = tpu.vector_load %arg6[%parallel_loop3A_487] {strides = array<i32>} : memref<1024xi32, #tpu.memory_space<vmem>>, vector<16xi32>,
      %parallel_loop3A_489 = arith.addi %parallel_loop3A_482, %parallel_loop3A_488 : vector<16xi32>
      %parallel_loop3A_490 = arith.index_cast %parallel_loop3A_466 : i32 to index
      %parallel_loop3A_491 = tpu.vector_load %arg8[%parallel_loop3A_490] {strides = array<i32>} : memref<256xi32, #tpu.memory_space<vmem>>, vector<16xi32>,
      tpu.vector_store %arg8[%parallel_loop3A_490], %parallel_loop3A_489 {strides = array<i32>} : memref<256xi32, #tpu.memory_space<vmem>>, vector<16xi32>,
      %parallel_loop3A_492 = arith.constant 15 : i32
      %parallel_loop3A_493 = vector.broadcast %parallel_loop3A_492 : i32 to vector<16xi32>
      %parallel_loop3A_494 = tpu.iota {dimensions = array<i32: 0>} : vector<16xi32>
      %parallel_loop3A_495 = arith.subi %parallel_loop3A_493, %parallel_loop3A_494 : vector<16xi32>
      %parallel_loop3A_496 = tpu.dynamic_gather %parallel_loop3A_489[%parallel_loop3A_495] in [0] : vector<16xi32>, vector<16xi32> -> vector<16xi32>
      %parallel_loop3A_497 = arith.constant true
      %parallel_loop3A_498 = vector.broadcast %parallel_loop3A_497 : i1 to vector<16xi1>
      %parallel_loop3A_499 = tpu.scan <sum>, %parallel_loop3A_496 masked %parallel_loop3A_498 : vector<16xi32>, vector<16xi1> -> vector<16xi32>
      %parallel_loop3A_500 = arith.constant 15 : i32
      %parallel_loop3A_501 = vector.broadcast %parallel_loop3A_500 : i32 to vector<16xi32>
      %parallel_loop3A_502 = tpu.iota {dimensions = array<i32: 0>} : vector<16xi32>
      %parallel_loop3A_503 = arith.subi %parallel_loop3A_501, %parallel_loop3A_502 : vector<16xi32>
      %parallel_loop3A_504 = tpu.dynamic_gather %parallel_loop3A_499[%parallel_loop3A_503] in [0] : vector<16xi32>, vector<16xi32> -> vector<16xi32>
      %parallel_loop3A_505 = arith.index_cast %parallel_loop3A_466 : i32 to index
      %parallel_loop3A_506 = tpu.vector_load %arg7[%parallel_loop3A_505] {strides = array<i32>} : memref<256xi32, #tpu.memory_space<vmem>>, vector<16xi32>,
      tpu.vector_store %arg7[%parallel_loop3A_505], %parallel_loop3A_504 {strides = array<i32>} : memref<256xi32, #tpu.memory_space<vmem>>, vector<16xi32>,
    } {sc.loop_unroll_factor = 1 : i64, sc.parallel_access}
    %sub3A = arith.constant 256 : i32
    %sub3A_9 = arith.constant 0 : i32
    %sub3A_10 = arith.subi %sub3A, %sub3A_9 : i32
    %mul3A_11 = arith.constant 16 : i32
    %mul3A_12 = vector.broadcast %mul3A_11 : i32 to vector<16xi32>
    %mul3A_13 = arith.muli %iota3A, %mul3A_12 : vector<16xi32>
    %gather3A = tpu.vector_load_idx %arg7[%mul3A_13] : memref<256xi32, #tpu.memory_space<vmem>>[vector<16xi32>], vector<16xi32>,
    %rev3A = arith.constant 15 : i32
    %rev3A_14 = vector.broadcast %rev3A : i32 to vector<16xi32>
    %rev3A_15 = tpu.iota {dimensions = array<i32: 0>} : vector<16xi32>
    %rev3A_16 = arith.subi %rev3A_14, %rev3A_15 : vector<16xi32>
    %rev3A_17 = tpu.dynamic_gather %gather3A[%rev3A_16] in [0] : vector<16xi32>, vector<16xi32> -> vector<16xi32>
    %broadcast_in_dim3A = arith.constant true
    %broadcast_in_dim3A_18 = vector.broadcast %broadcast_in_dim3A : i1 to vector<16xi1>
    %masked_cumsum3A = tpu.scan <sum>, %rev3A_17 masked %broadcast_in_dim3A_18 : vector<16xi32>, vector<16xi1> -> vector<16xi32>
    %rev3A_19 = arith.constant 15 : i32
    %rev3A_20 = vector.broadcast %rev3A_19 : i32 to vector<16xi32>
    %rev3A_21 = tpu.iota {dimensions = array<i32: 0>} : vector<16xi32>
    %rev3A_22 = arith.subi %rev3A_20, %rev3A_21 : vector<16xi32>
    %rev3A_23 = tpu.dynamic_gather %masked_cumsum3A[%rev3A_22] in [0] : vector<16xi32>, vector<16xi32> -> vector<16xi32>
    %ge3A = vector.broadcast %sub3A_10 : i32 to vector<16xi32>
    %ge3A_24 = arith.cmpi sge, %rev3A_23, %ge3A : vector<16xi32>
    %convert_element_type3A = arith.extui %ge3A_24 : vector<16xi1> to vector<16xi32>
    %reduce_sum3A = arith.constant true
    %reduce_sum3A_25 = vector.broadcast %reduce_sum3A : i1 to vector<16xi1>
    %reduce_sum3A_26 = tpu.scan <sum>, %convert_element_type3A masked %reduce_sum3A_25 : vector<16xi32>, vector<16xi1> -> vector<16xi32>
    %reduce_sum3A_27 = vector.extract %reduce_sum3A_26[15] : i32 from vector<16xi32>
    %sub3A_28 = arith.constant 1 : i32
    %sub3A_29 = arith.subi %reduce_sum3A_27, %sub3A_28 : i32
    %eq3A = vector.broadcast %sub3A_29 : i32 to vector<16xi32>
    %eq3A_30 = arith.cmpi eq, %iota3A, %eq3A : vector<16xi32>
    %jit3A = arith.constant 0 : i32
    %broadcast_in_dim3A_31 = vector.broadcast %jit3A : i32 to vector<16xi32>
    %select_n3A = arith.select %eq3A_30, %gather3A, %broadcast_in_dim3A_31 : vector<16xi1>, vector<16xi32>
    %reduce_max3A = arith.constant true
    %reduce_max3A_32 = vector.broadcast %reduce_max3A : i1 to vector<16xi1>
    %reduce_max3A_33 = arith.constant -2147483648 : i32
    %reduce_max3A_34 = vector.broadcast %reduce_max3A_33 : i32 to vector<16xi32>
    %reduce_max3A_35 = arith.xori %select_n3A, %reduce_max3A_34 : vector<16xi32>
    %reduce_max3A_36 = tpu.scan <max>, %reduce_max3A_35 masked %reduce_max3A_32 : vector<16xi32>, vector<16xi1> -> vector<16xi32>
    %reduce_max3A_37 = arith.xori %reduce_max3A_36, %reduce_max3A_34 : vector<16xi32>
    %reduce_max3A_38 = vector.extract %reduce_max3A_37[15] : i32 from vector<16xi32>
    %eq3A_39 = vector.broadcast %sub3A_29 : i32 to vector<16xi32>
    %eq3A_40 = arith.cmpi eq, %iota3A, %eq3A_39 : vector<16xi32>
    %jit3A_41 = arith.constant 0 : i32
    %broadcast_in_dim3A_42 = vector.broadcast %jit3A_41 : i32 to vector<16xi32>
    %select_n3A_43 = arith.select %eq3A_40, %rev3A_23, %broadcast_in_dim3A_42 : vector<16xi1>, vector<16xi32>
    %reduce_max3A_44 = arith.constant true
    %reduce_max3A_45 = vector.broadcast %reduce_max3A_44 : i1 to vector<16xi1>
    %reduce_max3A_46 = arith.constant -2147483648 : i32
    %reduce_max3A_47 = vector.broadcast %reduce_max3A_46 : i32 to vector<16xi32>
    %reduce_max3A_48 = arith.xori %select_n3A_43, %reduce_max3A_47 : vector<16xi32>
    %reduce_max3A_49 = tpu.scan <max>, %reduce_max3A_48 masked %reduce_max3A_45 : vector<16xi32>, vector<16xi1> -> vector<16xi32>
    %reduce_max3A_50 = arith.xori %reduce_max3A_49, %reduce_max3A_47 : vector<16xi32>
    %reduce_max3A_51 = vector.extract %reduce_max3A_50[15] : i32 from vector<16xi32>
    %sub3A_52 = arith.subi %reduce_max3A_51, %reduce_max3A_38 : i32
    %mul3A_53 = arith.constant 16 : i32
    %mul3A_54 = arith.muli %sub3A_29, %mul3A_53 : i32
    %get3A = arith.index_cast %mul3A_54 : i32 to index
    %get3A_55 = tpu.vector_load %arg7[%get3A] {strides = array<i32>} : memref<256xi32, #tpu.memory_space<vmem>>, vector<16xi32>,
    %add3A_56 = vector.broadcast %sub3A_52 : i32 to vector<16xi32>
    %add3A_57 = arith.addi %get3A_55, %add3A_56 : vector<16xi32>
    %ge3A_58 = vector.broadcast %sub3A_10 : i32 to vector<16xi32>
    %ge3A_59 = arith.cmpi sge, %add3A_57, %ge3A_58 : vector<16xi32>
    %convert_element_type3A_60 = arith.extui %ge3A_59 : vector<16xi1> to vector<16xi32>
    %reduce_sum3A_61 = arith.constant true
    %reduce_sum3A_62 = vector.broadcast %reduce_sum3A_61 : i1 to vector<16xi1>
    %reduce_sum3A_63 = tpu.scan <sum>, %convert_element_type3A_60 masked %reduce_sum3A_62 : vector<16xi32>, vector<16xi1> -> vector<16xi32>
    %reduce_sum3A_64 = vector.extract %reduce_sum3A_63[15] : i32 from vector<16xi32>
    %sub3A_65 = arith.constant 1 : i32
    %sub3A_66 = arith.subi %reduce_sum3A_64, %sub3A_65 : i32
    %mul3A_67 = arith.constant 16 : i32
    %mul3A_68 = arith.muli %sub3A_29, %mul3A_67 : i32
    %add3A_69 = arith.addi %mul3A_68, %sub3A_66 : i32
    %eq3A_70 = vector.broadcast %sub3A_66 : i32 to vector<16xi32>
    %eq3A_71 = arith.cmpi eq, %iota3A, %eq3A_70 : vector<16xi32>
    %jit3A_72 = arith.constant 0 : i32
    %broadcast_in_dim3A_73 = vector.broadcast %jit3A_72 : i32 to vector<16xi32>
    %select_n3A_74 = arith.select %eq3A_71, %add3A_57, %broadcast_in_dim3A_73 : vector<16xi1>, vector<16xi32>
    %reduce_max3A_75 = arith.constant true
    %reduce_max3A_76 = vector.broadcast %reduce_max3A_75 : i1 to vector<16xi1>
    %reduce_max3A_77 = arith.constant -2147483648 : i32
    %reduce_max3A_78 = vector.broadcast %reduce_max3A_77 : i32 to vector<16xi32>
    %reduce_max3A_79 = arith.xori %select_n3A_74, %reduce_max3A_78 : vector<16xi32>
    %reduce_max3A_80 = tpu.scan <max>, %reduce_max3A_79 masked %reduce_max3A_76 : vector<16xi32>, vector<16xi1> -> vector<16xi32>
    %reduce_max3A_81 = arith.xori %reduce_max3A_80, %reduce_max3A_78 : vector<16xi32>
    %reduce_max3A_82 = vector.extract %reduce_max3A_81[15] : i32 from vector<16xi32>
    %mul3A_83 = arith.constant 16 : i32
    %mul3A_84 = arith.muli %sub3A_29, %mul3A_83 : i32
    %get3A_85 = arith.index_cast %mul3A_84 : i32 to index
    %get3A_86 = tpu.vector_load %arg8[%get3A_85] {strides = array<i32>} : memref<256xi32, #tpu.memory_space<vmem>>, vector<16xi32>,
    %eq3A_87 = vector.broadcast %sub3A_66 : i32 to vector<16xi32>
    %eq3A_88 = arith.cmpi eq, %iota3A, %eq3A_87 : vector<16xi32>
    %jit3A_89 = arith.constant 0 : i32
    %broadcast_in_dim3A_90 = vector.broadcast %jit3A_89 : i32 to vector<16xi32>
    %select_n3A_91 = arith.select %eq3A_88, %get3A_86, %broadcast_in_dim3A_90 : vector<16xi1>, vector<16xi32>
    %reduce_max3A_92 = arith.constant true
    %reduce_max3A_93 = vector.broadcast %reduce_max3A_92 : i1 to vector<16xi1>
    %reduce_max3A_94 = arith.constant -2147483648 : i32
    %reduce_max3A_95 = vector.broadcast %reduce_max3A_94 : i32 to vector<16xi32>
    %reduce_max3A_96 = arith.xori %select_n3A_91, %reduce_max3A_95 : vector<16xi32>
    %reduce_max3A_97 = tpu.scan <max>, %reduce_max3A_96 masked %reduce_max3A_93 : vector<16xi32>, vector<16xi1> -> vector<16xi32>
    %reduce_max3A_98 = arith.xori %reduce_max3A_97, %reduce_max3A_95 : vector<16xi32>
    %reduce_max3A_99 = vector.extract %reduce_max3A_98[15] : i32 from vector<16xi32>
    %add3A_100 = arith.constant 0 : i32
    %add3A_101 = arith.addi %add3A_100, %reduce_max3A_82 : i32
    %sub3A_102 = arith.subi %add3A_101, %reduce_max3A_99 : i32
    %shift_left3A = arith.constant 23 : i32
    %shift_left3A_103 = arith.shli %add3A_69, %shift_left3A : i32
    %or3A = arith.constant 0 : i32
    %or3A_104 = arith.ori %or3A, %shift_left3A_103 : i32
    %parallel_loop3A_105 = arith.constant 0 : i32
    %parallel_loop3A_106 = arith.constant 64 : i32
    %parallel_loop3A_107 = arith.constant 1 : i32
    scf.for %parallel_loop3A_464 = %parallel_loop3A_105 to %parallel_loop3A_106 step %parallel_loop3A_107  : i32 {
      %parallel_loop3A_465 = arith.constant 0 : i32
      %parallel_loop3A_466 = vector.broadcast %parallel_loop3A_465 : i32 to vector<16xi32>
      %parallel_loop3A_467 = arith.constant 16 : i32
      %parallel_loop3A_468 = arith.muli %parallel_loop3A_464, %parallel_loop3A_467 : i32
      %parallel_loop3A_469 = arith.index_cast %parallel_loop3A_468 : i32 to index
      %parallel_loop3A_470 = tpu.vector_load %arg6[%parallel_loop3A_469] {strides = array<i32>} : memref<1024xi32, #tpu.memory_space<vmem>>, vector<16xi32>,
      tpu.vector_store %arg6[%parallel_loop3A_469], %parallel_loop3A_466 {strides = array<i32>} : memref<1024xi32, #tpu.memory_space<vmem>>, vector<16xi32>,
    } {sc.loop_unroll_factor = 1 : i64, sc.parallel_access}
    %shift_right_arithmetic3A = arith.constant 23 : i32
    %shift_right_arithmetic3A_108 = arith.shrsi %or3A_104, %shift_right_arithmetic3A : i32
    %parallel_loop3A_109 = arith.constant 0 : i32
    %parallel_loop3A_110 = arith.constant 128 : i32
    %parallel_loop3A_111 = arith.constant 4 : i32
    scf.for %parallel_loop3A_464 = %parallel_loop3A_109 to %parallel_loop3A_110 step %parallel_loop3A_111  : i32 {
      %parallel_loop3A_465 = arith.constant 0 : i32
      %parallel_loop3A_466 = arith.addi %parallel_loop3A_464, %parallel_loop3A_465 : i32
      %parallel_loop3A_467 = arith.constant 16 : i32
      %parallel_loop3A_468 = arith.muli %parallel_loop3A_466, %parallel_loop3A_467 : i32
      %parallel_loop3A_469 = arith.index_cast %parallel_loop3A_468 : i32 to index
      %parallel_loop3A_470 = tpu.vector_load %arg5[%parallel_loop3A_469] {strides = array<i32>} : memref<2048xi32, #tpu.memory_space<vmem>>, vector<16xi32>,
      %parallel_loop3A_471 = arith.constant 23 : i32
      %parallel_loop3A_472 = vector.broadcast %parallel_loop3A_471 : i32 to vector<16xi32>
      %parallel_loop3A_473 = arith.shrsi %parallel_loop3A_470, %parallel_loop3A_472 : vector<16xi32>
      %parallel_loop3A_474 = vector.broadcast %shift_right_arithmetic3A_108 : i32 to vector<16xi32>
      %parallel_loop3A_475 = arith.cmpi eq, %parallel_loop3A_473, %parallel_loop3A_474 : vector<16xi32>
      %parallel_loop3A_476 = arith.constant 15 : i32
      %parallel_loop3A_477 = vector.broadcast %parallel_loop3A_476 : i32 to vector<16xi32>
      %parallel_loop3A_478 = arith.shrsi %parallel_loop3A_470, %parallel_loop3A_477 : vector<16xi32>
      %parallel_loop3A_479 = arith.constant 255 : i32
      %parallel_loop3A_480 = vector.broadcast %parallel_loop3A_479 : i32 to vector<16xi32>
      %parallel_loop3A_481 = arith.andi %parallel_loop3A_478, %parallel_loop3A_480 : vector<16xi32>
      %parallel_loop3A_482 = arith.constant 0 : i32
      %parallel_loop3A_483 = vector.broadcast %parallel_loop3A_482 : i32 to vector<16xi32>
      %parallel_loop3A_484 = arith.addi %parallel_loop3A_481, %parallel_loop3A_483 : vector<16xi32>
      %parallel_loop3A_485, %parallel_loop3A_486 = tpu.scan_count mask(%parallel_loop3A_475 : vector<16xi1>) value(%parallel_loop3A_484 : vector<16xi32>) : vector<16xi1>, vector<16xi32>
      tpu.vector_store_idx %arg6[%parallel_loop3A_484], %parallel_loop3A_486 masked %parallel_loop3A_485 {add = true} : memref<1024xi32, #tpu.memory_space<vmem>>[vector<16xi32>], vector<16xi32>, vector<16xi1>
      %parallel_loop3A_487 = arith.constant 1 : i32
      %parallel_loop3A_488 = arith.addi %parallel_loop3A_464, %parallel_loop3A_487 : i32
      %parallel_loop3A_489 = arith.constant 16 : i32
      %parallel_loop3A_490 = arith.muli %parallel_loop3A_488, %parallel_loop3A_489 : i32
      %parallel_loop3A_491 = arith.index_cast %parallel_loop3A_490 : i32 to index
      %parallel_loop3A_492 = tpu.vector_load %arg5[%parallel_loop3A_491] {strides = array<i32>} : memref<2048xi32, #tpu.memory_space<vmem>>, vector<16xi32>,
      %parallel_loop3A_493 = arith.constant 23 : i32
      %parallel_loop3A_494 = vector.broadcast %parallel_loop3A_493 : i32 to vector<16xi32>
      %parallel_loop3A_495 = arith.shrsi %parallel_loop3A_492, %parallel_loop3A_494 : vector<16xi32>
      %parallel_loop3A_496 = vector.broadcast %shift_right_arithmetic3A_108 : i32 to vector<16xi32>
      %parallel_loop3A_497 = arith.cmpi eq, %parallel_loop3A_495, %parallel_loop3A_496 : vector<16xi32>
      %parallel_loop3A_498 = arith.constant 15 : i32
      %parallel_loop3A_499 = vector.broadcast %parallel_loop3A_498 : i32 to vector<16xi32>
      %parallel_loop3A_500 = arith.shrsi %parallel_loop3A_492, %parallel_loop3A_499 : vector<16xi32>
      %parallel_loop3A_501 = arith.constant 255 : i32
      %parallel_loop3A_502 = vector.broadcast %parallel_loop3A_501 : i32 to vector<16xi32>
      %parallel_loop3A_503 = arith.andi %parallel_loop3A_500, %parallel_loop3A_502 : vector<16xi32>
      %parallel_loop3A_504 = arith.constant 256 : i32
      %parallel_loop3A_505 = vector.broadcast %parallel_loop3A_504 : i32 to vector<16xi32>
      %parallel_loop3A_506 = arith.addi %parallel_loop3A_503, %parallel_loop3A_505 : vector<16xi32>
      %parallel_loop3A_507, %parallel_loop3A_508 = tpu.scan_count mask(%parallel_loop3A_497 : vector<16xi1>) value(%parallel_loop3A_506 : vector<16xi32>) : vector<16xi1>, vector<16xi32>
      tpu.vector_store_idx %arg6[%parallel_loop3A_506], %parallel_loop3A_508 masked %parallel_loop3A_507 {add = true} : memref<1024xi32, #tpu.memory_space<vmem>>[vector<16xi32>], vector<16xi32>, vector<16xi1>
      %parallel_loop3A_509 = arith.constant 2 : i32
      %parallel_loop3A_510 = arith.addi %parallel_loop3A_464, %parallel_loop3A_509 : i32
      %parallel_loop3A_511 = arith.constant 16 : i32
      %parallel_loop3A_512 = arith.muli %parallel_loop3A_510, %parallel_loop3A_511 : i32
      %parallel_loop3A_513 = arith.index_cast %parallel_loop3A_512 : i32 to index
      %parallel_loop3A_514 = tpu.vector_load %arg5[%parallel_loop3A_513] {strides = array<i32>} : memref<2048xi32, #tpu.memory_space<vmem>>, vector<16xi32>,
      %parallel_loop3A_515 = arith.constant 23 : i32
      %parallel_loop3A_516 = vector.broadcast %parallel_loop3A_515 : i32 to vector<16xi32>
      %parallel_loop3A_517 = arith.shrsi %parallel_loop3A_514, %parallel_loop3A_516 : vector<16xi32>
      %parallel_loop3A_518 = vector.broadcast %shift_right_arithmetic3A_108 : i32 to vector<16xi32>
      %parallel_loop3A_519 = arith.cmpi eq, %parallel_loop3A_517, %parallel_loop3A_518 : vector<16xi32>
      %parallel_loop3A_520 = arith.constant 15 : i32
      %parallel_loop3A_521 = vector.broadcast %parallel_loop3A_520 : i32 to vector<16xi32>
      %parallel_loop3A_522 = arith.shrsi %parallel_loop3A_514, %parallel_loop3A_521 : vector<16xi32>
      %parallel_loop3A_523 = arith.constant 255 : i32
      %parallel_loop3A_524 = vector.broadcast %parallel_loop3A_523 : i32 to vector<16xi32>
      %parallel_loop3A_525 = arith.andi %parallel_loop3A_522, %parallel_loop3A_524 : vector<16xi32>
      %parallel_loop3A_526 = arith.constant 512 : i32
      %parallel_loop3A_527 = vector.broadcast %parallel_loop3A_526 : i32 to vector<16xi32>
      %parallel_loop3A_528 = arith.addi %parallel_loop3A_525, %parallel_loop3A_527 : vector<16xi32>
      %parallel_loop3A_529, %parallel_loop3A_530 = tpu.scan_count mask(%parallel_loop3A_519 : vector<16xi1>) value(%parallel_loop3A_528 : vector<16xi32>) : vector<16xi1>, vector<16xi32>
      tpu.vector_store_idx %arg6[%parallel_loop3A_528], %parallel_loop3A_530 masked %parallel_loop3A_529 {add = true} : memref<1024xi32, #tpu.memory_space<vmem>>[vector<16xi32>], vector<16xi32>, vector<16xi1>
      %parallel_loop3A_531 = arith.constant 3 : i32
      %parallel_loop3A_532 = arith.addi %parallel_loop3A_464, %parallel_loop3A_531 : i32
      %parallel_loop3A_533 = arith.constant 16 : i32
      %parallel_loop3A_534 = arith.muli %parallel_loop3A_532, %parallel_loop3A_533 : i32
      %parallel_loop3A_535 = arith.index_cast %parallel_loop3A_534 : i32 to index
      %parallel_loop3A_536 = tpu.vector_load %arg5[%parallel_loop3A_535] {strides = array<i32>} : memref<2048xi32, #tpu.memory_space<vmem>>, vector<16xi32>,
      %parallel_loop3A_537 = arith.constant 23 : i32
      %parallel_loop3A_538 = vector.broadcast %parallel_loop3A_537 : i32 to vector<16xi32>
      %parallel_loop3A_539 = arith.shrsi %parallel_loop3A_536, %parallel_loop3A_538 : vector<16xi32>
      %parallel_loop3A_540 = vector.broadcast %shift_right_arithmetic3A_108 : i32 to vector<16xi32>
      %parallel_loop3A_541 = arith.cmpi eq, %parallel_loop3A_539, %parallel_loop3A_540 : vector<16xi32>
      %parallel_loop3A_542 = arith.constant 15 : i32
      %parallel_loop3A_543 = vector.broadcast %parallel_loop3A_542 : i32 to vector<16xi32>
      %parallel_loop3A_544 = arith.shrsi %parallel_loop3A_536, %parallel_loop3A_543 : vector<16xi32>
      %parallel_loop3A_545 = arith.constant 255 : i32
      %parallel_loop3A_546 = vector.broadcast %parallel_loop3A_545 : i32 to vector<16xi32>
      %parallel_loop3A_547 = arith.andi %parallel_loop3A_544, %parallel_loop3A_546 : vector<16xi32>
      %parallel_loop3A_548 = arith.constant 768 : i32
      %parallel_loop3A_549 = vector.broadcast %parallel_loop3A_548 : i32 to vector<16xi32>
      %parallel_loop3A_550 = arith.addi %parallel_loop3A_547, %parallel_loop3A_549 : vector<16xi32>
      %parallel_loop3A_551, %parallel_loop3A_552 = tpu.scan_count mask(%parallel_loop3A_541 : vector<16xi1>) value(%parallel_loop3A_550 : vector<16xi32>) : vector<16xi1>, vector<16xi32>
      tpu.vector_store_idx %arg6[%parallel_loop3A_550], %parallel_loop3A_552 masked %parallel_loop3A_551 {add = true} : memref<1024xi32, #tpu.memory_space<vmem>>[vector<16xi32>], vector<16xi32>, vector<16xi1>
    } {sc.loop_unroll_factor = 1 : i64, sc.parallel_access}
    %parallel_loop3A_112 = arith.constant 0 : i32
    %parallel_loop3A_113 = arith.constant 16 : i32
    %parallel_loop3A_114 = arith.constant 1 : i32
    scf.for %parallel_loop3A_464 = %parallel_loop3A_112 to %parallel_loop3A_113 step %parallel_loop3A_114  : i32 {
      %parallel_loop3A_465 = arith.constant 16 : i32
      %parallel_loop3A_466 = arith.muli %parallel_loop3A_464, %parallel_loop3A_465 : i32
      %parallel_loop3A_467 = arith.index_cast %parallel_loop3A_466 : i32 to index
      %parallel_loop3A_468 = tpu.vector_load %arg6[%parallel_loop3A_467] {strides = array<i32>} : memref<1024xi32, #tpu.memory_space<vmem>>, vector<16xi32>,
      %parallel_loop3A_469 = arith.constant 16 : i32
      %parallel_loop3A_470 = arith.muli %parallel_loop3A_464, %parallel_loop3A_469 : i32
      %parallel_loop3A_471 = arith.constant 256 : i32
      %parallel_loop3A_472 = arith.addi %parallel_loop3A_471, %parallel_loop3A_470 : i32
      %parallel_loop3A_473 = arith.index_cast %parallel_loop3A_472 : i32 to index
      %parallel_loop3A_474 = tpu.vector_load %arg6[%parallel_loop3A_473] {strides = array<i32>} : memref<1024xi32, #tpu.memory_space<vmem>>, vector<16xi32>,
      %parallel_loop3A_475 = arith.addi %parallel_loop3A_468, %parallel_loop3A_474 : vector<16xi32>
      %parallel_loop3A_476 = arith.constant 16 : i32
      %parallel_loop3A_477 = arith.muli %parallel_loop3A_464, %parallel_loop3A_476 : i32
      %parallel_loop3A_478 = arith.constant 512 : i32
      %parallel_loop3A_479 = arith.addi %parallel_loop3A_478, %parallel_loop3A_477 : i32
      %parallel_loop3A_480 = arith.index_cast %parallel_loop3A_479 : i32 to index
      %parallel_loop3A_481 = tpu.vector_load %arg6[%parallel_loop3A_480] {strides = array<i32>} : memref<1024xi32, #tpu.memory_space<vmem>>, vector<16xi32>,
      %parallel_loop3A_482 = arith.addi %parallel_loop3A_475, %parallel_loop3A_481 : vector<16xi32>
      %parallel_loop3A_483 = arith.constant 16 : i32
      %parallel_loop3A_484 = arith.muli %parallel_loop3A_464, %parallel_loop3A_483 : i32
      %parallel_loop3A_485 = arith.constant 768 : i32
      %parallel_loop3A_486 = arith.addi %parallel_loop3A_485, %parallel_loop3A_484 : i32
      %parallel_loop3A_487 = arith.index_cast %parallel_loop3A_486 : i32 to index
      %parallel_loop3A_488 = tpu.vector_load %arg6[%parallel_loop3A_487] {strides = array<i32>} : memref<1024xi32, #tpu.memory_space<vmem>>, vector<16xi32>,
      %parallel_loop3A_489 = arith.addi %parallel_loop3A_482, %parallel_loop3A_488 : vector<16xi32>
      %parallel_loop3A_490 = arith.index_cast %parallel_loop3A_466 : i32 to index
      %parallel_loop3A_491 = tpu.vector_load %arg8[%parallel_loop3A_490] {strides = array<i32>} : memref<256xi32, #tpu.memory_space<vmem>>, vector<16xi32>,
      tpu.vector_store %arg8[%parallel_loop3A_490], %parallel_loop3A_489 {strides = array<i32>} : memref<256xi32, #tpu.memory_space<vmem>>, vector<16xi32>,
      %parallel_loop3A_492 = arith.constant 15 : i32
      %parallel_loop3A_493 = vector.broadcast %parallel_loop3A_492 : i32 to vector<16xi32>
      %parallel_loop3A_494 = tpu.iota {dimensions = array<i32: 0>} : vector<16xi32>
      %parallel_loop3A_495 = arith.subi %parallel_loop3A_493, %parallel_loop3A_494 : vector<16xi32>
      %parallel_loop3A_496 = tpu.dynamic_gather %parallel_loop3A_489[%parallel_loop3A_495] in [0] : vector<16xi32>, vector<16xi32> -> vector<16xi32>
      %parallel_loop3A_497 = arith.constant true
      %parallel_loop3A_498 = vector.broadcast %parallel_loop3A_497 : i1 to vector<16xi1>
      %parallel_loop3A_499 = tpu.scan <sum>, %parallel_loop3A_496 masked %parallel_loop3A_498 : vector<16xi32>, vector<16xi1> -> vector<16xi32>
      %parallel_loop3A_500 = arith.constant 15 : i32
      %parallel_loop3A_501 = vector.broadcast %parallel_loop3A_500 : i32 to vector<16xi32>
      %parallel_loop3A_502 = tpu.iota {dimensions = array<i32: 0>} : vector<16xi32>
      %parallel_loop3A_503 = arith.subi %parallel_loop3A_501, %parallel_loop3A_502 : vector<16xi32>
      %parallel_loop3A_504 = tpu.dynamic_gather %parallel_loop3A_499[%parallel_loop3A_503] in [0] : vector<16xi32>, vector<16xi32> -> vector<16xi32>
      %parallel_loop3A_505 = arith.index_cast %parallel_loop3A_466 : i32 to index
      %parallel_loop3A_506 = tpu.vector_load %arg7[%parallel_loop3A_505] {strides = array<i32>} : memref<256xi32, #tpu.memory_space<vmem>>, vector<16xi32>,
      tpu.vector_store %arg7[%parallel_loop3A_505], %parallel_loop3A_504 {strides = array<i32>} : memref<256xi32, #tpu.memory_space<vmem>>, vector<16xi32>,
    } {sc.loop_unroll_factor = 1 : i64, sc.parallel_access}
    %sub3A_115 = arith.constant 256 : i32
    %sub3A_116 = arith.subi %sub3A_115, %sub3A_102 : i32
    %mul3A_117 = arith.constant 16 : i32
    %mul3A_118 = vector.broadcast %mul3A_117 : i32 to vector<16xi32>
    %mul3A_119 = arith.muli %iota3A, %mul3A_118 : vector<16xi32>
    %gather3A_120 = tpu.vector_load_idx %arg7[%mul3A_119] : memref<256xi32, #tpu.memory_space<vmem>>[vector<16xi32>], vector<16xi32>,
    %rev3A_121 = arith.constant 15 : i32
    %rev3A_122 = vector.broadcast %rev3A_121 : i32 to vector<16xi32>
    %rev3A_123 = tpu.iota {dimensions = array<i32: 0>} : vector<16xi32>
    %rev3A_124 = arith.subi %rev3A_122, %rev3A_123 : vector<16xi32>
    %rev3A_125 = tpu.dynamic_gather %gather3A_120[%rev3A_124] in [0] : vector<16xi32>, vector<16xi32> -> vector<16xi32>
    %broadcast_in_dim3A_126 = arith.constant true
    %broadcast_in_dim3A_127 = vector.broadcast %broadcast_in_dim3A_126 : i1 to vector<16xi1>
    %masked_cumsum3A_128 = tpu.scan <sum>, %rev3A_125 masked %broadcast_in_dim3A_127 : vector<16xi32>, vector<16xi1> -> vector<16xi32>
    %rev3A_129 = arith.constant 15 : i32
    %rev3A_130 = vector.broadcast %rev3A_129 : i32 to vector<16xi32>
    %rev3A_131 = tpu.iota {dimensions = array<i32: 0>} : vector<16xi32>
    %rev3A_132 = arith.subi %rev3A_130, %rev3A_131 : vector<16xi32>
    %rev3A_133 = tpu.dynamic_gather %masked_cumsum3A_128[%rev3A_132] in [0] : vector<16xi32>, vector<16xi32> -> vector<16xi32>
    %ge3A_134 = vector.broadcast %sub3A_116 : i32 to vector<16xi32>
    %ge3A_135 = arith.cmpi sge, %rev3A_133, %ge3A_134 : vector<16xi32>
    %convert_element_type3A_136 = arith.extui %ge3A_135 : vector<16xi1> to vector<16xi32>
    %reduce_sum3A_137 = arith.constant true
    %reduce_sum3A_138 = vector.broadcast %reduce_sum3A_137 : i1 to vector<16xi1>
    %reduce_sum3A_139 = tpu.scan <sum>, %convert_element_type3A_136 masked %reduce_sum3A_138 : vector<16xi32>, vector<16xi1> -> vector<16xi32>
    %reduce_sum3A_140 = vector.extract %reduce_sum3A_139[15] : i32 from vector<16xi32>
    %sub3A_141 = arith.constant 1 : i32
    %sub3A_142 = arith.subi %reduce_sum3A_140, %sub3A_141 : i32
    %eq3A_143 = vector.broadcast %sub3A_142 : i32 to vector<16xi32>
    %eq3A_144 = arith.cmpi eq, %iota3A, %eq3A_143 : vector<16xi32>
    %jit3A_145 = arith.constant 0 : i32
    %broadcast_in_dim3A_146 = vector.broadcast %jit3A_145 : i32 to vector<16xi32>
    %select_n3A_147 = arith.select %eq3A_144, %gather3A_120, %broadcast_in_dim3A_146 : vector<16xi1>, vector<16xi32>
    %reduce_max3A_148 = arith.constant true
    %reduce_max3A_149 = vector.broadcast %reduce_max3A_148 : i1 to vector<16xi1>
    %reduce_max3A_150 = arith.constant -2147483648 : i32
    %reduce_max3A_151 = vector.broadcast %reduce_max3A_150 : i32 to vector<16xi32>
    %reduce_max3A_152 = arith.xori %select_n3A_147, %reduce_max3A_151 : vector<16xi32>
    %reduce_max3A_153 = tpu.scan <max>, %reduce_max3A_152 masked %reduce_max3A_149 : vector<16xi32>, vector<16xi1> -> vector<16xi32>
    %reduce_max3A_154 = arith.xori %reduce_max3A_153, %reduce_max3A_151 : vector<16xi32>
    %reduce_max3A_155 = vector.extract %reduce_max3A_154[15] : i32 from vector<16xi32>
    %eq3A_156 = vector.broadcast %sub3A_142 : i32 to vector<16xi32>
    %eq3A_157 = arith.cmpi eq, %iota3A, %eq3A_156 : vector<16xi32>
    %jit3A_158 = arith.constant 0 : i32
    %broadcast_in_dim3A_159 = vector.broadcast %jit3A_158 : i32 to vector<16xi32>
    %select_n3A_160 = arith.select %eq3A_157, %rev3A_133, %broadcast_in_dim3A_159 : vector<16xi1>, vector<16xi32>
    %reduce_max3A_161 = arith.constant true
    %reduce_max3A_162 = vector.broadcast %reduce_max3A_161 : i1 to vector<16xi1>
    %reduce_max3A_163 = arith.constant -2147483648 : i32
    %reduce_max3A_164 = vector.broadcast %reduce_max3A_163 : i32 to vector<16xi32>
    %reduce_max3A_165 = arith.xori %select_n3A_160, %reduce_max3A_164 : vector<16xi32>
    %reduce_max3A_166 = tpu.scan <max>, %reduce_max3A_165 masked %reduce_max3A_162 : vector<16xi32>, vector<16xi1> -> vector<16xi32>
    %reduce_max3A_167 = arith.xori %reduce_max3A_166, %reduce_max3A_164 : vector<16xi32>
    %reduce_max3A_168 = vector.extract %reduce_max3A_167[15] : i32 from vector<16xi32>
    %sub3A_169 = arith.subi %reduce_max3A_168, %reduce_max3A_155 : i32
    %mul3A_170 = arith.constant 16 : i32
    %mul3A_171 = arith.muli %sub3A_142, %mul3A_170 : i32
    %get3A_172 = arith.index_cast %mul3A_171 : i32 to index
    %get3A_173 = tpu.vector_load %arg7[%get3A_172] {strides = array<i32>} : memref<256xi32, #tpu.memory_space<vmem>>, vector<16xi32>,
    %add3A_174 = vector.broadcast %sub3A_169 : i32 to vector<16xi32>
    %add3A_175 = arith.addi %get3A_173, %add3A_174 : vector<16xi32>
    %ge3A_176 = vector.broadcast %sub3A_116 : i32 to vector<16xi32>
    %ge3A_177 = arith.cmpi sge, %add3A_175, %ge3A_176 : vector<16xi32>
    %convert_element_type3A_178 = arith.extui %ge3A_177 : vector<16xi1> to vector<16xi32>
    %reduce_sum3A_179 = arith.constant true
    %reduce_sum3A_180 = vector.broadcast %reduce_sum3A_179 : i1 to vector<16xi1>
    %reduce_sum3A_181 = tpu.scan <sum>, %convert_element_type3A_178 masked %reduce_sum3A_180 : vector<16xi32>, vector<16xi1> -> vector<16xi32>
    %reduce_sum3A_182 = vector.extract %reduce_sum3A_181[15] : i32 from vector<16xi32>
    %sub3A_183 = arith.constant 1 : i32
    %sub3A_184 = arith.subi %reduce_sum3A_182, %sub3A_183 : i32
    %mul3A_185 = arith.constant 16 : i32
    %mul3A_186 = arith.muli %sub3A_142, %mul3A_185 : i32
    %add3A_187 = arith.addi %mul3A_186, %sub3A_184 : i32
    %eq3A_188 = vector.broadcast %sub3A_184 : i32 to vector<16xi32>
    %eq3A_189 = arith.cmpi eq, %iota3A, %eq3A_188 : vector<16xi32>
    %jit3A_190 = arith.constant 0 : i32
    %broadcast_in_dim3A_191 = vector.broadcast %jit3A_190 : i32 to vector<16xi32>
    %select_n3A_192 = arith.select %eq3A_189, %add3A_175, %broadcast_in_dim3A_191 : vector<16xi1>, vector<16xi32>
    %reduce_max3A_193 = arith.constant true
    %reduce_max3A_194 = vector.broadcast %reduce_max3A_193 : i1 to vector<16xi1>
    %reduce_max3A_195 = arith.constant -2147483648 : i32
    %reduce_max3A_196 = vector.broadcast %reduce_max3A_195 : i32 to vector<16xi32>
    %reduce_max3A_197 = arith.xori %select_n3A_192, %reduce_max3A_196 : vector<16xi32>
    %reduce_max3A_198 = tpu.scan <max>, %reduce_max3A_197 masked %reduce_max3A_194 : vector<16xi32>, vector<16xi1> -> vector<16xi32>
    %reduce_max3A_199 = arith.xori %reduce_max3A_198, %reduce_max3A_196 : vector<16xi32>
    %reduce_max3A_200 = vector.extract %reduce_max3A_199[15] : i32 from vector<16xi32>
    %mul3A_201 = arith.constant 16 : i32
    %mul3A_202 = arith.muli %sub3A_142, %mul3A_201 : i32
    %get3A_203 = arith.index_cast %mul3A_202 : i32 to index
    %get3A_204 = tpu.vector_load %arg8[%get3A_203] {strides = array<i32>} : memref<256xi32, #tpu.memory_space<vmem>>, vector<16xi32>,
    %eq3A_205 = vector.broadcast %sub3A_184 : i32 to vector<16xi32>
    %eq3A_206 = arith.cmpi eq, %iota3A, %eq3A_205 : vector<16xi32>
    %jit3A_207 = arith.constant 0 : i32
    %broadcast_in_dim3A_208 = vector.broadcast %jit3A_207 : i32 to vector<16xi32>
    %select_n3A_209 = arith.select %eq3A_206, %get3A_204, %broadcast_in_dim3A_208 : vector<16xi1>, vector<16xi32>
    %reduce_max3A_210 = arith.constant true
    %reduce_max3A_211 = vector.broadcast %reduce_max3A_210 : i1 to vector<16xi1>
    %reduce_max3A_212 = arith.constant -2147483648 : i32
    %reduce_max3A_213 = vector.broadcast %reduce_max3A_212 : i32 to vector<16xi32>
    %reduce_max3A_214 = arith.xori %select_n3A_209, %reduce_max3A_213 : vector<16xi32>
    %reduce_max3A_215 = tpu.scan <max>, %reduce_max3A_214 masked %reduce_max3A_211 : vector<16xi32>, vector<16xi1> -> vector<16xi32>
    %reduce_max3A_216 = arith.xori %reduce_max3A_215, %reduce_max3A_213 : vector<16xi32>
    %reduce_max3A_217 = vector.extract %reduce_max3A_216[15] : i32 from vector<16xi32>
    %add3A_218 = arith.addi %sub3A_102, %reduce_max3A_200 : i32
    %sub3A_219 = arith.subi %add3A_218, %reduce_max3A_217 : i32
    %shift_left3A_220 = arith.constant 15 : i32
    %shift_left3A_221 = arith.shli %add3A_187, %shift_left3A_220 : i32
    %or3A_222 = arith.ori %or3A_104, %shift_left3A_221 : i32
    %parallel_loop3A_223 = arith.constant 0 : i32
    %parallel_loop3A_224 = arith.constant 64 : i32
    %parallel_loop3A_225 = arith.constant 1 : i32
    scf.for %parallel_loop3A_464 = %parallel_loop3A_223 to %parallel_loop3A_224 step %parallel_loop3A_225  : i32 {
      %parallel_loop3A_465 = arith.constant 0 : i32
      %parallel_loop3A_466 = vector.broadcast %parallel_loop3A_465 : i32 to vector<16xi32>
      %parallel_loop3A_467 = arith.constant 16 : i32
      %parallel_loop3A_468 = arith.muli %parallel_loop3A_464, %parallel_loop3A_467 : i32
      %parallel_loop3A_469 = arith.index_cast %parallel_loop3A_468 : i32 to index
      %parallel_loop3A_470 = tpu.vector_load %arg6[%parallel_loop3A_469] {strides = array<i32>} : memref<1024xi32, #tpu.memory_space<vmem>>, vector<16xi32>,
      tpu.vector_store %arg6[%parallel_loop3A_469], %parallel_loop3A_466 {strides = array<i32>} : memref<1024xi32, #tpu.memory_space<vmem>>, vector<16xi32>,
    } {sc.loop_unroll_factor = 1 : i64, sc.parallel_access}
    %shift_right_arithmetic3A_226 = arith.constant 15 : i32
    %shift_right_arithmetic3A_227 = arith.shrsi %or3A_222, %shift_right_arithmetic3A_226 : i32
    %parallel_loop3A_228 = arith.constant 0 : i32
    %parallel_loop3A_229 = arith.constant 128 : i32
    %parallel_loop3A_230 = arith.constant 4 : i32
    scf.for %parallel_loop3A_464 = %parallel_loop3A_228 to %parallel_loop3A_229 step %parallel_loop3A_230  : i32 {
      %parallel_loop3A_465 = arith.constant 0 : i32
      %parallel_loop3A_466 = arith.addi %parallel_loop3A_464, %parallel_loop3A_465 : i32
      %parallel_loop3A_467 = arith.constant 16 : i32
      %parallel_loop3A_468 = arith.muli %parallel_loop3A_466, %parallel_loop3A_467 : i32
      %parallel_loop3A_469 = arith.index_cast %parallel_loop3A_468 : i32 to index
      %parallel_loop3A_470 = tpu.vector_load %arg5[%parallel_loop3A_469] {strides = array<i32>} : memref<2048xi32, #tpu.memory_space<vmem>>, vector<16xi32>,
      %parallel_loop3A_471 = arith.constant 15 : i32
      %parallel_loop3A_472 = vector.broadcast %parallel_loop3A_471 : i32 to vector<16xi32>
      %parallel_loop3A_473 = arith.shrsi %parallel_loop3A_470, %parallel_loop3A_472 : vector<16xi32>
      %parallel_loop3A_474 = vector.broadcast %shift_right_arithmetic3A_227 : i32 to vector<16xi32>
      %parallel_loop3A_475 = arith.cmpi eq, %parallel_loop3A_473, %parallel_loop3A_474 : vector<16xi32>
      %parallel_loop3A_476 = arith.constant 7 : i32
      %parallel_loop3A_477 = vector.broadcast %parallel_loop3A_476 : i32 to vector<16xi32>
      %parallel_loop3A_478 = arith.shrsi %parallel_loop3A_470, %parallel_loop3A_477 : vector<16xi32>
      %parallel_loop3A_479 = arith.constant 255 : i32
      %parallel_loop3A_480 = vector.broadcast %parallel_loop3A_479 : i32 to vector<16xi32>
      %parallel_loop3A_481 = arith.andi %parallel_loop3A_478, %parallel_loop3A_480 : vector<16xi32>
      %parallel_loop3A_482 = arith.constant 0 : i32
      %parallel_loop3A_483 = vector.broadcast %parallel_loop3A_482 : i32 to vector<16xi32>
      %parallel_loop3A_484 = arith.addi %parallel_loop3A_481, %parallel_loop3A_483 : vector<16xi32>
      %parallel_loop3A_485, %parallel_loop3A_486 = tpu.scan_count mask(%parallel_loop3A_475 : vector<16xi1>) value(%parallel_loop3A_484 : vector<16xi32>) : vector<16xi1>, vector<16xi32>
      tpu.vector_store_idx %arg6[%parallel_loop3A_484], %parallel_loop3A_486 masked %parallel_loop3A_485 {add = true} : memref<1024xi32, #tpu.memory_space<vmem>>[vector<16xi32>], vector<16xi32>, vector<16xi1>
      %parallel_loop3A_487 = arith.constant 1 : i32
      %parallel_loop3A_488 = arith.addi %parallel_loop3A_464, %parallel_loop3A_487 : i32
      %parallel_loop3A_489 = arith.constant 16 : i32
      %parallel_loop3A_490 = arith.muli %parallel_loop3A_488, %parallel_loop3A_489 : i32
      %parallel_loop3A_491 = arith.index_cast %parallel_loop3A_490 : i32 to index
      %parallel_loop3A_492 = tpu.vector_load %arg5[%parallel_loop3A_491] {strides = array<i32>} : memref<2048xi32, #tpu.memory_space<vmem>>, vector<16xi32>,
      %parallel_loop3A_493 = arith.constant 15 : i32
      %parallel_loop3A_494 = vector.broadcast %parallel_loop3A_493 : i32 to vector<16xi32>
      %parallel_loop3A_495 = arith.shrsi %parallel_loop3A_492, %parallel_loop3A_494 : vector<16xi32>
      %parallel_loop3A_496 = vector.broadcast %shift_right_arithmetic3A_227 : i32 to vector<16xi32>
      %parallel_loop3A_497 = arith.cmpi eq, %parallel_loop3A_495, %parallel_loop3A_496 : vector<16xi32>
      %parallel_loop3A_498 = arith.constant 7 : i32
      %parallel_loop3A_499 = vector.broadcast %parallel_loop3A_498 : i32 to vector<16xi32>
      %parallel_loop3A_500 = arith.shrsi %parallel_loop3A_492, %parallel_loop3A_499 : vector<16xi32>
      %parallel_loop3A_501 = arith.constant 255 : i32
      %parallel_loop3A_502 = vector.broadcast %parallel_loop3A_501 : i32 to vector<16xi32>
      %parallel_loop3A_503 = arith.andi %parallel_loop3A_500, %parallel_loop3A_502 : vector<16xi32>
      %parallel_loop3A_504 = arith.constant 256 : i32
      %parallel_loop3A_505 = vector.broadcast %parallel_loop3A_504 : i32 to vector<16xi32>
      %parallel_loop3A_506 = arith.addi %parallel_loop3A_503, %parallel_loop3A_505 : vector<16xi32>
      %parallel_loop3A_507, %parallel_loop3A_508 = tpu.scan_count mask(%parallel_loop3A_497 : vector<16xi1>) value(%parallel_loop3A_506 : vector<16xi32>) : vector<16xi1>, vector<16xi32>
      tpu.vector_store_idx %arg6[%parallel_loop3A_506], %parallel_loop3A_508 masked %parallel_loop3A_507 {add = true} : memref<1024xi32, #tpu.memory_space<vmem>>[vector<16xi32>], vector<16xi32>, vector<16xi1>
      %parallel_loop3A_509 = arith.constant 2 : i32
      %parallel_loop3A_510 = arith.addi %parallel_loop3A_464, %parallel_loop3A_509 : i32
      %parallel_loop3A_511 = arith.constant 16 : i32
      %parallel_loop3A_512 = arith.muli %parallel_loop3A_510, %parallel_loop3A_511 : i32
      %parallel_loop3A_513 = arith.index_cast %parallel_loop3A_512 : i32 to index
      %parallel_loop3A_514 = tpu.vector_load %arg5[%parallel_loop3A_513] {strides = array<i32>} : memref<2048xi32, #tpu.memory_space<vmem>>, vector<16xi32>,
      %parallel_loop3A_515 = arith.constant 15 : i32
      %parallel_loop3A_516 = vector.broadcast %parallel_loop3A_515 : i32 to vector<16xi32>
      %parallel_loop3A_517 = arith.shrsi %parallel_loop3A_514, %parallel_loop3A_516 : vector<16xi32>
      %parallel_loop3A_518 = vector.broadcast %shift_right_arithmetic3A_227 : i32 to vector<16xi32>
      %parallel_loop3A_519 = arith.cmpi eq, %parallel_loop3A_517, %parallel_loop3A_518 : vector<16xi32>
      %parallel_loop3A_520 = arith.constant 7 : i32
      %parallel_loop3A_521 = vector.broadcast %parallel_loop3A_520 : i32 to vector<16xi32>
      %parallel_loop3A_522 = arith.shrsi %parallel_loop3A_514, %parallel_loop3A_521 : vector<16xi32>
      %parallel_loop3A_523 = arith.constant 255 : i32
      %parallel_loop3A_524 = vector.broadcast %parallel_loop3A_523 : i32 to vector<16xi32>
      %parallel_loop3A_525 = arith.andi %parallel_loop3A_522, %parallel_loop3A_524 : vector<16xi32>
      %parallel_loop3A_526 = arith.constant 512 : i32
      %parallel_loop3A_527 = vector.broadcast %parallel_loop3A_526 : i32 to vector<16xi32>
      %parallel_loop3A_528 = arith.addi %parallel_loop3A_525, %parallel_loop3A_527 : vector<16xi32>
      %parallel_loop3A_529, %parallel_loop3A_530 = tpu.scan_count mask(%parallel_loop3A_519 : vector<16xi1>) value(%parallel_loop3A_528 : vector<16xi32>) : vector<16xi1>, vector<16xi32>
      tpu.vector_store_idx %arg6[%parallel_loop3A_528], %parallel_loop3A_530 masked %parallel_loop3A_529 {add = true} : memref<1024xi32, #tpu.memory_space<vmem>>[vector<16xi32>], vector<16xi32>, vector<16xi1>
      %parallel_loop3A_531 = arith.constant 3 : i32
      %parallel_loop3A_532 = arith.addi %parallel_loop3A_464, %parallel_loop3A_531 : i32
      %parallel_loop3A_533 = arith.constant 16 : i32
      %parallel_loop3A_534 = arith.muli %parallel_loop3A_532, %parallel_loop3A_533 : i32
      %parallel_loop3A_535 = arith.index_cast %parallel_loop3A_534 : i32 to index
      %parallel_loop3A_536 = tpu.vector_load %arg5[%parallel_loop3A_535] {strides = array<i32>} : memref<2048xi32, #tpu.memory_space<vmem>>, vector<16xi32>,
      %parallel_loop3A_537 = arith.constant 15 : i32
      %parallel_loop3A_538 = vector.broadcast %parallel_loop3A_537 : i32 to vector<16xi32>
      %parallel_loop3A_539 = arith.shrsi %parallel_loop3A_536, %parallel_loop3A_538 : vector<16xi32>
      %parallel_loop3A_540 = vector.broadcast %shift_right_arithmetic3A_227 : i32 to vector<16xi32>
      %parallel_loop3A_541 = arith.cmpi eq, %parallel_loop3A_539, %parallel_loop3A_540 : vector<16xi32>
      %parallel_loop3A_542 = arith.constant 7 : i32
      %parallel_loop3A_543 = vector.broadcast %parallel_loop3A_542 : i32 to vector<16xi32>
      %parallel_loop3A_544 = arith.shrsi %parallel_loop3A_536, %parallel_loop3A_543 : vector<16xi32>
      %parallel_loop3A_545 = arith.constant 255 : i32
      %parallel_loop3A_546 = vector.broadcast %parallel_loop3A_545 : i32 to vector<16xi32>
      %parallel_loop3A_547 = arith.andi %parallel_loop3A_544, %parallel_loop3A_546 : vector<16xi32>
      %parallel_loop3A_548 = arith.constant 768 : i32
      %parallel_loop3A_549 = vector.broadcast %parallel_loop3A_548 : i32 to vector<16xi32>
      %parallel_loop3A_550 = arith.addi %parallel_loop3A_547, %parallel_loop3A_549 : vector<16xi32>
      %parallel_loop3A_551, %parallel_loop3A_552 = tpu.scan_count mask(%parallel_loop3A_541 : vector<16xi1>) value(%parallel_loop3A_550 : vector<16xi32>) : vector<16xi1>, vector<16xi32>
      tpu.vector_store_idx %arg6[%parallel_loop3A_550], %parallel_loop3A_552 masked %parallel_loop3A_551 {add = true} : memref<1024xi32, #tpu.memory_space<vmem>>[vector<16xi32>], vector<16xi32>, vector<16xi1>
    } {sc.loop_unroll_factor = 1 : i64, sc.parallel_access}
    %parallel_loop3A_231 = arith.constant 0 : i32
    %parallel_loop3A_232 = arith.constant 16 : i32
    %parallel_loop3A_233 = arith.constant 1 : i32
    scf.for %parallel_loop3A_464 = %parallel_loop3A_231 to %parallel_loop3A_232 step %parallel_loop3A_233  : i32 {
      %parallel_loop3A_465 = arith.constant 16 : i32
      %parallel_loop3A_466 = arith.muli %parallel_loop3A_464, %parallel_loop3A_465 : i32
      %parallel_loop3A_467 = arith.index_cast %parallel_loop3A_466 : i32 to index
      %parallel_loop3A_468 = tpu.vector_load %arg6[%parallel_loop3A_467] {strides = array<i32>} : memref<1024xi32, #tpu.memory_space<vmem>>, vector<16xi32>,
      %parallel_loop3A_469 = arith.constant 16 : i32
      %parallel_loop3A_470 = arith.muli %parallel_loop3A_464, %parallel_loop3A_469 : i32
      %parallel_loop3A_471 = arith.constant 256 : i32
      %parallel_loop3A_472 = arith.addi %parallel_loop3A_471, %parallel_loop3A_470 : i32
      %parallel_loop3A_473 = arith.index_cast %parallel_loop3A_472 : i32 to index
      %parallel_loop3A_474 = tpu.vector_load %arg6[%parallel_loop3A_473] {strides = array<i32>} : memref<1024xi32, #tpu.memory_space<vmem>>, vector<16xi32>,
      %parallel_loop3A_475 = arith.addi %parallel_loop3A_468, %parallel_loop3A_474 : vector<16xi32>
      %parallel_loop3A_476 = arith.constant 16 : i32
      %parallel_loop3A_477 = arith.muli %parallel_loop3A_464, %parallel_loop3A_476 : i32
      %parallel_loop3A_478 = arith.constant 512 : i32
      %parallel_loop3A_479 = arith.addi %parallel_loop3A_478, %parallel_loop3A_477 : i32
      %parallel_loop3A_480 = arith.index_cast %parallel_loop3A_479 : i32 to index
      %parallel_loop3A_481 = tpu.vector_load %arg6[%parallel_loop3A_480] {strides = array<i32>} : memref<1024xi32, #tpu.memory_space<vmem>>, vector<16xi32>,
      %parallel_loop3A_482 = arith.addi %parallel_loop3A_475, %parallel_loop3A_481 : vector<16xi32>
      %parallel_loop3A_483 = arith.constant 16 : i32
      %parallel_loop3A_484 = arith.muli %parallel_loop3A_464, %parallel_loop3A_483 : i32
      %parallel_loop3A_485 = arith.constant 768 : i32
      %parallel_loop3A_486 = arith.addi %parallel_loop3A_485, %parallel_loop3A_484 : i32
      %parallel_loop3A_487 = arith.index_cast %parallel_loop3A_486 : i32 to index
      %parallel_loop3A_488 = tpu.vector_load %arg6[%parallel_loop3A_487] {strides = array<i32>} : memref<1024xi32, #tpu.memory_space<vmem>>, vector<16xi32>,
      %parallel_loop3A_489 = arith.addi %parallel_loop3A_482, %parallel_loop3A_488 : vector<16xi32>
      %parallel_loop3A_490 = arith.index_cast %parallel_loop3A_466 : i32 to index
      %parallel_loop3A_491 = tpu.vector_load %arg8[%parallel_loop3A_490] {strides = array<i32>} : memref<256xi32, #tpu.memory_space<vmem>>, vector<16xi32>,
      tpu.vector_store %arg8[%parallel_loop3A_490], %parallel_loop3A_489 {strides = array<i32>} : memref<256xi32, #tpu.memory_space<vmem>>, vector<16xi32>,
      %parallel_loop3A_492 = arith.constant 15 : i32
      %parallel_loop3A_493 = vector.broadcast %parallel_loop3A_492 : i32 to vector<16xi32>
      %parallel_loop3A_494 = tpu.iota {dimensions = array<i32: 0>} : vector<16xi32>
      %parallel_loop3A_495 = arith.subi %parallel_loop3A_493, %parallel_loop3A_494 : vector<16xi32>
      %parallel_loop3A_496 = tpu.dynamic_gather %parallel_loop3A_489[%parallel_loop3A_495] in [0] : vector<16xi32>, vector<16xi32> -> vector<16xi32>
      %parallel_loop3A_497 = arith.constant true
      %parallel_loop3A_498 = vector.broadcast %parallel_loop3A_497 : i1 to vector<16xi1>
      %parallel_loop3A_499 = tpu.scan <sum>, %parallel_loop3A_496 masked %parallel_loop3A_498 : vector<16xi32>, vector<16xi1> -> vector<16xi32>
      %parallel_loop3A_500 = arith.constant 15 : i32
      %parallel_loop3A_501 = vector.broadcast %parallel_loop3A_500 : i32 to vector<16xi32>
      %parallel_loop3A_502 = tpu.iota {dimensions = array<i32: 0>} : vector<16xi32>
      %parallel_loop3A_503 = arith.subi %parallel_loop3A_501, %parallel_loop3A_502 : vector<16xi32>
      %parallel_loop3A_504 = tpu.dynamic_gather %parallel_loop3A_499[%parallel_loop3A_503] in [0] : vector<16xi32>, vector<16xi32> -> vector<16xi32>
      %parallel_loop3A_505 = arith.index_cast %parallel_loop3A_466 : i32 to index
      %parallel_loop3A_506 = tpu.vector_load %arg7[%parallel_loop3A_505] {strides = array<i32>} : memref<256xi32, #tpu.memory_space<vmem>>, vector<16xi32>,
      tpu.vector_store %arg7[%parallel_loop3A_505], %parallel_loop3A_504 {strides = array<i32>} : memref<256xi32, #tpu.memory_space<vmem>>, vector<16xi32>,
    } {sc.loop_unroll_factor = 1 : i64, sc.parallel_access}
    %sub3A_234 = arith.constant 256 : i32
    %sub3A_235 = arith.subi %sub3A_234, %sub3A_219 : i32
    %mul3A_236 = arith.constant 16 : i32
    %mul3A_237 = vector.broadcast %mul3A_236 : i32 to vector<16xi32>
    %mul3A_238 = arith.muli %iota3A, %mul3A_237 : vector<16xi32>
    %gather3A_239 = tpu.vector_load_idx %arg7[%mul3A_238] : memref<256xi32, #tpu.memory_space<vmem>>[vector<16xi32>], vector<16xi32>,
    %rev3A_240 = arith.constant 15 : i32
    %rev3A_241 = vector.broadcast %rev3A_240 : i32 to vector<16xi32>
    %rev3A_242 = tpu.iota {dimensions = array<i32: 0>} : vector<16xi32>
    %rev3A_243 = arith.subi %rev3A_241, %rev3A_242 : vector<16xi32>
    %rev3A_244 = tpu.dynamic_gather %gather3A_239[%rev3A_243] in [0] : vector<16xi32>, vector<16xi32> -> vector<16xi32>
    %broadcast_in_dim3A_245 = arith.constant true
    %broadcast_in_dim3A_246 = vector.broadcast %broadcast_in_dim3A_245 : i1 to vector<16xi1>
    %masked_cumsum3A_247 = tpu.scan <sum>, %rev3A_244 masked %broadcast_in_dim3A_246 : vector<16xi32>, vector<16xi1> -> vector<16xi32>
    %rev3A_248 = arith.constant 15 : i32
    %rev3A_249 = vector.broadcast %rev3A_248 : i32 to vector<16xi32>
    %rev3A_250 = tpu.iota {dimensions = array<i32: 0>} : vector<16xi32>
    %rev3A_251 = arith.subi %rev3A_249, %rev3A_250 : vector<16xi32>
    %rev3A_252 = tpu.dynamic_gather %masked_cumsum3A_247[%rev3A_251] in [0] : vector<16xi32>, vector<16xi32> -> vector<16xi32>
    %ge3A_253 = vector.broadcast %sub3A_235 : i32 to vector<16xi32>
    %ge3A_254 = arith.cmpi sge, %rev3A_252, %ge3A_253 : vector<16xi32>
    %convert_element_type3A_255 = arith.extui %ge3A_254 : vector<16xi1> to vector<16xi32>
    %reduce_sum3A_256 = arith.constant true
    %reduce_sum3A_257 = vector.broadcast %reduce_sum3A_256 : i1 to vector<16xi1>
    %reduce_sum3A_258 = tpu.scan <sum>, %convert_element_type3A_255 masked %reduce_sum3A_257 : vector<16xi32>, vector<16xi1> -> vector<16xi32>
    %reduce_sum3A_259 = vector.extract %reduce_sum3A_258[15] : i32 from vector<16xi32>
    %sub3A_260 = arith.constant 1 : i32
    %sub3A_261 = arith.subi %reduce_sum3A_259, %sub3A_260 : i32
    %eq3A_262 = vector.broadcast %sub3A_261 : i32 to vector<16xi32>
    %eq3A_263 = arith.cmpi eq, %iota3A, %eq3A_262 : vector<16xi32>
    %jit3A_264 = arith.constant 0 : i32
    %broadcast_in_dim3A_265 = vector.broadcast %jit3A_264 : i32 to vector<16xi32>
    %select_n3A_266 = arith.select %eq3A_263, %gather3A_239, %broadcast_in_dim3A_265 : vector<16xi1>, vector<16xi32>
    %reduce_max3A_267 = arith.constant true
    %reduce_max3A_268 = vector.broadcast %reduce_max3A_267 : i1 to vector<16xi1>
    %reduce_max3A_269 = arith.constant -2147483648 : i32
    %reduce_max3A_270 = vector.broadcast %reduce_max3A_269 : i32 to vector<16xi32>
    %reduce_max3A_271 = arith.xori %select_n3A_266, %reduce_max3A_270 : vector<16xi32>
    %reduce_max3A_272 = tpu.scan <max>, %reduce_max3A_271 masked %reduce_max3A_268 : vector<16xi32>, vector<16xi1> -> vector<16xi32>
    %reduce_max3A_273 = arith.xori %reduce_max3A_272, %reduce_max3A_270 : vector<16xi32>
    %reduce_max3A_274 = vector.extract %reduce_max3A_273[15] : i32 from vector<16xi32>
    %eq3A_275 = vector.broadcast %sub3A_261 : i32 to vector<16xi32>
    %eq3A_276 = arith.cmpi eq, %iota3A, %eq3A_275 : vector<16xi32>
    %jit3A_277 = arith.constant 0 : i32
    %broadcast_in_dim3A_278 = vector.broadcast %jit3A_277 : i32 to vector<16xi32>
    %select_n3A_279 = arith.select %eq3A_276, %rev3A_252, %broadcast_in_dim3A_278 : vector<16xi1>, vector<16xi32>
    %reduce_max3A_280 = arith.constant true
    %reduce_max3A_281 = vector.broadcast %reduce_max3A_280 : i1 to vector<16xi1>
    %reduce_max3A_282 = arith.constant -2147483648 : i32
    %reduce_max3A_283 = vector.broadcast %reduce_max3A_282 : i32 to vector<16xi32>
    %reduce_max3A_284 = arith.xori %select_n3A_279, %reduce_max3A_283 : vector<16xi32>
    %reduce_max3A_285 = tpu.scan <max>, %reduce_max3A_284 masked %reduce_max3A_281 : vector<16xi32>, vector<16xi1> -> vector<16xi32>
    %reduce_max3A_286 = arith.xori %reduce_max3A_285, %reduce_max3A_283 : vector<16xi32>
    %reduce_max3A_287 = vector.extract %reduce_max3A_286[15] : i32 from vector<16xi32>
    %sub3A_288 = arith.subi %reduce_max3A_287, %reduce_max3A_274 : i32
    %mul3A_289 = arith.constant 16 : i32
    %mul3A_290 = arith.muli %sub3A_261, %mul3A_289 : i32
    %get3A_291 = arith.index_cast %mul3A_290 : i32 to index
    %get3A_292 = tpu.vector_load %arg7[%get3A_291] {strides = array<i32>} : memref<256xi32, #tpu.memory_space<vmem>>, vector<16xi32>,
    %add3A_293 = vector.broadcast %sub3A_288 : i32 to vector<16xi32>
    %add3A_294 = arith.addi %get3A_292, %add3A_293 : vector<16xi32>
    %ge3A_295 = vector.broadcast %sub3A_235 : i32 to vector<16xi32>
    %ge3A_296 = arith.cmpi sge, %add3A_294, %ge3A_295 : vector<16xi32>
    %convert_element_type3A_297 = arith.extui %ge3A_296 : vector<16xi1> to vector<16xi32>
    %reduce_sum3A_298 = arith.constant true
    %reduce_sum3A_299 = vector.broadcast %reduce_sum3A_298 : i1 to vector<16xi1>
    %reduce_sum3A_300 = tpu.scan <sum>, %convert_element_type3A_297 masked %reduce_sum3A_299 : vector<16xi32>, vector<16xi1> -> vector<16xi32>
    %reduce_sum3A_301 = vector.extract %reduce_sum3A_300[15] : i32 from vector<16xi32>
    %sub3A_302 = arith.constant 1 : i32
    %sub3A_303 = arith.subi %reduce_sum3A_301, %sub3A_302 : i32
    %mul3A_304 = arith.constant 16 : i32
    %mul3A_305 = arith.muli %sub3A_261, %mul3A_304 : i32
    %add3A_306 = arith.addi %mul3A_305, %sub3A_303 : i32
    %eq3A_307 = vector.broadcast %sub3A_303 : i32 to vector<16xi32>
    %eq3A_308 = arith.cmpi eq, %iota3A, %eq3A_307 : vector<16xi32>
    %jit3A_309 = arith.constant 0 : i32
    %broadcast_in_dim3A_310 = vector.broadcast %jit3A_309 : i32 to vector<16xi32>
    %select_n3A_311 = arith.select %eq3A_308, %add3A_294, %broadcast_in_dim3A_310 : vector<16xi1>, vector<16xi32>
    %reduce_max3A_312 = arith.constant true
    %reduce_max3A_313 = vector.broadcast %reduce_max3A_312 : i1 to vector<16xi1>
    %reduce_max3A_314 = arith.constant -2147483648 : i32
    %reduce_max3A_315 = vector.broadcast %reduce_max3A_314 : i32 to vector<16xi32>
    %reduce_max3A_316 = arith.xori %select_n3A_311, %reduce_max3A_315 : vector<16xi32>
    %reduce_max3A_317 = tpu.scan <max>, %reduce_max3A_316 masked %reduce_max3A_313 : vector<16xi32>, vector<16xi1> -> vector<16xi32>
    %reduce_max3A_318 = arith.xori %reduce_max3A_317, %reduce_max3A_315 : vector<16xi32>
    %reduce_max3A_319 = vector.extract %reduce_max3A_318[15] : i32 from vector<16xi32>
    %mul3A_320 = arith.constant 16 : i32
    %mul3A_321 = arith.muli %sub3A_261, %mul3A_320 : i32
    %get3A_322 = arith.index_cast %mul3A_321 : i32 to index
    %get3A_323 = tpu.vector_load %arg8[%get3A_322] {strides = array<i32>} : memref<256xi32, #tpu.memory_space<vmem>>, vector<16xi32>,
    %eq3A_324 = vector.broadcast %sub3A_303 : i32 to vector<16xi32>
    %eq3A_325 = arith.cmpi eq, %iota3A, %eq3A_324 : vector<16xi32>
    %jit3A_326 = arith.constant 0 : i32
    %broadcast_in_dim3A_327 = vector.broadcast %jit3A_326 : i32 to vector<16xi32>
    %select_n3A_328 = arith.select %eq3A_325, %get3A_323, %broadcast_in_dim3A_327 : vector<16xi1>, vector<16xi32>
    %reduce_max3A_329 = arith.constant true
    %reduce_max3A_330 = vector.broadcast %reduce_max3A_329 : i1 to vector<16xi1>
    %reduce_max3A_331 = arith.constant -2147483648 : i32
    %reduce_max3A_332 = vector.broadcast %reduce_max3A_331 : i32 to vector<16xi32>
    %reduce_max3A_333 = arith.xori %select_n3A_328, %reduce_max3A_332 : vector<16xi32>
    %reduce_max3A_334 = tpu.scan <max>, %reduce_max3A_333 masked %reduce_max3A_330 : vector<16xi32>, vector<16xi1> -> vector<16xi32>
    %reduce_max3A_335 = arith.xori %reduce_max3A_334, %reduce_max3A_332 : vector<16xi32>
    %reduce_max3A_336 = vector.extract %reduce_max3A_335[15] : i32 from vector<16xi32>
    %add3A_337 = arith.addi %sub3A_219, %reduce_max3A_319 : i32
    %sub3A_338 = arith.subi %add3A_337, %reduce_max3A_336 : i32
    %shift_left3A_339 = arith.constant 7 : i32
    %shift_left3A_340 = arith.shli %add3A_306, %shift_left3A_339 : i32
    %or3A_341 = arith.ori %or3A_222, %shift_left3A_340 : i32
    %parallel_loop3A_342 = arith.constant 0 : i32
    %parallel_loop3A_343 = arith.constant 64 : i32
    %parallel_loop3A_344 = arith.constant 1 : i32
    scf.for %parallel_loop3A_464 = %parallel_loop3A_342 to %parallel_loop3A_343 step %parallel_loop3A_344  : i32 {
      %parallel_loop3A_465 = arith.constant 0 : i32
      %parallel_loop3A_466 = vector.broadcast %parallel_loop3A_465 : i32 to vector<16xi32>
      %parallel_loop3A_467 = arith.constant 16 : i32
      %parallel_loop3A_468 = arith.muli %parallel_loop3A_464, %parallel_loop3A_467 : i32
      %parallel_loop3A_469 = arith.index_cast %parallel_loop3A_468 : i32 to index
      %parallel_loop3A_470 = tpu.vector_load %arg6[%parallel_loop3A_469] {strides = array<i32>} : memref<1024xi32, #tpu.memory_space<vmem>>, vector<16xi32>,
      tpu.vector_store %arg6[%parallel_loop3A_469], %parallel_loop3A_466 {strides = array<i32>} : memref<1024xi32, #tpu.memory_space<vmem>>, vector<16xi32>,
    } {sc.loop_unroll_factor = 1 : i64, sc.parallel_access}
    %shift_right_arithmetic3A_345 = arith.constant 7 : i32
    %shift_right_arithmetic3A_346 = arith.shrsi %or3A_341, %shift_right_arithmetic3A_345 : i32
    %parallel_loop3A_347 = arith.constant 0 : i32
    %parallel_loop3A_348 = arith.constant 128 : i32
    %parallel_loop3A_349 = arith.constant 4 : i32
    scf.for %parallel_loop3A_464 = %parallel_loop3A_347 to %parallel_loop3A_348 step %parallel_loop3A_349  : i32 {
      %parallel_loop3A_465 = arith.constant 0 : i32
      %parallel_loop3A_466 = arith.addi %parallel_loop3A_464, %parallel_loop3A_465 : i32
      %parallel_loop3A_467 = arith.constant 16 : i32
      %parallel_loop3A_468 = arith.muli %parallel_loop3A_466, %parallel_loop3A_467 : i32
      %parallel_loop3A_469 = arith.index_cast %parallel_loop3A_468 : i32 to index
      %parallel_loop3A_470 = tpu.vector_load %arg5[%parallel_loop3A_469] {strides = array<i32>} : memref<2048xi32, #tpu.memory_space<vmem>>, vector<16xi32>,
      %parallel_loop3A_471 = arith.constant 7 : i32
      %parallel_loop3A_472 = vector.broadcast %parallel_loop3A_471 : i32 to vector<16xi32>
      %parallel_loop3A_473 = arith.shrsi %parallel_loop3A_470, %parallel_loop3A_472 : vector<16xi32>
      %parallel_loop3A_474 = vector.broadcast %shift_right_arithmetic3A_346 : i32 to vector<16xi32>
      %parallel_loop3A_475 = arith.cmpi eq, %parallel_loop3A_473, %parallel_loop3A_474 : vector<16xi32>
      %parallel_loop3A_476 = arith.constant 0 : i32
      %parallel_loop3A_477 = vector.broadcast %parallel_loop3A_476 : i32 to vector<16xi32>
      %parallel_loop3A_478 = arith.shrsi %parallel_loop3A_470, %parallel_loop3A_477 : vector<16xi32>
      %parallel_loop3A_479 = arith.constant 127 : i32
      %parallel_loop3A_480 = vector.broadcast %parallel_loop3A_479 : i32 to vector<16xi32>
      %parallel_loop3A_481 = arith.andi %parallel_loop3A_478, %parallel_loop3A_480 : vector<16xi32>
      %parallel_loop3A_482 = arith.constant 0 : i32
      %parallel_loop3A_483 = vector.broadcast %parallel_loop3A_482 : i32 to vector<16xi32>
      %parallel_loop3A_484 = arith.addi %parallel_loop3A_481, %parallel_loop3A_483 : vector<16xi32>
      %parallel_loop3A_485, %parallel_loop3A_486 = tpu.scan_count mask(%parallel_loop3A_475 : vector<16xi1>) value(%parallel_loop3A_484 : vector<16xi32>) : vector<16xi1>, vector<16xi32>
      tpu.vector_store_idx %arg6[%parallel_loop3A_484], %parallel_loop3A_486 masked %parallel_loop3A_485 {add = true} : memref<1024xi32, #tpu.memory_space<vmem>>[vector<16xi32>], vector<16xi32>, vector<16xi1>
      %parallel_loop3A_487 = arith.constant 1 : i32
      %parallel_loop3A_488 = arith.addi %parallel_loop3A_464, %parallel_loop3A_487 : i32
      %parallel_loop3A_489 = arith.constant 16 : i32
      %parallel_loop3A_490 = arith.muli %parallel_loop3A_488, %parallel_loop3A_489 : i32
      %parallel_loop3A_491 = arith.index_cast %parallel_loop3A_490 : i32 to index
      %parallel_loop3A_492 = tpu.vector_load %arg5[%parallel_loop3A_491] {strides = array<i32>} : memref<2048xi32, #tpu.memory_space<vmem>>, vector<16xi32>,
      %parallel_loop3A_493 = arith.constant 7 : i32
      %parallel_loop3A_494 = vector.broadcast %parallel_loop3A_493 : i32 to vector<16xi32>
      %parallel_loop3A_495 = arith.shrsi %parallel_loop3A_492, %parallel_loop3A_494 : vector<16xi32>
      %parallel_loop3A_496 = vector.broadcast %shift_right_arithmetic3A_346 : i32 to vector<16xi32>
      %parallel_loop3A_497 = arith.cmpi eq, %parallel_loop3A_495, %parallel_loop3A_496 : vector<16xi32>
      %parallel_loop3A_498 = arith.constant 0 : i32
      %parallel_loop3A_499 = vector.broadcast %parallel_loop3A_498 : i32 to vector<16xi32>
      %parallel_loop3A_500 = arith.shrsi %parallel_loop3A_492, %parallel_loop3A_499 : vector<16xi32>
      %parallel_loop3A_501 = arith.constant 127 : i32
      %parallel_loop3A_502 = vector.broadcast %parallel_loop3A_501 : i32 to vector<16xi32>
      %parallel_loop3A_503 = arith.andi %parallel_loop3A_500, %parallel_loop3A_502 : vector<16xi32>
      %parallel_loop3A_504 = arith.constant 256 : i32
      %parallel_loop3A_505 = vector.broadcast %parallel_loop3A_504 : i32 to vector<16xi32>
      %parallel_loop3A_506 = arith.addi %parallel_loop3A_503, %parallel_loop3A_505 : vector<16xi32>
      %parallel_loop3A_507, %parallel_loop3A_508 = tpu.scan_count mask(%parallel_loop3A_497 : vector<16xi1>) value(%parallel_loop3A_506 : vector<16xi32>) : vector<16xi1>, vector<16xi32>
      tpu.vector_store_idx %arg6[%parallel_loop3A_506], %parallel_loop3A_508 masked %parallel_loop3A_507 {add = true} : memref<1024xi32, #tpu.memory_space<vmem>>[vector<16xi32>], vector<16xi32>, vector<16xi1>
      %parallel_loop3A_509 = arith.constant 2 : i32
      %parallel_loop3A_510 = arith.addi %parallel_loop3A_464, %parallel_loop3A_509 : i32
      %parallel_loop3A_511 = arith.constant 16 : i32
      %parallel_loop3A_512 = arith.muli %parallel_loop3A_510, %parallel_loop3A_511 : i32
      %parallel_loop3A_513 = arith.index_cast %parallel_loop3A_512 : i32 to index
      %parallel_loop3A_514 = tpu.vector_load %arg5[%parallel_loop3A_513] {strides = array<i32>} : memref<2048xi32, #tpu.memory_space<vmem>>, vector<16xi32>,
      %parallel_loop3A_515 = arith.constant 7 : i32
      %parallel_loop3A_516 = vector.broadcast %parallel_loop3A_515 : i32 to vector<16xi32>
      %parallel_loop3A_517 = arith.shrsi %parallel_loop3A_514, %parallel_loop3A_516 : vector<16xi32>
      %parallel_loop3A_518 = vector.broadcast %shift_right_arithmetic3A_346 : i32 to vector<16xi32>
      %parallel_loop3A_519 = arith.cmpi eq, %parallel_loop3A_517, %parallel_loop3A_518 : vector<16xi32>
      %parallel_loop3A_520 = arith.constant 0 : i32
      %parallel_loop3A_521 = vector.broadcast %parallel_loop3A_520 : i32 to vector<16xi32>
      %parallel_loop3A_522 = arith.shrsi %parallel_loop3A_514, %parallel_loop3A_521 : vector<16xi32>
      %parallel_loop3A_523 = arith.constant 127 : i32
      %parallel_loop3A_524 = vector.broadcast %parallel_loop3A_523 : i32 to vector<16xi32>
      %parallel_loop3A_525 = arith.andi %parallel_loop3A_522, %parallel_loop3A_524 : vector<16xi32>
      %parallel_loop3A_526 = arith.constant 512 : i32
      %parallel_loop3A_527 = vector.broadcast %parallel_loop3A_526 : i32 to vector<16xi32>
      %parallel_loop3A_528 = arith.addi %parallel_loop3A_525, %parallel_loop3A_527 : vector<16xi32>
      %parallel_loop3A_529, %parallel_loop3A_530 = tpu.scan_count mask(%parallel_loop3A_519 : vector<16xi1>) value(%parallel_loop3A_528 : vector<16xi32>) : vector<16xi1>, vector<16xi32>
      tpu.vector_store_idx %arg6[%parallel_loop3A_528], %parallel_loop3A_530 masked %parallel_loop3A_529 {add = true} : memref<1024xi32, #tpu.memory_space<vmem>>[vector<16xi32>], vector<16xi32>, vector<16xi1>
      %parallel_loop3A_531 = arith.constant 3 : i32
      %parallel_loop3A_532 = arith.addi %parallel_loop3A_464, %parallel_loop3A_531 : i32
      %parallel_loop3A_533 = arith.constant 16 : i32
      %parallel_loop3A_534 = arith.muli %parallel_loop3A_532, %parallel_loop3A_533 : i32
      %parallel_loop3A_535 = arith.index_cast %parallel_loop3A_534 : i32 to index
      %parallel_loop3A_536 = tpu.vector_load %arg5[%parallel_loop3A_535] {strides = array<i32>} : memref<2048xi32, #tpu.memory_space<vmem>>, vector<16xi32>,
      %parallel_loop3A_537 = arith.constant 7 : i32
      %parallel_loop3A_538 = vector.broadcast %parallel_loop3A_537 : i32 to vector<16xi32>
      %parallel_loop3A_539 = arith.shrsi %parallel_loop3A_536, %parallel_loop3A_538 : vector<16xi32>
      %parallel_loop3A_540 = vector.broadcast %shift_right_arithmetic3A_346 : i32 to vector<16xi32>
      %parallel_loop3A_541 = arith.cmpi eq, %parallel_loop3A_539, %parallel_loop3A_540 : vector<16xi32>
      %parallel_loop3A_542 = arith.constant 0 : i32
      %parallel_loop3A_543 = vector.broadcast %parallel_loop3A_542 : i32 to vector<16xi32>
      %parallel_loop3A_544 = arith.shrsi %parallel_loop3A_536, %parallel_loop3A_543 : vector<16xi32>
      %parallel_loop3A_545 = arith.constant 127 : i32
      %parallel_loop3A_546 = vector.broadcast %parallel_loop3A_545 : i32 to vector<16xi32>
      %parallel_loop3A_547 = arith.andi %parallel_loop3A_544, %parallel_loop3A_546 : vector<16xi32>
      %parallel_loop3A_548 = arith.constant 768 : i32
      %parallel_loop3A_549 = vector.broadcast %parallel_loop3A_548 : i32 to vector<16xi32>
      %parallel_loop3A_550 = arith.addi %parallel_loop3A_547, %parallel_loop3A_549 : vector<16xi32>
      %parallel_loop3A_551, %parallel_loop3A_552 = tpu.scan_count mask(%parallel_loop3A_541 : vector<16xi1>) value(%parallel_loop3A_550 : vector<16xi32>) : vector<16xi1>, vector<16xi32>
      tpu.vector_store_idx %arg6[%parallel_loop3A_550], %parallel_loop3A_552 masked %parallel_loop3A_551 {add = true} : memref<1024xi32, #tpu.memory_space<vmem>>[vector<16xi32>], vector<16xi32>, vector<16xi1>
    } {sc.loop_unroll_factor = 1 : i64, sc.parallel_access}
    %parallel_loop3A_350 = arith.constant 0 : i32
    %parallel_loop3A_351 = arith.constant 16 : i32
    %parallel_loop3A_352 = arith.constant 1 : i32
    scf.for %parallel_loop3A_464 = %parallel_loop3A_350 to %parallel_loop3A_351 step %parallel_loop3A_352  : i32 {
      %parallel_loop3A_465 = arith.constant 16 : i32
      %parallel_loop3A_466 = arith.muli %parallel_loop3A_464, %parallel_loop3A_465 : i32
      %parallel_loop3A_467 = arith.index_cast %parallel_loop3A_466 : i32 to index
      %parallel_loop3A_468 = tpu.vector_load %arg6[%parallel_loop3A_467] {strides = array<i32>} : memref<1024xi32, #tpu.memory_space<vmem>>, vector<16xi32>,
      %parallel_loop3A_469 = arith.constant 16 : i32
      %parallel_loop3A_470 = arith.muli %parallel_loop3A_464, %parallel_loop3A_469 : i32
      %parallel_loop3A_471 = arith.constant 256 : i32
      %parallel_loop3A_472 = arith.addi %parallel_loop3A_471, %parallel_loop3A_470 : i32
      %parallel_loop3A_473 = arith.index_cast %parallel_loop3A_472 : i32 to index
      %parallel_loop3A_474 = tpu.vector_load %arg6[%parallel_loop3A_473] {strides = array<i32>} : memref<1024xi32, #tpu.memory_space<vmem>>, vector<16xi32>,
      %parallel_loop3A_475 = arith.addi %parallel_loop3A_468, %parallel_loop3A_474 : vector<16xi32>
      %parallel_loop3A_476 = arith.constant 16 : i32
      %parallel_loop3A_477 = arith.muli %parallel_loop3A_464, %parallel_loop3A_476 : i32
      %parallel_loop3A_478 = arith.constant 512 : i32
      %parallel_loop3A_479 = arith.addi %parallel_loop3A_478, %parallel_loop3A_477 : i32
      %parallel_loop3A_480 = arith.index_cast %parallel_loop3A_479 : i32 to index
      %parallel_loop3A_481 = tpu.vector_load %arg6[%parallel_loop3A_480] {strides = array<i32>} : memref<1024xi32, #tpu.memory_space<vmem>>, vector<16xi32>,
      %parallel_loop3A_482 = arith.addi %parallel_loop3A_475, %parallel_loop3A_481 : vector<16xi32>
      %parallel_loop3A_483 = arith.constant 16 : i32
      %parallel_loop3A_484 = arith.muli %parallel_loop3A_464, %parallel_loop3A_483 : i32
      %parallel_loop3A_485 = arith.constant 768 : i32
      %parallel_loop3A_486 = arith.addi %parallel_loop3A_485, %parallel_loop3A_484 : i32
      %parallel_loop3A_487 = arith.index_cast %parallel_loop3A_486 : i32 to index
      %parallel_loop3A_488 = tpu.vector_load %arg6[%parallel_loop3A_487] {strides = array<i32>} : memref<1024xi32, #tpu.memory_space<vmem>>, vector<16xi32>,
      %parallel_loop3A_489 = arith.addi %parallel_loop3A_482, %parallel_loop3A_488 : vector<16xi32>
      %parallel_loop3A_490 = arith.index_cast %parallel_loop3A_466 : i32 to index
      %parallel_loop3A_491 = tpu.vector_load %arg8[%parallel_loop3A_490] {strides = array<i32>} : memref<256xi32, #tpu.memory_space<vmem>>, vector<16xi32>,
      tpu.vector_store %arg8[%parallel_loop3A_490], %parallel_loop3A_489 {strides = array<i32>} : memref<256xi32, #tpu.memory_space<vmem>>, vector<16xi32>,
      %parallel_loop3A_492 = arith.constant 15 : i32
      %parallel_loop3A_493 = vector.broadcast %parallel_loop3A_492 : i32 to vector<16xi32>
      %parallel_loop3A_494 = tpu.iota {dimensions = array<i32: 0>} : vector<16xi32>
      %parallel_loop3A_495 = arith.subi %parallel_loop3A_493, %parallel_loop3A_494 : vector<16xi32>
      %parallel_loop3A_496 = tpu.dynamic_gather %parallel_loop3A_489[%parallel_loop3A_495] in [0] : vector<16xi32>, vector<16xi32> -> vector<16xi32>
      %parallel_loop3A_497 = arith.constant true
      %parallel_loop3A_498 = vector.broadcast %parallel_loop3A_497 : i1 to vector<16xi1>
      %parallel_loop3A_499 = tpu.scan <sum>, %parallel_loop3A_496 masked %parallel_loop3A_498 : vector<16xi32>, vector<16xi1> -> vector<16xi32>
      %parallel_loop3A_500 = arith.constant 15 : i32
      %parallel_loop3A_501 = vector.broadcast %parallel_loop3A_500 : i32 to vector<16xi32>
      %parallel_loop3A_502 = tpu.iota {dimensions = array<i32: 0>} : vector<16xi32>
      %parallel_loop3A_503 = arith.subi %parallel_loop3A_501, %parallel_loop3A_502 : vector<16xi32>
      %parallel_loop3A_504 = tpu.dynamic_gather %parallel_loop3A_499[%parallel_loop3A_503] in [0] : vector<16xi32>, vector<16xi32> -> vector<16xi32>
      %parallel_loop3A_505 = arith.index_cast %parallel_loop3A_466 : i32 to index
      %parallel_loop3A_506 = tpu.vector_load %arg7[%parallel_loop3A_505] {strides = array<i32>} : memref<256xi32, #tpu.memory_space<vmem>>, vector<16xi32>,
      tpu.vector_store %arg7[%parallel_loop3A_505], %parallel_loop3A_504 {strides = array<i32>} : memref<256xi32, #tpu.memory_space<vmem>>, vector<16xi32>,
    } {sc.loop_unroll_factor = 1 : i64, sc.parallel_access}
    %sub3A_353 = arith.constant 256 : i32
    %sub3A_354 = arith.subi %sub3A_353, %sub3A_338 : i32
    %mul3A_355 = arith.constant 16 : i32
    %mul3A_356 = vector.broadcast %mul3A_355 : i32 to vector<16xi32>
    %mul3A_357 = arith.muli %iota3A, %mul3A_356 : vector<16xi32>
    %gather3A_358 = tpu.vector_load_idx %arg7[%mul3A_357] : memref<256xi32, #tpu.memory_space<vmem>>[vector<16xi32>], vector<16xi32>,
    %rev3A_359 = arith.constant 15 : i32
    %rev3A_360 = vector.broadcast %rev3A_359 : i32 to vector<16xi32>
    %rev3A_361 = tpu.iota {dimensions = array<i32: 0>} : vector<16xi32>
    %rev3A_362 = arith.subi %rev3A_360, %rev3A_361 : vector<16xi32>
    %rev3A_363 = tpu.dynamic_gather %gather3A_358[%rev3A_362] in [0] : vector<16xi32>, vector<16xi32> -> vector<16xi32>
    %broadcast_in_dim3A_364 = arith.constant true
    %broadcast_in_dim3A_365 = vector.broadcast %broadcast_in_dim3A_364 : i1 to vector<16xi1>
    %masked_cumsum3A_366 = tpu.scan <sum>, %rev3A_363 masked %broadcast_in_dim3A_365 : vector<16xi32>, vector<16xi1> -> vector<16xi32>
    %rev3A_367 = arith.constant 15 : i32
    %rev3A_368 = vector.broadcast %rev3A_367 : i32 to vector<16xi32>
    %rev3A_369 = tpu.iota {dimensions = array<i32: 0>} : vector<16xi32>
    %rev3A_370 = arith.subi %rev3A_368, %rev3A_369 : vector<16xi32>
    %rev3A_371 = tpu.dynamic_gather %masked_cumsum3A_366[%rev3A_370] in [0] : vector<16xi32>, vector<16xi32> -> vector<16xi32>
    %ge3A_372 = vector.broadcast %sub3A_354 : i32 to vector<16xi32>
    %ge3A_373 = arith.cmpi sge, %rev3A_371, %ge3A_372 : vector<16xi32>
    %convert_element_type3A_374 = arith.extui %ge3A_373 : vector<16xi1> to vector<16xi32>
    %reduce_sum3A_375 = arith.constant true
    %reduce_sum3A_376 = vector.broadcast %reduce_sum3A_375 : i1 to vector<16xi1>
    %reduce_sum3A_377 = tpu.scan <sum>, %convert_element_type3A_374 masked %reduce_sum3A_376 : vector<16xi32>, vector<16xi1> -> vector<16xi32>
    %reduce_sum3A_378 = vector.extract %reduce_sum3A_377[15] : i32 from vector<16xi32>
    %sub3A_379 = arith.constant 1 : i32
    %sub3A_380 = arith.subi %reduce_sum3A_378, %sub3A_379 : i32
    %eq3A_381 = vector.broadcast %sub3A_380 : i32 to vector<16xi32>
    %eq3A_382 = arith.cmpi eq, %iota3A, %eq3A_381 : vector<16xi32>
    %jit3A_383 = arith.constant 0 : i32
    %broadcast_in_dim3A_384 = vector.broadcast %jit3A_383 : i32 to vector<16xi32>
    %select_n3A_385 = arith.select %eq3A_382, %gather3A_358, %broadcast_in_dim3A_384 : vector<16xi1>, vector<16xi32>
    %reduce_max3A_386 = arith.constant true
    %reduce_max3A_387 = vector.broadcast %reduce_max3A_386 : i1 to vector<16xi1>
    %reduce_max3A_388 = arith.constant -2147483648 : i32
    %reduce_max3A_389 = vector.broadcast %reduce_max3A_388 : i32 to vector<16xi32>
    %reduce_max3A_390 = arith.xori %select_n3A_385, %reduce_max3A_389 : vector<16xi32>
    %reduce_max3A_391 = tpu.scan <max>, %reduce_max3A_390 masked %reduce_max3A_387 : vector<16xi32>, vector<16xi1> -> vector<16xi32>
    %reduce_max3A_392 = arith.xori %reduce_max3A_391, %reduce_max3A_389 : vector<16xi32>
    %reduce_max3A_393 = vector.extract %reduce_max3A_392[15] : i32 from vector<16xi32>
    %eq3A_394 = vector.broadcast %sub3A_380 : i32 to vector<16xi32>
    %eq3A_395 = arith.cmpi eq, %iota3A, %eq3A_394 : vector<16xi32>
    %jit3A_396 = arith.constant 0 : i32
    %broadcast_in_dim3A_397 = vector.broadcast %jit3A_396 : i32 to vector<16xi32>
    %select_n3A_398 = arith.select %eq3A_395, %rev3A_371, %broadcast_in_dim3A_397 : vector<16xi1>, vector<16xi32>
    %reduce_max3A_399 = arith.constant true
    %reduce_max3A_400 = vector.broadcast %reduce_max3A_399 : i1 to vector<16xi1>
    %reduce_max3A_401 = arith.constant -2147483648 : i32
    %reduce_max3A_402 = vector.broadcast %reduce_max3A_401 : i32 to vector<16xi32>
    %reduce_max3A_403 = arith.xori %select_n3A_398, %reduce_max3A_402 : vector<16xi32>
    %reduce_max3A_404 = tpu.scan <max>, %reduce_max3A_403 masked %reduce_max3A_400 : vector<16xi32>, vector<16xi1> -> vector<16xi32>
    %reduce_max3A_405 = arith.xori %reduce_max3A_404, %reduce_max3A_402 : vector<16xi32>
    %reduce_max3A_406 = vector.extract %reduce_max3A_405[15] : i32 from vector<16xi32>
    %sub3A_407 = arith.subi %reduce_max3A_406, %reduce_max3A_393 : i32
    %mul3A_408 = arith.constant 16 : i32
    %mul3A_409 = arith.muli %sub3A_380, %mul3A_408 : i32
    %get3A_410 = arith.index_cast %mul3A_409 : i32 to index
    %get3A_411 = tpu.vector_load %arg7[%get3A_410] {strides = array<i32>} : memref<256xi32, #tpu.memory_space<vmem>>, vector<16xi32>,
    %add3A_412 = vector.broadcast %sub3A_407 : i32 to vector<16xi32>
    %add3A_413 = arith.addi %get3A_411, %add3A_412 : vector<16xi32>
    %ge3A_414 = vector.broadcast %sub3A_354 : i32 to vector<16xi32>
    %ge3A_415 = arith.cmpi sge, %add3A_413, %ge3A_414 : vector<16xi32>
    %convert_element_type3A_416 = arith.extui %ge3A_415 : vector<16xi1> to vector<16xi32>
    %reduce_sum3A_417 = arith.constant true
    %reduce_sum3A_418 = vector.broadcast %reduce_sum3A_417 : i1 to vector<16xi1>
    %reduce_sum3A_419 = tpu.scan <sum>, %convert_element_type3A_416 masked %reduce_sum3A_418 : vector<16xi32>, vector<16xi1> -> vector<16xi32>
    %reduce_sum3A_420 = vector.extract %reduce_sum3A_419[15] : i32 from vector<16xi32>
    %sub3A_421 = arith.constant 1 : i32
    %sub3A_422 = arith.subi %reduce_sum3A_420, %sub3A_421 : i32
    %mul3A_423 = arith.constant 16 : i32
    %mul3A_424 = arith.muli %sub3A_380, %mul3A_423 : i32
    %add3A_425 = arith.addi %mul3A_424, %sub3A_422 : i32
    %eq3A_426 = vector.broadcast %sub3A_422 : i32 to vector<16xi32>
    %eq3A_427 = arith.cmpi eq, %iota3A, %eq3A_426 : vector<16xi32>
    %jit3A_428 = arith.constant 0 : i32
    %broadcast_in_dim3A_429 = vector.broadcast %jit3A_428 : i32 to vector<16xi32>
    %select_n3A_430 = arith.select %eq3A_427, %add3A_413, %broadcast_in_dim3A_429 : vector<16xi1>, vector<16xi32>
    %reduce_max3A_431 = arith.constant true
    %reduce_max3A_432 = vector.broadcast %reduce_max3A_431 : i1 to vector<16xi1>
    %reduce_max3A_433 = arith.constant -2147483648 : i32
    %reduce_max3A_434 = vector.broadcast %reduce_max3A_433 : i32 to vector<16xi32>
    %reduce_max3A_435 = arith.xori %select_n3A_430, %reduce_max3A_434 : vector<16xi32>
    %reduce_max3A_436 = tpu.scan <max>, %reduce_max3A_435 masked %reduce_max3A_432 : vector<16xi32>, vector<16xi1> -> vector<16xi32>
    %reduce_max3A_437 = arith.xori %reduce_max3A_436, %reduce_max3A_434 : vector<16xi32>
    %reduce_max3A_438 = vector.extract %reduce_max3A_437[15] : i32 from vector<16xi32>
    %mul3A_439 = arith.constant 16 : i32
    %mul3A_440 = arith.muli %sub3A_380, %mul3A_439 : i32
    %get3A_441 = arith.index_cast %mul3A_440 : i32 to index
    %get3A_442 = tpu.vector_load %arg8[%get3A_441] {strides = array<i32>} : memref<256xi32, #tpu.memory_space<vmem>>, vector<16xi32>,
    %eq3A_443 = vector.broadcast %sub3A_422 : i32 to vector<16xi32>
    %eq3A_444 = arith.cmpi eq, %iota3A, %eq3A_443 : vector<16xi32>
    %jit3A_445 = arith.constant 0 : i32
    %broadcast_in_dim3A_446 = vector.broadcast %jit3A_445 : i32 to vector<16xi32>
    %select_n3A_447 = arith.select %eq3A_444, %get3A_442, %broadcast_in_dim3A_446 : vector<16xi1>, vector<16xi32>
    %reduce_max3A_448 = arith.constant true
    %reduce_max3A_449 = vector.broadcast %reduce_max3A_448 : i1 to vector<16xi1>
    %reduce_max3A_450 = arith.constant -2147483648 : i32
    %reduce_max3A_451 = vector.broadcast %reduce_max3A_450 : i32 to vector<16xi32>
    %reduce_max3A_452 = arith.xori %select_n3A_447, %reduce_max3A_451 : vector<16xi32>
    %reduce_max3A_453 = tpu.scan <max>, %reduce_max3A_452 masked %reduce_max3A_449 : vector<16xi32>, vector<16xi1> -> vector<16xi32>
    %reduce_max3A_454 = arith.xori %reduce_max3A_453, %reduce_max3A_451 : vector<16xi32>
    %reduce_max3A_455 = vector.extract %reduce_max3A_454[15] : i32 from vector<16xi32>
    %add3A_456 = arith.addi %sub3A_338, %reduce_max3A_438 : i32
    %sub3A_457 = arith.subi %add3A_456, %reduce_max3A_455 : i32
    %shift_left3A_458 = arith.constant 0 : i32
    %shift_left3A_459 = arith.shli %add3A_425, %shift_left3A_458 : i32
    %or3A_460 = arith.ori %or3A_341, %shift_left3A_459 : i32
    %parallel_loop3A_461 = arith.constant 0 : i32
    %parallel_loop3A_462 = arith.constant 128 : i32
    %parallel_loop3A_463 = arith.constant 4 : i32
    scf.for %parallel_loop3A_464 = %parallel_loop3A_461 to %parallel_loop3A_462 step %parallel_loop3A_463  : i32 {
      %parallel_loop3A_465 = arith.constant 0 : i32
      %parallel_loop3A_466 = arith.addi %parallel_loop3A_464, %parallel_loop3A_465 : i32
      %parallel_loop3A_467 = arith.constant 16 : i32
      %parallel_loop3A_468 = arith.muli %parallel_loop3A_466, %parallel_loop3A_467 : i32
      %parallel_loop3A_469 = arith.index_cast %parallel_loop3A_468 : i32 to index
      %parallel_loop3A_470 = tpu.vector_load %arg5[%parallel_loop3A_469] {strides = array<i32>} : memref<2048xi32, #tpu.memory_space<vmem>>, vector<16xi32>,
      %parallel_loop3A_471 = vector.broadcast %or3A_460 : i32 to vector<16xi32>
      %parallel_loop3A_472 = arith.cmpi sge, %parallel_loop3A_470, %parallel_loop3A_471 : vector<16xi32>
      %parallel_loop3A_473 = arith.index_cast %parallel_loop3A_468 : i32 to index
      %parallel_loop3A_474 = tpu.vector_load %arg4[%parallel_loop3A_473] {strides = array<i32>} : memref<2048xf32, #tpu.memory_space<vmem>>, vector<16xf32>,
      %parallel_loop3A_475 = arith.constant 0.000000e+00 : f32
      %parallel_loop3A_476 = vector.broadcast %parallel_loop3A_475 : f32 to vector<16xf32>
      %parallel_loop3A_477 = arith.select %parallel_loop3A_472, %parallel_loop3A_474, %parallel_loop3A_476 : vector<16xi1>, vector<16xf32>
      %parallel_loop3A_478 = arith.index_cast %parallel_loop3A_468 : i32 to index
      %parallel_loop3A_479 = tpu.vector_load %arg4[%parallel_loop3A_478] {strides = array<i32>} : memref<2048xf32, #tpu.memory_space<vmem>>, vector<16xf32>,
      tpu.vector_store %arg4[%parallel_loop3A_478], %parallel_loop3A_477 {strides = array<i32>} : memref<2048xf32, #tpu.memory_space<vmem>>, vector<16xf32>,
      %parallel_loop3A_480 = arith.constant 1 : i32
      %parallel_loop3A_481 = arith.addi %parallel_loop3A_464, %parallel_loop3A_480 : i32
      %parallel_loop3A_482 = arith.constant 16 : i32
      %parallel_loop3A_483 = arith.muli %parallel_loop3A_481, %parallel_loop3A_482 : i32
      %parallel_loop3A_484 = arith.index_cast %parallel_loop3A_483 : i32 to index
      %parallel_loop3A_485 = tpu.vector_load %arg5[%parallel_loop3A_484] {strides = array<i32>} : memref<2048xi32, #tpu.memory_space<vmem>>, vector<16xi32>,
      %parallel_loop3A_486 = vector.broadcast %or3A_460 : i32 to vector<16xi32>
      %parallel_loop3A_487 = arith.cmpi sge, %parallel_loop3A_485, %parallel_loop3A_486 : vector<16xi32>
      %parallel_loop3A_488 = arith.index_cast %parallel_loop3A_483 : i32 to index
      %parallel_loop3A_489 = tpu.vector_load %arg4[%parallel_loop3A_488] {strides = array<i32>} : memref<2048xf32, #tpu.memory_space<vmem>>, vector<16xf32>,
      %parallel_loop3A_490 = arith.constant 0.000000e+00 : f32
      %parallel_loop3A_491 = vector.broadcast %parallel_loop3A_490 : f32 to vector<16xf32>
      %parallel_loop3A_492 = arith.select %parallel_loop3A_487, %parallel_loop3A_489, %parallel_loop3A_491 : vector<16xi1>, vector<16xf32>
      %parallel_loop3A_493 = arith.index_cast %parallel_loop3A_483 : i32 to index
      %parallel_loop3A_494 = tpu.vector_load %arg4[%parallel_loop3A_493] {strides = array<i32>} : memref<2048xf32, #tpu.memory_space<vmem>>, vector<16xf32>,
      tpu.vector_store %arg4[%parallel_loop3A_493], %parallel_loop3A_492 {strides = array<i32>} : memref<2048xf32, #tpu.memory_space<vmem>>, vector<16xf32>,
      %parallel_loop3A_495 = arith.constant 2 : i32
      %parallel_loop3A_496 = arith.addi %parallel_loop3A_464, %parallel_loop3A_495 : i32
      %parallel_loop3A_497 = arith.constant 16 : i32
      %parallel_loop3A_498 = arith.muli %parallel_loop3A_496, %parallel_loop3A_497 : i32
      %parallel_loop3A_499 = arith.index_cast %parallel_loop3A_498 : i32 to index
      %parallel_loop3A_500 = tpu.vector_load %arg5[%parallel_loop3A_499] {strides = array<i32>} : memref<2048xi32, #tpu.memory_space<vmem>>, vector<16xi32>,
      %parallel_loop3A_501 = vector.broadcast %or3A_460 : i32 to vector<16xi32>
      %parallel_loop3A_502 = arith.cmpi sge, %parallel_loop3A_500, %parallel_loop3A_501 : vector<16xi32>
      %parallel_loop3A_503 = arith.index_cast %parallel_loop3A_498 : i32 to index
      %parallel_loop3A_504 = tpu.vector_load %arg4[%parallel_loop3A_503] {strides = array<i32>} : memref<2048xf32, #tpu.memory_space<vmem>>, vector<16xf32>,
      %parallel_loop3A_505 = arith.constant 0.000000e+00 : f32
      %parallel_loop3A_506 = vector.broadcast %parallel_loop3A_505 : f32 to vector<16xf32>
      %parallel_loop3A_507 = arith.select %parallel_loop3A_502, %parallel_loop3A_504, %parallel_loop3A_506 : vector<16xi1>, vector<16xf32>
      %parallel_loop3A_508 = arith.index_cast %parallel_loop3A_498 : i32 to index
      %parallel_loop3A_509 = tpu.vector_load %arg4[%parallel_loop3A_508] {strides = array<i32>} : memref<2048xf32, #tpu.memory_space<vmem>>, vector<16xf32>,
      tpu.vector_store %arg4[%parallel_loop3A_508], %parallel_loop3A_507 {strides = array<i32>} : memref<2048xf32, #tpu.memory_space<vmem>>, vector<16xf32>,
      %parallel_loop3A_510 = arith.constant 3 : i32
      %parallel_loop3A_511 = arith.addi %parallel_loop3A_464, %parallel_loop3A_510 : i32
      %parallel_loop3A_512 = arith.constant 16 : i32
      %parallel_loop3A_513 = arith.muli %parallel_loop3A_511, %parallel_loop3A_512 : i32
      %parallel_loop3A_514 = arith.index_cast %parallel_loop3A_513 : i32 to index
      %parallel_loop3A_515 = tpu.vector_load %arg5[%parallel_loop3A_514] {strides = array<i32>} : memref<2048xi32, #tpu.memory_space<vmem>>, vector<16xi32>,
      %parallel_loop3A_516 = vector.broadcast %or3A_460 : i32 to vector<16xi32>
      %parallel_loop3A_517 = arith.cmpi sge, %parallel_loop3A_515, %parallel_loop3A_516 : vector<16xi32>
      %parallel_loop3A_518 = arith.index_cast %parallel_loop3A_513 : i32 to index
      %parallel_loop3A_519 = tpu.vector_load %arg4[%parallel_loop3A_518] {strides = array<i32>} : memref<2048xf32, #tpu.memory_space<vmem>>, vector<16xf32>,
      %parallel_loop3A_520 = arith.constant 0.000000e+00 : f32
      %parallel_loop3A_521 = vector.broadcast %parallel_loop3A_520 : f32 to vector<16xf32>
      %parallel_loop3A_522 = arith.select %parallel_loop3A_517, %parallel_loop3A_519, %parallel_loop3A_521 : vector<16xi1>, vector<16xf32>
      %parallel_loop3A_523 = arith.index_cast %parallel_loop3A_513 : i32 to index
      %parallel_loop3A_524 = tpu.vector_load %arg4[%parallel_loop3A_523] {strides = array<i32>} : memref<2048xf32, #tpu.memory_space<vmem>>, vector<16xf32>,
      tpu.vector_store %arg4[%parallel_loop3A_523], %parallel_loop3A_522 {strides = array<i32>} : memref<2048xf32, #tpu.memory_space<vmem>>, vector<16xf32>,
    } {sc.loop_unroll_factor = 1 : i64, sc.parallel_access}
    "tpu.region"() ({
      %run_scoped3A = tpu.sem_alloc : memref<!tpu.dma_semaphore, #tpu.memory_space<semaphore_mem>>
      %dma_start3A = arith.constant 0 : i32
      %dma_start3A_464 = tpu.memref_slice %arg3[%add3A, %dma_start3A] : memref<32x2048xf32, #tpu.memory_space<hbm>> -> memref<1x2048xf32, #tpu.memory_space<hbm>>
      %dma_start3A_465 = tpu.memref_squeeze %dma_start3A_464 : memref<1x2048xf32, #tpu.memory_space<hbm>> -> memref<2048xf32, #tpu.memory_space<hbm>>
      %dma_start3A_466 = arith.constant 0 : i32
      %dma_start3A_467 = tpu.memref_slice %arg3[%add3A, %dma_start3A_466] : memref<32x2048xf32, #tpu.memory_space<hbm>> -> memref<1x2048xf32, #tpu.memory_space<hbm>>
      %dma_start3A_468 = tpu.memref_squeeze %dma_start3A_467 : memref<1x2048xf32, #tpu.memory_space<hbm>> -> memref<2048xf32, #tpu.memory_space<hbm>>
      tpu.enqueue_dma source(%arg4 : memref<2048xf32, #tpu.memory_space<vmem>>) target(%dma_start3A_468 : memref<2048xf32, #tpu.memory_space<hbm>>) target_semaphore(%run_scoped3A : memref<!tpu.dma_semaphore, #tpu.memory_space<semaphore_mem>>)
      %dma_wait3A = arith.constant 0 : i32
      %dma_wait3A_469 = tpu.memref_slice %arg3[%add3A, %dma_wait3A] : memref<32x2048xf32, #tpu.memory_space<hbm>> -> memref<1x2048xf32, #tpu.memory_space<hbm>>
      %dma_wait3A_470 = tpu.memref_squeeze %dma_wait3A_469 : memref<1x2048xf32, #tpu.memory_space<hbm>> -> memref<2048xf32, #tpu.memory_space<hbm>>
      %dma_wait3A_471 = arith.constant 0 : i32
      %dma_wait3A_472 = tpu.memref_slice %arg3[%add3A, %dma_wait3A_471] : memref<32x2048xf32, #tpu.memory_space<hbm>> -> memref<1x2048xf32, #tpu.memory_space<hbm>>
      %dma_wait3A_473 = tpu.memref_squeeze %dma_wait3A_472 : memref<1x2048xf32, #tpu.memory_space<hbm>> -> memref<2048xf32, #tpu.memory_space<hbm>>
      tpu.wait_dma2 semaphore(%run_scoped3A : memref<!tpu.dma_semaphore, #tpu.memory_space<semaphore_mem>>) src(%arg4 : memref<2048xf32, #tpu.memory_space<vmem>>) dst(%dma_wait3A_473 : memref<2048xf32, #tpu.memory_space<hbm>>)
      tpu.yield
    }) : () -> ()
    return
  }
}

module attributes {stable_mosaic.version = 14 : i64} {
  func.func @_tc_scores_body(%arg0: i32, %arg1: memref<32x1024xf32, #tpu.memory_space<vmem>>, %arg2: memref<256x1024xf32, #tpu.memory_space<vmem>>, %arg3: memref<1x256xf32, #tpu.memory_space<vmem>>, %arg4: memref<2x256x256xf32, #tpu.memory_space<vmem>>, %arg5: memref<32x256xf32, #tpu.memory_space<vmem>>, %arg6: memref<32x256xf32, #tpu.memory_space<vmem>>) attributes {dimension_semantics = [#tpu.dimension_semantics<arbitrary>], iteration_bounds = array<i64: 8>, scalar_prefetch = 0 : i64, scratch_operands = 1 : i64, tpu.core_type = #tpu.core_type<tc>, window_params = [{pipeline_mode = #tpu.pipeline_mode<synchronous>, transform_indices = @transform_0, window_bounds = array<i64: 32, 1024>}, {pipeline_mode = #tpu.pipeline_mode<synchronous>, transform_indices = @transform_1, window_bounds = array<i64: 256, 1024>}, {pipeline_mode = #tpu.pipeline_mode<synchronous>, transform_indices = @transform_2, window_bounds = array<i64: 1, 256>}, {transform_indices = @transform_3, window_bounds = array<i64: 2, 256, 256>}, {transform_indices = @transform_4, window_bounds = array<i64: 32, 256>}]} {
    %eq3A = arith.constant 0 : i32
    %eq3A_0 = arith.cmpi eq, %arg0, %eq3A : i32
    %convert_element_type3A = arith.extui %eq3A_0 : i1 to i32
    %cond3A = arith.constant 0 : i32
    %cond3A_1 = arith.cmpi ne, %convert_element_type3A, %cond3A : i32
    scf.if %cond3A_1 {
      %get3A_22 = arith.constant 0 : index
      %get3A_23 = arith.constant 0 : index
      %get3A_24 = vector.load %arg1[%get3A_22, %get3A_23] : memref<32x1024xf32, #tpu.memory_space<vmem>>, vector<32x1024xf32>
      %get3A_25 = arith.constant 0 : index
      %get3A_26 = arith.constant 0 : index
      %get3A_27 = vector.load %arg2[%get3A_25, %get3A_26] : memref<256x1024xf32, #tpu.memory_space<vmem>>, vector<256x1024xf32>
      %dot_general3A_28 = arith.constant dense<0.000000e+00> : vector<32x256xf32>
      %dot_general3A_29 = tpu.matmul %get3A_24, %get3A_27, %dot_general3A_28 {dimension_numbers = #tpu.dot_dimension_numbers<[1], [1], [0], [0], [0, 0, 1, 0], [], []>, transpose_lhs_hint = false} : vector<32x1024xf32>, vector<256x1024xf32>, vector<32x256xf32> -> vector<32x256xf32>
      %get3A_30 = arith.constant 0 : index
      %get3A_31 = arith.constant 0 : index
      %get3A_32 = vector.load %arg3[%get3A_30, %get3A_31] : memref<1x256xf32, #tpu.memory_space<vmem>>, vector<1x256xf32>
      %add3A = vector.broadcast %get3A_32 : vector<1x256xf32> to vector<32x256xf32>
      %add3A_33 = arith.addf %dot_general3A_29, %add3A : vector<32x256xf32>
      %swap3A_34 = arith.constant 0 : index
      %swap3A_35 = arith.constant 0 : index
      %swap3A_36 = vector.load %arg6[%swap3A_34, %swap3A_35] : memref<32x256xf32, #tpu.memory_space<vmem>>, vector<32x256xf32>
      tpu.vector_store %arg6[%swap3A_34, %swap3A_35], %add3A_33 {strides = array<i32>} : memref<32x256xf32, #tpu.memory_space<vmem>>, vector<32x256xf32>,
    } else {
    }
    %get3A = arith.constant 0 : index
    %get3A_2 = arith.constant 0 : index
    %get3A_3 = vector.load %arg6[%get3A, %get3A_2] : memref<32x256xf32, #tpu.memory_space<vmem>>, vector<32x256xf32>
    %slice3A = vector.extract_strided_slice %get3A_3 {offsets = [0, 0], sizes = [16, 256], strides = [1, 1]} : vector<32x256xf32> to vector<16x256xf32>
    %get3A_4 = arith.constant 0 : index
    %get3A_5 = arith.constant 0 : index
    %get3A_6 = arith.constant 0 : index
    %get3A_7 = vector.load %arg4[%get3A_4, %get3A_5, %get3A_6] : memref<2x256x256xf32, #tpu.memory_space<vmem>>, vector<1x256x256xf32>
    %get3A_8 = vector.shape_cast %get3A_7 : vector<1x256x256xf32> to vector<256x256xf32>
    %dot_general3A = arith.constant dense<0.000000e+00> : vector<16x256xf32>
    %dot_general3A_9 = tpu.matmul %slice3A, %get3A_8, %dot_general3A {dimension_numbers = #tpu.dot_dimension_numbers<[1], [1], [0], [0], [0, 0, 1, 0], [], []>, transpose_lhs_hint = false} : vector<16x256xf32>, vector<256x256xf32>, vector<16x256xf32> -> vector<16x256xf32>
    %slice3A_10 = vector.extract_strided_slice %get3A_3 {offsets = [16, 0], sizes = [16, 256], strides = [1, 1]} : vector<32x256xf32> to vector<16x256xf32>
    %get3A_11 = arith.constant 1 : index
    %get3A_12 = arith.constant 0 : index
    %get3A_13 = arith.constant 0 : index
    %get3A_14 = vector.load %arg4[%get3A_11, %get3A_12, %get3A_13] : memref<2x256x256xf32, #tpu.memory_space<vmem>>, vector<1x256x256xf32>
    %get3A_15 = vector.shape_cast %get3A_14 : vector<1x256x256xf32> to vector<256x256xf32>
    %dot_general3A_16 = arith.constant dense<0.000000e+00> : vector<16x256xf32>
    %dot_general3A_17 = tpu.matmul %slice3A_10, %get3A_15, %dot_general3A_16 {dimension_numbers = #tpu.dot_dimension_numbers<[1], [1], [0], [0], [0, 0, 1, 0], [], []>, transpose_lhs_hint = false} : vector<16x256xf32>, vector<256x256xf32>, vector<16x256xf32> -> vector<16x256xf32>
    %concatenate3A = tpu.concatenate %dot_general3A_9, %dot_general3A_17 in 0 : vector<16x256xf32>, vector<16x256xf32> -> vector<32x256xf32>
    %max3A = arith.constant 0.000000e+00 : f32
    %max3A_18 = vector.broadcast %max3A : f32 to vector<32x256xf32>
    %max3A_19 = arith.maximumf %concatenate3A, %max3A_18 : vector<32x256xf32>
    %swap3A = arith.constant 0 : index
    %swap3A_20 = arith.constant 0 : index
    %swap3A_21 = vector.load %arg5[%swap3A, %swap3A_20] : memref<32x256xf32, #tpu.memory_space<vmem>>, vector<32x256xf32>
    tpu.vector_store %arg5[%swap3A, %swap3A_20], %max3A_19 {strides = array<i32>} : memref<32x256xf32, #tpu.memory_space<vmem>>, vector<32x256xf32>,
    return
  }
  func.func @transform_0(%arg0: i32) -> (i32, i32) {
    %c0_i32 = arith.constant 0 : i32
    %c0_i32_0 = arith.constant 0 : i32
    %c0_i32_1 = arith.constant 0 : i32
    return %c0_i32, %c0_i32_0 : i32, i32
  }
  func.func @transform_1(%arg0: i32) -> (i32, i32) {
    %c0_i32 = arith.constant 0 : i32
    %c0_i32_0 = arith.constant 0 : i32
    %c0_i32_1 = arith.constant 0 : i32
    return %c0_i32, %c0_i32_0 : i32, i32
  }
  func.func @transform_2(%arg0: i32) -> (i32, i32) {
    %c0_i32 = arith.constant 0 : i32
    %c0_i32_0 = arith.constant 0 : i32
    %c0_i32_1 = arith.constant 0 : i32
    return %c0_i32, %c0_i32_0 : i32, i32
  }
  func.func @transform_3(%arg0: i32) -> (i32, i32, i32) {
    %c0_i32 = arith.constant 0 : i32
    %c0_i32_0 = arith.constant 0 : i32
    %c0_i32_1 = arith.constant 0 : i32
    return %c0_i32, %arg0, %c0_i32_0 : i32, i32, i32
  }
  func.func @transform_4(%arg0: i32) -> (i32, i32) {
    %c0_i32 = arith.constant 0 : i32
    %c0_i32_0 = arith.constant 0 : i32
    return %c0_i32, %arg0 : i32, i32
  }
}

</mosaic_0001>

<sc_bundles>
// kernel: _run.4.cloned.1.call-start
scs
__scs_entry_jumppad:
0x0: {  	(pc) =	sbr.rel $0x88, $3  }
0x1: {  	(tag) =	ssettag $0x0;
	lr =	simm.s32 $0x1  }
0x2: {  	[smem:$0x3F9D] =	sst lr;
	_ =	strace $0xD0000000  }
0x3: {  	_ = 	snop  }
0x4: {  	_ = 	snop  }
0x5: {  	_ = 	snop  }
0x6: {  	_ = 	snop  }
0x7: {  	_ = 	snop  }
__scs_overlays_trampoline_lowered:
0x8: {  	[smem:$0x3FAC] =	sst s0  }
0x9: {  	[smem:$0x3FAD] =	sst s1  }
0xa: {  	[smem:$0x3FAE] =	sst s2  }
0xb: {  	[smem:$0x3FAF] =	sst s3  }
0xc: {  	[smem:$0x3FB0] =	sst s4  }
0xd: {  	[smem:$0x3FB1] =	sst s5  }
0xe: {  	[smem:$0x3FB2] =	sst s6  }
0xf: {  	[smem:$0x3FB3] =	sst s7  }
0x10: {  	[smem:$0x3FB4] =	sst s8  }
0x11: {  	[smem:$0x3FB5] =	sst s9;
	s0 =	simm.s32 @!p0 $0x0  }
0x12: {  	s1 =	sld [smem:$0x3F9B];
	s0 =	simm.s32 @p0 $0x1  }
0x13: {  	[smem:$0x3FB6] =	sst s0;
	s0 =	simm.s32 @!p1 $0x0  }
0x14: {  	s2 =	sld [smem:$0x3F9A];
	s0 =	simm.s32 @p1 $0x1  }
0x15: {  	[smem:$0x3FB7] =	sst s0;
	s0 =	simm.s32 @!p2 $0x0  }
0x16: {  	s3 =	sld [smem:$0x3FDB];
	s0 =	simm.s32 @p2 $0x1  }
0x17: {  	s4 =	simm.s32 $0x1BF5;
	[smem:$0x3FB9] =	sst s0  }
0x18: {  	s0 =	sld [smem:$0x3F9C];
	_ =	swait.ge [sflag:s4], $0x0  }
0x19: {  	s7 =	sld [smem:$0x3F9D]  }
0x1a: {  	s8 =	sadd.s32 $0xFFFFE003, lr  }
0x1b: {  	s9 =	sadd.s32 $0xFFFFFEF7, lr;
	s5 =	simm.s32 $0xFFFFFFFF;
	p2 =	slt.u32 s8, $0xFFFFF086  }
0x1c: {  	p1 =	slt.u32 s9, $0xF7A;
	s5 =	simm.s32 @!p2 $0x0  }
0x1d: {  	s5 =	simm.s32 @p1 $0x1;
	p0 =	seq.s32 s7, s2  }
0x1e: {  	s7 =	smul.u32 @!p0 $0xF7A, s2;
	p2 =	seq.s32 @!p0 s5, $0x0  }
0x1f: {  	s9 =	smul.u32 $0xF7A, s1;
	s8 =	simm.s32 @!p0 $0x1BF5;
	p2 =	por !p2, p0  }
0x20: {  	[sflag:s8] =	ssyncset.s32 @!p0 $0xFFFFF086;
	s6 =	sadd.s32 @!p0 s3, s7;
	s7 =	simm.s32 @!p0 $0x108  }
0x21: {  	s3 =	sadd.s32 s3, s9;
	s6 =	sadd.s32 @!p0 $0x88, s6;
	s7 =	simm.s32 @p2 $0x1082  }
0x22: {  	[simem:s7], [sflag:s8] =	dma.local @!p0 [hbm:s6], $0xF7A  }
0x23: {  	s9 =	sor.u32 $0xD0000000, s2;
	s6 =	simm.s32 $0x108;
	_ =	swait.ge @!p0 [sflag:s8], $0x0  }
0x24: {  	s3 =	sadd.s32 $0x88, s3;
	s6 =	simm.s32 @!p1 $0x1082;
	[sflag:s4] =	ssyncset.s32 $0xFFFFF086  }
0x25: {  	[simem:s6], [sflag:s4] =	dma.local [hbm:s3], $0xF7A  }
0x26: {  	[smem:$0x3F9D] =	sst s1;
	(tag) =	ssettag s2;
	_ =	strace s9  }
0x27: {  	s1 =	sld [smem:$0x3FAD]  }
0x28: {  	s2 =	sld [smem:$0x3FAE]  }
0x29: {  	s4 =	sld [smem:$0x3FB0]  }
0x2a: {  	p0 =	seq.s32 s5, $0x0;
	s5 =	sld [smem:$0x3FB1]  }
0x2b: {  	s6 =	sld [smem:$0x3FB2]  }
0x2c: {  	s7 =	sld [smem:$0x3FB3]  }
0x2d: {  	s3 =	simm.s32 $0x108;
	s8 =	sld [smem:$0x3FB4]  }
0x2e: {  	s3 =	simm.s32 @!p0 $0x1082;
	s9 =	sld [smem:$0x3FB5]  }
0x2f: {  	lr =	sadd.s32 s0, s3;
	s0 =	sld [smem:$0x3FAC]  }
0x30: {  	s3 =	sld [smem:$0x3FAF]  }
0x31: {  	[smem:$0x3FB8] =	sst s10  }
0x32: {  	s10 =	sld [smem:$0x3FB6];
	_ =	sdelay $0x3  }
0x33: {  	p0 =	seq.s32 s10, $0x1;
	s10 =	sld [smem:$0x3FB8];
	_ =	sdelay $0x3  }
0x34: {  	[smem:$0x3FB8] =	sst s10  }
0x35: {  	s10 =	sld [smem:$0x3FB7];
	_ =	sdelay $0x3  }
0x36: {  	p1 =	seq.s32 s10, $0x1;
	s10 =	sld [smem:$0x3FB8];
	_ =	sdelay $0x3  }
0x37: {  	[smem:$0x3FB8] =	sst s10  }
0x38: {  	s10 =	sld [smem:$0x3FB9]  }
0x39: {  	_ = 	snop;
	(pc) =	sbr.ind lr, $3  }
0x3a: {  	_ = 	snop  }
0x3b: {  	_ = 	snop  }
0x3c: {  	p2 =	seq.s32 s10, $0x1;
	s10 =	sld [smem:$0x3FB8]  }
0x3d: {  	_ =	shalt  }
0x3e: {  	_ =	shalt  }
0x3f: {  	_ =	shalt  }
0x40: {  	_ =	shalt  }
0x41: {  	_ =	shalt  }
0x42: {  	_ =	shalt  }
0x43: {  	_ =	shalt  }
0x44: {  	_ =	shalt  }
0x45: {  	_ =	shalt  }
0x46: {  	_ =	shalt  }
0x47: {  	_ =	shalt  }
0x48: {  	_ =	shalt  }
0x49: {  	_ =	shalt  }
0x4a: {  	_ =	shalt  }
0x4b: {  	_ =	shalt  }
0x4c: {  	_ =	shalt  }
0x4d: {  	_ =	shalt  }
0x4e: {  	_ =	shalt  }
0x4f: {  	_ =	shalt  }
0x50: {  	_ =	shalt  }
0x51: {  	_ =	shalt  }
0x52: {  	_ =	shalt  }
0x53: {  	_ =	shalt  }
0x54: {  	_ =	shalt  }
0x55: {  	_ =	shalt  }
0x56: {  	_ =	shalt  }
0x57: {  	_ =	shalt  }
0x58: {  	_ =	shalt  }
0x59: {  	_ =	shalt  }
0x5a: {  	_ =	shalt  }
0x5b: {  	_ =	shalt  }
0x5c: {  	_ =	shalt  }
0x5d: {  	_ =	shalt  }
0x5e: {  	_ =	shalt  }
0x5f: {  	_ =	shalt  }
0x60: {  	_ =	shalt  }
0x61: {  	_ =	shalt  }
0x62: {  	_ =	shalt  }
0x63: {  	_ =	shalt  }
0x64: {  	_ =	shalt  }
0x65: {  	_ =	shalt  }
0x66: {  	_ =	shalt  }
0x67: {  	_ =	shalt  }
0x68: {  	_ =	shalt  }
0x69: {  	_ =	shalt  }
0x6a: {  	_ =	shalt  }
0x6b: {  	_ =	shalt  }
0x6c: {  	_ =	shalt  }
0x6d: {  	_ =	shalt  }
0x6e: {  	_ =	shalt  }
0x6f: {  	_ =	shalt  }
0x70: {  	_ =	shalt  }
0x71: {  	_ =	shalt  }
0x72: {  	_ =	shalt  }
0x73: {  	_ =	shalt  }
0x74: {  	_ =	shalt  }
0x75: {  	_ =	shalt  }
0x76: {  	_ =	shalt  }
0x77: {  	_ =	shalt  }
0x78: {  	_ =	shalt  }
0x79: {  	_ =	shalt  }
0x7a: {  	_ =	shalt  }
0x7b: {  	_ =	shalt  }
0x7c: {  	_ =	shalt  }
0x7d: {  	_ =	shalt  }
0x7e: {  	_ =	shalt  }
0x7f: {  	_ =	shalt  }
0x80: {  	_ =	shalt  }
0x81: {  	_ =	shalt  }
0x82: {  	_ =	shalt  }
0x83: {  	_ =	shalt  }
0x84: {  	_ =	shalt  }
0x85: {  	_ =	shalt  }
0x86: {  	_ =	shalt  }
0x87: {  	_ =	shalt  }
.Lfunc_end0:
.L_simem_size_0:
called_computation_lowered:
.L_overlay_start_0:
0x88: {  	s2 =	sld [smem:$0x3FD9]  }
0x89: {  	s3 =	sld [smem:$0x3FFE];
	_ =	sdelay $0x1  }
0x8a: {  	s1 =	srdreg.scid  }
0x8b: {  	s0 =	sand.u32 $0x1, s1  }
0x8c: {  	s17 =	sshll.u32 s0, $0xA;
	s2 =	sadd.s32 s3, s2  }
0x8d: {  	s2 =	sadd.s32 s2, s17  }
0x8e: {  	[smem:$0x3FC4] =	sst s2  }
0x8f: {  	_ = 	snop  }
0x90: {  	s2 =	sld [smem:$0x3FD0];
	(tm) =	ssettm $0x1  }
0x91: {  	s18 =	sld [smem:$0x3FFB];
	_ =	sdelay $0x3  }
0x92: {  	_ =	strace s18  }
0x93: {  	s3 =	sld [smem:$0x3FFC];
	_ =	sdelay $0x3  }
0x94: {  	_ =	strace s3  }
0x95: {  	s3 =	sld [smem:$0x3FFD];
	_ =	sdelay $0x3  }
0x96: {  	_ =	strace s3  }
0x97: {  	_ =	strace $0x8FFFFFFF  }
0x98: {  	s19 =	sld [smem:$0x3FDB];
	_ =	sdelay $0x1  }
0x99: {  	s4 =	simm.s32 $_scs_section_size  }
0x9a: {  	s5 =	simm.s32 $_size__tile_overlayer_lowered;
	s6 =	simm.s32 $_tile_overlayer_lowered  }
0x9b: {  	s22 =	simm.s32 $0x1BFF;
	s21 =	sshll.u32 s6, $0x1;
	s3 =	sadd.s32 s4, s19  }
0x9c: {  	s7 =	simm.s32 $0x0;
	s20 =	sshll.u32 s5, $0x1;
	s5 =	sadd.s32 s21, s3  }
0x9d: {  	[timem:s7], [sflag:s22] =	dma.local [hbm:s5], s20  }
0x9e: {  	_ =	swait.ge [sflag:s22], s20  }
0x9f: {  	s4 =	ssub.s32 $0x0, s20;
	[sflag:s22] =	ssyncset.done $0x0  }
0xa0: {  	[sflag:s22] =	ssyncadd.s32 s4;
	_ =	sdelay $0x1  }
0xa1: {  	s23 =	simm.s32 $0x1B8B  }
0xa2: {  	_ =	swait.ge [sflag:s23], $0x1  }
0xa3: {  	[sflag:s23] =	ssyncset.done $0x0  }
0xa4: {  	s25 =	simm.s32 $0x1B8E;
	s24 =	sld [smem:$0x3FFE];
	[sflag:s23] =	ssyncadd.s32 $0xFFFFFFFF  }
0xa5: {  	s26 =	simm.s32 $execute0_lowered;
	[smem:$0x3FD2] =	sst s25  }
0xa6: {  	s5 =	sshll.u32 s26, $0x1;
	_ =	strace $0x80000046;
	[dreg:$0x1] =	wrdreg $0xFFFFFFFF  }
0xa7: {  	s28 =	simm.s32 $_size_execute0_lowered;
	s3 =	sadd.s32 s3, s5;
	[dreg:$0x0] =	wrdreg $0x0  }
0xa8: {  	s5 =	sshll.u32 s28, $0x1;
	[dreg:$0x2] =	wrdreg s3  }
0xa9: {  	[dreg:$0x3] =	wrdreg s5  }
0xaa: {  	[dreg:$0x4] =	wrdreg $0xC0  }
0xab: {  	_ =	task [dreg:s7], $0x5FFFF  }
0xac: {  	[dreg:$0x1] =	wrdreg $0xFFFFFFFF  }
0xad: {  	[dreg:$0x0] =	wrdreg $0x60  }
0xae: {  	[dreg:$0x2] =	wrdreg s24  }
0xaf: {  	[dreg:$0x3] =	wrdreg s2  }
0xb0: {  	[dreg:$0x4] =	wrdreg $0x9  }
0xb1: {  	_ =	task.clear_ibuf [dreg:s7], $0x5FFFF;
	_ =	strace $0x90000046  }
0xb2: {  	s29 =	simm.s32 $0x9;
	_ =	strace $0x80000048  }
0xb3: {  	_ =	swait.ge [sflag:s29], $0x1  }
0xb4: {  	[sflag:s29] =	ssyncadd.s32 $0xFFFFFFFF  }
0xb5: {  	_ =	strace $0x90000048  }
0xb6: {  	_ =	sfence  }
0xb7: {  	s30 =	sld [smem:$0x0];
	_ =	sdelay $0x2  }
0xb8: {  	s31 =	sshll.u32 s1, $0xD;
	s1 =	sshrl.u32 s1, $0x2  }
0xb9: {  	s3 =	sand.u32 $0x4000, s31;
	s1 =	sadd.s32 s1, s30  }
0xba: {  	s0 =	sor.u32 s3, s0;
	s1 =	sshll.u32 s1, $0x11  }
0xbb: {  	s0 =	sor.u32 s1, s0  }
0xbc: {  	s0 =	sadd.s32 $0x8F2B, s0  }
0xbd: {  	[sflag:s0] =	ssyncadd.remote.s32 $0x1  }
0xbe: {  	_ =	sfence.sel $0xFFFF  }
0xbf: {  	[dreg:$0x0] =	wrdreg $0xFFFFFFFF;
	(pc) =	sbr.abs _section_cstart, $3  }
0xc0: {  	[dreg:$0x1] =	wrdreg $0xFFFFFFFF  }
0xc1: {  	_ =	task.clear_ibuf [dreg:s7], $0x2FFFF;
	_ =	strace $0x9FFFFFFF  }
0xc2: {  	(tm) =	ssettm $0x7FFFFFFF  }
0xc3: {  	_ =	shalt  }
tec
execute0_lowered:
.L_overlay_start_1:
0x0: {  	(tag) =	ssettag $0x1  }
0x1: {  	s0 =	rddreg [dreg:$0x0]  }
0x2: {  	s1 =	rddreg [dreg:$0x1];
	s2 =	srdreg.scid  }
0x3: {  	s4 =	stileid.u32;
	s6 =	simm.s32 $0x0;
	s8 =	simm.s32 $0x1  }
0x4: {  	s9 =	simm.s32 $0x1400;
	s2 =	sand.u32 $0x1, s2;
	s3 =	sshll.u32 s4, $0x5  }
0x5: {  	s4 =	sshll.u32 s4, $0x9;
	s5 =	sshll.u32 s2, $0x4;
	s3 =	sand.u32 $0x60, s3  }
0x6: {  	s4 =	sand.u32 $0x1800, s4;
	s2 =	ssub.s32 $0x2, s2;
	s3 =	sor.u32 s5, s3  }
0x7: {  	[smem:$0x7FF] =	sst s6;
	s29 =	sshrl.u32 s2, $0x1;
	s3 =	sor.u32 s4, s3  }
0x8: {  	v0 =	vlaneseq.u32;
	_ =	strace $0x80000047;
	s2 =	ssub.s32 s2, s29;
	s30 =	sadd.s32 s1, s3  }
0x9: {  	v2 =	vmul.u32 $0xFFFFFFFF, v0;
	s0 =	sadd.s32 s3, s0;
	s31 =	smax.u32 s2, $0x1;
	[dreg:$0x4] =	wrdreg s30  }
0xa: {  	s10 =	simm.s32 $0x0;
	s0 =	sadd.s32 $0xE00, s0;
	[dreg:$0x5] =	wrdreg s31  }
0xb: {  	v1 =	vimm.s32 $0x0;
	v3 =	vmul.u32 $0x10, v0;
	v2 =	vadd.s32 $0xF, v2;
	s1 =	simm.s32 $0x80;
	s2 =	simm.s32 $0x400;
	[dreg:$0x3] =	wrdreg s0  }
.LBB2_1:
0xc: {  	s0 =	rddreg [dreg:$0x3]  }
0xd: {  	[tilespmem:s6], [sflag:$0x1] =	stream.strided.gather [hbm4b:s0+s1], $0x800, s2, s1, $0x38;
	[tilespmem:$0x1600] =	vst v63  }
0xe: {  	_ =	swait.ge [sflag:s8], $0x800  }
0xf: {  	[sflag:s8] =	ssyncset.done $0x0  }
0x10: {  	s0 =	simm.s32 $0x0;
	[sflag:s8] =	ssyncadd.s32 $0xFFFFF800  }
.LBB2_2:
0x11: {  	p0 =	sne.s32 s0, $0xFC0  }
.Ltmp0:
0x12: {  	_ = 	snop;
	(pc) =	sbr.rel @p0 .LBB2_2-.Ltmp0, $3  }
0x13: {  	_ =	sdelay $0x1  }
0x14: {  	s1 =	sshra.s32 s0, $0x2  }
0x15: {  	s0 =	sadd.s32 $0x40, s0;
	[tilespmem:s1+$0x1000] =	vst v1  }
0x16: {  	s1 =	simm.s32 $0x20  }
0x17: {  	v4 =	vld [tilespmem:s1+$0xFFFFFFE0];
	_ =	sdelay $0x4  }
0x18: {  	vm0 =	vgt.f32 v4, $0.0e+00  }
0x19: {  	v4 =	vnsel vm0, $0x0, v4  }
0x1a: {  	v5 =	vshrl.u32 v4, $0x17  }
0x1b: {  	v5 =	vand.u32 $0xFF, v5  }
0x1c: {  	(xrf1) =	vunique.msk.u32 $0xffff, v5  }
0x1d: {  	s0 =	simm.s32 $0x60  }
0x1e: {  	v6 =	vld [tilespmem:s0+$0xFFFFFFE0];
	_ =	sdelay $0x4  }
0x1f: {  	vm0 =	vgt.f32 v6, $0.0e+00  }
0x20: {  	v6 =	vnsel vm0, $0x0, v6  }
0x21: {  	v7 =	vshrl.u32 v6, $0x17  }
0x22: {  	v7 =	vand.u32 $0xFF, v7  }
0x23: {  	(xrf1) =	vunique.msk.u32 $0xffff, v7  }
0x24: {  	s29 =	simm.s32 $0xA0  }
0x25: {  	v8 =	vld [tilespmem:s29+$0xFFFFFFE0]  }
0x26: {  	_, v9, vm0 =	vpop (xrf1);
	_ =	sdelay $0x3  }
0x27: {  	s12 =	simm.s32 $0x820;
	vm1 =	vgt.f32 v8, $0.0e+00  }
0x28: {  	s11 =	simm.s32 $0x1000;
	v8 =	vnsel vm1, $0x0, v8;
	[tilespmem:s12+$0xFFFFFFE0] =	vst v4  }
0x29: {  	v4 =	vshrl.u32 v8, $0x17;
	[tilespmem:v5+s11+$0x0] =	vst.idx.add.s32.msk vm0, v9  }
0x2a: {  	v4 =	vand.u32 $0xFF, v4;
	v5 =	vld [tilespmem:s1+$0xFFFFFFF0]  }
0x2b: {  	(xrf1) =	vunique.msk.u32 $0xffff, v4;
	_ =	sdelay $0x2  }
0x2c: {  	_, v9, vm0 =	vpop (xrf1)  }
0x2d: {  	s26 =	simm.s32 $0xE0;
	vm1 =	vgt.f32 v5, $0.0e+00  }
0x2e: {  	s13 =	simm.s32 $0x860;
	v10 =	vld [tilespmem:s26+$0xFFFFFFE0];
	v5 =	vnsel vm1, $0x0, v5  }
0x2f: {  	[tilespmem:s13+$0xFFFFFFE0] =	vst v6;
	v6 =	vshrl.u32 v5, $0x17  }
0x30: {  	v6 =	vor.u32 $0x100, v6  }
0x31: {  	(xrf1) =	vunique.msk.u32 $0xffff, v6  }
0x32: {  	[tilespmem:v7+s11+$0x0] =	vst.idx.add.s32.msk vm0, v9  }
0x33: {  	vm0 =	vgt.f32 v10, $0.0e+00;
	v7 =	vld [tilespmem:s0+$0xFFFFFFF0]  }
0x34: {  	s19 =	simm.s32 $0x120;
	v9 =	vnsel vm0, $0x0, v10  }
0x35: {  	v11 =	vld [tilespmem:s19+$0xFFFFFFE0];
	v10 =	vshrl.u32 v9, $0x17  }
0x36: {  	v10 =	vand.u32 $0xFF, v10  }
0x37: {  	_, v12, vm1 =	vpop (xrf1);
	(xrf1) =	vunique.msk.u32 $0xffff, v10  }
0x38: {  	vm0 =	vgt.f32 v7, $0.0e+00  }
0x39: {  	v7 =	vnsel vm0, $0x0, v7  }
0x3a: {  	vm0 =	vgt.f32 v11, $0.0e+00;
	v13 =	vshrl.u32 v7, $0x17  }
0x3b: {  	s14 =	simm.s32 $0x8A0;
	v11 =	vnsel vm0, $0x0, v11;
	v13 =	vor.u32 $0x100, v13  }
0x3c: {  	[tilespmem:s14+$0xFFFFFFE0] =	vst v8;
	v14 =	vshrl.u32 v11, $0x17;
	(xrf1) =	vunique.msk.u32 $0xffff, v13  }
0x3d: {  	[tilespmem:v4+s11+$0x0] =	vst.idx.add.s32.msk vm1, v12;
	v8 =	vand.u32 $0xFF, v14  }
0x3e: {  	s20 =	simm.s32 $0x160;
	v4 =	vld [tilespmem:s29+$0xFFFFFFF0];
	(xrf1) =	vunique.msk.u32 $0xffff, v8  }
0x3f: {  	v14 =	vld [tilespmem:s20+$0xFFFFFFE0];
	_, v12, vm0 =	vpop (xrf1);
	_ =	sdelay $0x3  }
0x40: {  	vm2 =	vgt.f32 v4, $0.0e+00  }
0x41: {  	[tilespmem:s12+$0xFFFFFFF0] =	vst v5;
	v4 =	vnsel vm2, $0x0, v4;
	vm2 =	vgt.f32 v14, $0.0e+00  }
0x42: {  	_, v15, vm1 =	vpop (xrf1);
	[tilespmem:v6+s11+$0x0] =	vst.idx.add.s32.msk vm0, v12;
	v6 =	vnsel vm2, $0x0, v14  }
0x43: {  	v14 =	vshrl.u32 v6, $0x17;
	_ =	sdelay $0x1  }
0x44: {  	v5 =	vshrl.u32 v4, $0x17  }
0x45: {  	s15 =	simm.s32 $0x8E0;
	v5 =	vor.u32 $0x100, v5;
	v12 =	vld [tilespmem:s1+$0x0]  }
0x46: {  	[tilespmem:s15+$0xFFFFFFE0] =	vst v9;
	(xrf1) =	vunique.msk.u32 $0xffff, v5;
	v9 =	vand.u32 $0xFF, v14;
	_, v14, vm0 =	vpop (xrf1)  }
0x47: {  	[tilespmem:v10+s11+$0x0] =	vst.idx.add.s32.msk vm1, v15  }
0x48: {  	v10 =	vld [tilespmem:s26+$0xFFFFFFF0];
	_, v15, vm1 =	vpop (xrf1)  }
0x49: {  	s22 =	simm.s32 $0x1A0;
	(xrf1) =	vunique.msk.u32 $0xffff, v9  }
0x4a: {  	v16 =	vld [tilespmem:s22+$0xFFFFFFE0];
	vm2 =	vgt.f32 v12, $0.0e+00  }
0x4b: {  	[tilespmem:s13+$0xFFFFFFF0] =	vst v7;
	v12 =	vnsel vm2, $0x0, v12  }
0x4c: {  	s16 =	simm.s32 $0x920;
	v7 =	vshrl.u32 v12, $0x17;
	[tilespmem:v13+s11+$0x0] =	vst.idx.add.s32.msk vm0, v14  }
0x4d: {  	[tilespmem:s16+$0xFFFFFFE0] =	vst v11;
	vm0 =	vgt.f32 v10, $0.0e+00;
	v13 =	vand.u32 $0xFF, v7;
	v14 =	vld [tilespmem:s0+$0x0]  }
0x4e: {  	v10 =	vnsel vm0, $0x0, v10;
	v13 =	vor.u32 $0x200, v13;
	[tilespmem:v8+s11+$0x0] =	vst.idx.add.s32.msk vm1, v15  }
0x4f: {  	vm0 =	vgt.f32 v16, $0.0e+00;
	v11 =	vshrl.u32 v10, $0x17;
	(xrf1) =	vunique.msk.u32 $0xffff, v13;
	v8 =	vld [tilespmem:s19+$0xFFFFFFF0]  }
0x50: {  	v15 =	vnsel vm0, $0x0, v16;
	v11 =	vor.u32 $0x100, v11  }
0x51: {  	v16 =	vshrl.u32 v15, $0x17;
	(xrf1) =	vunique.msk.u32 $0xffff, v11  }
0x52: {  	v16 =	vand.u32 $0xFF, v16;
	vm0 =	vgt.f32 v14, $0.0e+00  }
0x53: {  	(xrf1) =	vunique.msk.u32 $0xffff, v16;
	v14 =	vnsel vm0, $0x0, v14  }
0x54: {  	_, v17, vm1 =	vpop (xrf1);
	vm2 =	vgt.f32 v8, $0.0e+00;
	v18 =	vshrl.u32 v14, $0x17  }
0x55: {  	v22 =	vnsel vm2, $0x0, v8;
	v21 =	vand.u32 $0xFF, v18  }
0x56: {  	v8 =	vshrl.u32 v22, $0x17;
	v21 =	vor.u32 $0x200, v21  }
0x57: {  	[tilespmem:s14+$0xFFFFFFF0] =	vst v4;
	_, v20, vm0 =	vpop (xrf1);
	v4 =	vor.u32 $0x100, v8;
	(xrf1) =	vunique.msk.u32 $0xffff, v21  }
0x58: {  	s18 =	simm.s32 $0x1E0;
	(xrf1) =	vunique.msk.u32 $0xffff, v4  }
0x59: {  	v19 =	vld [tilespmem:s18+$0xFFFFFFE0]  }
0x5a: {  	[tilespmem:v5+s11+$0x0] =	vst.idx.add.s32.msk vm1, v17  }
0x5b: {  	s17 =	simm.s32 $0x960;
	v5 =	vld [tilespmem:s29+$0x0]  }
0x5c: {  	[tilespmem:s17+$0xFFFFFFE0] =	vst v6  }
0x5d: {  	v7 =	vand.u32 $0x7F, v7;
	v13 =	vand.u32 $0x280, v13;
	[tilespmem:v9+s11+$0x0] =	vst.idx.add.s32.msk vm0, v20;
	_, v17, vm0 =	vpop (xrf1)  }
0x5e: {  	v13 =	vor.u32 v7, v13;
	vm1 =	vgt.f32 v19, $0.0e+00  }
0x5f: {  	v6 =	vnsel vm1, $0x0, v19;
	_, v19, vm1 =	vpop (xrf1)  }
0x60: {  	v8 =	vshrl.u32 v6, $0x17;
	vm2 =	vgt.f32 v5, $0.0e+00  }
0x61: {  	s23 =	simm.s32 $0x220;
	v20 =	vand.u32 $0xFF, v8;
	v9 =	vld [tilespmem:s20+$0xFFFFFFF0];
	v7 =	vnsel vm2, $0x0, v5;
	_, v5, vm2 =	vpop (xrf1)  }
0x62: {  	v24 =	vld [tilespmem:s23+$0xFFFFFFE0];
	[tilespmem:s12+$0x0] =	vst v12;
	v23 =	vshrl.u32 v7, $0x17;
	(xrf1) =	vunique.msk.u32 $0xffff, v20  }
0x63: {  	v12 =	vand.u32 $0xFF, v23;
	[tilespmem:v13+s11+$0x0] =	vst.idx.add.s32.msk vm0, v17  }
0x64: {  	[tilespmem:s15+$0xFFFFFFF0] =	vst v10;
	v25 =	vor.u32 $0x200, v12;
	v12 =	vld [tilespmem:s1+$0x10]  }
0x65: {  	s21 =	simm.s32 $0x9A0;
	v10 =	vand.u32 $0x280, v21;
	[tilespmem:v11+s11+$0x0] =	vst.idx.add.s32.msk vm1, v19;
	v11 =	vand.u32 $0x7F, v18;
	_, v13, vm0 =	vpop (xrf1)  }
0x66: {  	[tilespmem:s21+$0xFFFFFFE0] =	vst v15;
	vm3 =	vgt.f32 v9, $0.0e+00;
	v11 =	vor.u32 v11, v10;
	_, v15, vm1 =	vpop (xrf1)  }
0x67: {  	v8 =	vnsel vm3, $0x0, v9;
	[tilespmem:v16+s11+$0x0] =	vst.idx.add.s32.msk vm2, v5;
	vm2 =	vgt.f32 v24, $0.0e+00  }
0x68: {  	(xrf1) =	vunique.msk.u32 $0xffff, v25;
	v9 =	vshrl.u32 v8, $0x17;
	v10 =	vnsel vm2, $0x0, v24  }
0x69: {  	[tilespmem:s13+$0x0] =	vst v14;
	v9 =	vor.u32 $0x100, v9;
	v17 =	vld [tilespmem:s26+$0x0];
	v5 =	vshrl.u32 v10, $0x17;
	vm2 =	vgt.f32 v12, $0.0e+00  }
0x6a: {  	[tilespmem:s16+$0xFFFFFFF0] =	vst v22;
	(xrf1) =	vunique.msk.u32 $0xffff, v9;
	v18 =	vld [tilespmem:s22+$0xFFFFFFF0];
	v16 =	vand.u32 $0xFF, v5;
	v5 =	vnsel vm2, $0x0, v12  }
0x6b: {  	[tilespmem:v11+s11+$0x0] =	vst.idx.add.s32.msk vm0, v13;
	v11 =	vshrl.u32 v5, $0x17  }
0x6c: {  	s25 =	simm.s32 $0x260;
	(xrf1) =	vunique.msk.u32 $0xffff, v16;
	[tilespmem:v4+s11+$0x0] =	vst.idx.add.s32.msk vm1, v15;
	v4 =	vor.u32 $0x300, v11  }
0x6d: {  	v21 =	vld [tilespmem:s25+$0xFFFFFFE0];
	(xrf1) =	vunique.msk.u32 $0xffff, v4  }
0x6e: {  	vm3 =	vgt.f32 v17, $0.0e+00  }
0x6f: {  	v12 =	vnsel vm3, $0x0, v17  }
0x70: {  	_, v24, vm0 =	vpop (xrf1);
	vm2 =	vgt.f32 v18, $0.0e+00;
	v17 =	vshrl.u32 v12, $0x17  }
0x71: {  	v13 =	vnsel vm2, $0x0, v18;
	v11 =	vand.u32 $0xFF, v17  }
0x72: {  	v22 =	vld [tilespmem:s0+$0x10];
	vm1 =	vgt.f32 v21, $0.0e+00;
	v18 =	vor.u32 $0x200, v11;
	v11 =	vshrl.u32 v13, $0x17  }
0x73: {  	s24 =	simm.s32 $0x9E0;
	(xrf1) =	vunique.msk.u32 $0xffff, v18;
	v14 =	vor.u32 $0x100, v11;
	v11 =	vnsel vm1, $0x0, v21  }
0x74: {  	[tilespmem:s24+$0xFFFFFFE0] =	vst v6;
	v19 =	vld [tilespmem:s19+$0x0];
	v6 =	vshrl.u32 v11, $0x17  }
0x75: {  	(xrf1) =	vunique.msk.u32 $0xffff, v14;
	v15 =	vand.u32 $0xFF, v6  }
0x76: {  	v23 =	vand.u32 $0x7F, v23;
	v25 =	vand.u32 $0x280, v25;
	_, v21, vm1 =	vpop (xrf1);
	[tilespmem:v20+s11+$0x0] =	vst.idx.add.s32.msk vm0, v24;
	(xrf1) =	vunique.msk.u32 $0xffff, v15  }
0x77: {  	s3 =	simm.s32 $0x24;
	s4 =	simm.s32 $0x2A0;
	s28 =	simm.s32 $0x1000;
	v23 =	vor.u32 v23, v25;
	vm2 =	vgt.f32 v22, $0.0e+00;
	v20 =	vld [tilespmem:s18+$0xFFFFFFF0]  }
0x78: {  	s7 =	simm.s32 $0x1000;
	s31 =	simm.s32 $0x1000;
	s30 =	simm.s32 $0x1000;
	v6 =	vnsel vm2, $0x0, v22;
	_, v22, vm2 =	vpop (xrf1)  }
0x79: {  	s6 =	simm.s32 $0x1000;
	s1 =	simm.s32 $0x1000;
	s0 =	simm.s32 $0x1000;
	vm3 =	vgt.f32 v19, $0.0e+00;
	v24 =	vshrl.u32 v6, $0x17  }
.LBB2_4:
0x7a: {  	v25 =	vld [tilespmem:s4+$0xFFFFFFE0];
	s3 =	sadd.s32 $0x4, s3;
	v19 =	vnsel vm3, $0x0, v19;
	v26 =	vor.u32 $0x300, v24;
	v27 =	vmov v6;
	s2 =	smov.u32 s14;
	s14 =	smov.u32 s15  }
0x7b: {  	s15 =	smov.u32 s16;
	s16 =	smov.u32 s17;
	p0 =	slt.u32 s3, $0x7C;
	_, v6, vm3 =	vpop (xrf1);
	v24 =	vshrl.u32 v19, $0x17;
	[tilespmem:s2+$0x0] =	vst v7;
	(xrf1) =	vunique.msk.u32 $0xffff, v26;
	v7 =	vmov v12  }
0x7c: {  	s17 =	smov.u32 s21;
	s21 =	smov.u32 s24;
	s5 =	smov.u32 s7;
	v12 =	vmov v19;
	vm0 =	vgt.f32 v20, $0.0e+00;
	v28 =	vand.u32 $0xFF, v24;
	[tilespmem:v23+s28+$0x0] =	vst.idx.add.s32.msk vm1, v21  }
0x7d: {  	s7 =	smov.u32 s31;
	s31 =	smov.u32 s28;
	s28 =	smov.u32 s0;
	[tilespmem:s16+$0xFFFFFFF0] =	vst v8;
	v28 =	vor.u32 $0x200, v28;
	v29 =	vld [tilespmem:s29+$0x10];
	v8 =	vmov v13;
	v13 =	vnsel vm0, $0x0, v20  }
0x7e: {  	s0 =	smov.u32 s1;
	s1 =	smov.u32 s30;
	v19 =	vshrl.u32 v13, $0x17;
	[tilespmem:v9+s30+$0x0] =	vst.idx.add.s32.msk vm2, v22;
	(xrf1) =	vunique.msk.u32 $0xffff, v28;
	_, v30, vm0 =	vpop (xrf1);
	v9 =	vmov v14;
	s30 =	smov.u32 s6  }
0x7f: {  	s24 =	sadd.s32 $0x40, s24;
	s29 =	smov.u32 s26;
	s6 =	smov.u32 s11;
	vm1 =	vgt.f32 v25, $0.0e+00;
	v14 =	vor.u32 $0x100, v19;
	v19 =	vld [tilespmem:s20+$0x0]  }
.Ltmp1:
0x80: {  	s26 =	smov.u32 s19;
	[tilespmem:s24+$0xFFFFFFE0] =	vst v10;
	(xrf1) =	vunique.msk.u32 $0xffff, v14;
	v10 =	vmov v11;
	v11 =	vnsel vm1, $0x0, v25;
	(pc) =	sbr.rel @p0 .LBB2_4-.Ltmp1, $4  }
0x81: {  	v31 =	vand.u32 $0x7F, v17;
	s19 =	smov.u32 s20;
	s20 =	smov.u32 s22;
	s22 =	smov.u32 s18;
	v20 =	vshrl.u32 v11, $0x17;
	[tilespmem:v16+s11+$0x0] =	vst.idx.add.s32.msk vm3, v6;
	v6 =	vand.u32 $0x280, v18;
	_, v21, vm1 =	vpop (xrf1)  }
0x82: {  	v17 =	vmovc v24;
	s18 =	smov.u32 s23;
	v18 =	vmovc v28;
	v25 =	vand.u32 $0xFF, v20;
	v20 =	vld [tilespmem:s23+$0xFFFFFFF0];
	v23 =	vor.u32 v31, v6;
	vm3 =	vgt.f32 v29, $0.0e+00;
	s23 =	smov.u32 s25;
	s25 =	smov.u32 s4  }
0x83: {  	v16 =	vmov v15;
	(xrf1) =	vunique.msk.u32 $0xffff, v25;
	_, v22, vm2 =	vpop (xrf1);
	v6 =	vnsel vm3, $0x0, v29;
	[tilespmem:s12+$0x10] =	vst v5;
	s12 =	smov.u32 s13;
	s13 =	smov.u32 s2  }
0x84: {  	s4 =	sadd.s32 $0x40, s4;
	s2 =	simm.s32 $0x1500;
	v15 =	vmovc v25;
	v5 =	vmovc v27;
	vm3 =	vgt.f32 v19, $0.0e+00;
	v24 =	vshrl.u32 v6, $0x17;
	[tilespmem:v4+s5+$0x0] =	vst.idx.add.s32.msk vm0, v30;
	v4 =	vmov v26  }
0x85: {  	_ =	sdelay $0x4  }
0x86: {  	_, v25, vm4 =	vpop (xrf1);
	[tilespmem:s14+$0x0] =	vst v7  }
0x87: {  	[tilespmem:s17+$0xFFFFFFF0] =	vst v8;
	_, v7, vm0 =	vpop (xrf1)  }
0x88: {  	v18 =	vand.u32 $0x280, v18;
	v17 =	vand.u32 $0x7F, v17;
	[tilespmem:v23+s28+$0x0] =	vst.idx.add.s32.msk vm1, v21;
	_, v21, vm1 =	vpop (xrf1)  }
0x89: {  	v8 =	vor.u32 v17, v18;
	[tilespmem:v9+s30+$0x0] =	vst.idx.add.s32.msk vm2, v22  }
0x8a: {  	s3 =	sadd.s32 $0x40, s24;
	v23 =	vld [tilespmem:s29+$0x10];
	_, v9, vm2 =	vpop (xrf1)  }
0x8b: {  	s4 =	simm.s32 $0x1000;
	[tilespmem:s3+$0xFFFFFFE0] =	vst v10;
	v47 =	vld [tilespmem:s20+$0x0]  }
0x8c: {  	[tilespmem:v16+s4+$0x0] =	vst.idx.add.s32.msk vm4, v25  }
0x8d: {  	[tilespmem:s15+$0x0] =	vst v12;
	v16 =	vld [tilespmem:s23+$0xFFFFFFF0];
	_, v10, vm15 =	vpop (xrf1)  }
0x8e: {  	v48 =	vnsel vm3, $0x0, v19;
	[tilespmem:v8+s0+$0x0] =	vst.idx.add.s32.msk vm1, v21  }
0x8f: {  	[tilespmem:s21+$0xFFFFFFF0] =	vst v13;
	v49 =	vshrl.u32 v48, $0x17;
	vm6 =	vgt.f32 v20, $0.0e+00;
	v50 =	vld [tilespmem:s26+$0x10]  }
0x90: {  	s5 =	sadd.s32 $0x40, s3;
	v51 =	vand.u32 $0xFF, v49;
	v20 =	vnsel vm6, $0x0, v20;
	vm8 =	vgt.f32 v47, $0.0e+00;
	[tilespmem:v14+s6+$0x0] =	vst.idx.add.s32.msk vm2, v9  }
0x91: {  	[tilespmem:s5+$0xFFFFFFE0] =	vst v11;
	v52 =	vor.u32 $0x200, v51;
	v17 =	vnsel vm8, $0x0, v47;
	v8 =	vor.u32 $0x300, v24;
	v53 =	vld [tilespmem:s22+$0x0]  }
0x92: {  	vm7 =	vgt.f32 v23, $0.0e+00;
	v55 =	vshrl.u32 v17, $0x17;
	(xrf1) =	vunique.msk.u32 $0xffff, v8;
	v9 =	vshrl.u32 v20, $0x17  }
0x93: {  	(xrf1) =	vunique.msk.u32 $0xffff, v52;
	v54 =	vor.u32 $0x100, v9;
	v9 =	vnsel vm7, $0x0, v23;
	[tilespmem:v15+s4+$0x0] =	vst.idx.add.s32.msk vm15, v10  }
0x94: {  	v11 =	vand.u32 $0xFF, v55;
	v10 =	vshrl.u32 v9, $0x17;
	v56 =	vld [tilespmem:s25+$0xFFFFFFF0]  }
0x95: {  	v57 =	vor.u32 $0x200, v11;
	vm9 =	vgt.f32 v16, $0.0e+00;
	(xrf1) =	vunique.msk.u32 $0xffff, v54;
	v10 =	vor.u32 $0x300, v10  }
0x96: {  	v16 =	vnsel vm9, $0x0, v16;
	vm10 =	vgt.f32 v50, $0.0e+00;
	(xrf1) =	vunique.msk.u32 $0xffff, v10;
	vm11 =	vgt.f32 v53, $0.0e+00  }
0x97: {  	v58 =	vshrl.u32 v16, $0x17;
	v11 =	vnsel vm10, $0x0, v50;
	(xrf1) =	vunique.msk.u32 $0xffff, v57;
	v59 =	vnsel vm11, $0x0, v53  }
0x98: {  	v60 =	vor.u32 $0x100, v58;
	v61 =	vshrl.u32 v11, $0x17;
	v62 =	vshrl.u32 v59, $0x17  }
0x99: {  	(xrf1) =	vunique.msk.u32 $0xffff, v60;
	v24 =	vor.u32 $0x300, v61;
	vm12 =	vgt.f32 v56, $0.0e+00;
	v26 =	vand.u32 $0xFF, v62  }
0x9a: {  	(xrf1) =	vunique.msk.u32 $0xffff, v24;
	v22 =	vnsel vm12, $0x0, v56;
	v26 =	vor.u32 $0x200, v26  }
0x9b: {  	v27 =	vshrl.u32 v22, $0x17;
	(xrf1) =	vunique.msk.u32 $0xffff, v26  }
0x9c: {  	v27 =	vor.u32 $0x100, v27  }
0x9d: {  	(xrf1) =	vunique.msk.u32 $0xffff, v27;
	_ =	sdelay $0x2  }
0x9e: {  	_, v28, vm1 =	vpop (xrf1)  }
0x9f: {  	v18 =	vand.u32 $0x7F, v49;
	v14 =	vand.u32 $0x280, v52;
	_, v29, vm13 =	vpop (xrf1)  }
0xa0: {  	v14 =	vor.u32 v18, v14  }
0xa1: {  	_, v63, vm14 =	vpop (xrf1)  }
0xa2: {  	_, v30, vm2 =	vpop (xrf1)  }
0xa3: {  	v23 =	vand.u32 $0x280, v57;
	v15 =	vand.u32 $0x7F, v55;
	_, v31, vm5 =	vpop (xrf1)  }
0xa4: {  	[tilespmem:s16+$0x0] =	vst v48;
	v33 =	vor.u32 v15, v23  }
0xa5: {  	[tilespmem:v14+s1+$0x0] =	vst.idx.add.s32.msk vm13, v29;
	_, v34, vm6 =	vpop (xrf1)  }
0xa6: {  	[tilespmem:s24+$0xFFFFFFF0] =	vst v20;
	v35 =	vld [tilespmem:s19+$0x10];
	_, v36, vm3 =	vpop (xrf1)  }
0xa7: {  	v38 =	vand.u32 $0x7F, v62;
	v37 =	vand.u32 $0x280, v26;
	[tilespmem:v54+s11+$0x0] =	vst.idx.add.s32.msk vm14, v63;
	_, v39, vm15 =	vpop (xrf1)  }
0xa8: {  	[tilespmem:s17+$0x0] =	vst v17;
	v41 =	vor.u32 v38, v37;
	v40 =	vld [tilespmem:s18+$0x0]  }
0xa9: {  	[tilespmem:v33+s30+$0x0] =	vst.idx.add.s32.msk vm5, v31;
	_, v12, vm5 =	vpop (xrf1)  }
0xaa: {  	[tilespmem:s3+$0xFFFFFFF0] =	vst v16;
	v42 =	vld [tilespmem:s20+$0x10]  }
0xab: {  	[tilespmem:v60+s4+$0x0] =	vst.idx.add.s32.msk vm6, v34  }
0xac: {  	[tilespmem:s21+$0x0] =	vst v59;
	v14 =	vld [tilespmem:s23+$0x0]  }
0xad: {  	[tilespmem:v41+s6+$0x0] =	vst.idx.add.s32.msk vm15, v39  }
0xae: {  	[tilespmem:s5+$0xFFFFFFF0] =	vst v22;
	v13 =	vld [tilespmem:s22+$0x10]  }
0xaf: {  	vm8 =	vgt.f32 v35, $0.0e+00;
	[tilespmem:v27+s4+$0x0] =	vst.idx.add.s32.msk vm5, v12  }
0xb0: {  	v43 =	vnsel vm8, $0x0, v35;
	vm9 =	vgt.f32 v40, $0.0e+00;
	v44 =	vld [tilespmem:s25+$0x0]  }
0xb1: {  	v45 =	vshrl.u32 v43, $0x17;
	v46 =	vnsel vm9, $0x0, v40;
	vm10 =	vgt.f32 v42, $0.0e+00  }
0xb2: {  	v17 =	vor.u32 $0x300, v45;
	v47 =	vshrl.u32 v46, $0x17;
	v16 =	vnsel vm10, $0x0, v42  }
0xb3: {  	v48 =	vand.u32 $0xFF, v47;
	vm11 =	vgt.f32 v14, $0.0e+00;
	v49 =	vshrl.u32 v16, $0x17  }
0xb4: {  	v21 =	vor.u32 $0x200, v48;
	v14 =	vnsel vm11, $0x0, v14;
	v22 =	vor.u32 $0x300, v49  }
0xb5: {  	(xrf1) =	vunique.msk.u32 $0xffff, v17;
	v50 =	vshrl.u32 v14, $0x17;
	vm12 =	vgt.f32 v13, $0.0e+00;
	vm13 =	vgt.f32 v44, $0.0e+00  }
0xb6: {  	(xrf1) =	vunique.msk.u32 $0xffff, v21;
	v51 =	vand.u32 $0xFF, v50;
	v13 =	vnsel vm12, $0x0, v13;
	v15 =	vnsel vm13, $0x0, v44  }
0xb7: {  	(xrf1) =	vunique.msk.u32 $0xffff, v22;
	v25 =	vor.u32 $0x200, v51;
	v52 =	vshrl.u32 v13, $0x17;
	v53 =	vshrl.u32 v15, $0x17  }
0xb8: {  	(xrf1) =	vunique.msk.u32 $0xffff, v25;
	v26 =	vor.u32 $0x300, v52;
	v54 =	vand.u32 $0xFF, v53  }
0xb9: {  	(xrf1) =	vunique.msk.u32 $0xffff, v26;
	v29 =	vor.u32 $0x200, v54  }
0xba: {  	(xrf1) =	vunique.msk.u32 $0xffff, v29;
	_ =	sdelay $0x8  }
0xbb: {  	_, v55, vm4 =	vpop (xrf1)  }
0xbc: {  	v19 =	vand.u32 $0x7F, v47;
	v21 =	vand.u32 $0x280, v21;
	_, v32, vm7 =	vpop (xrf1)  }
0xbd: {  	v19 =	vor.u32 v19, v21;
	_, v56, vm14 =	vpop (xrf1)  }
0xbe: {  	v23 =	vand.u32 $0x7F, v50;
	v25 =	vand.u32 $0x280, v25;
	_, v33, vm8 =	vpop (xrf1)  }
0xbf: {  	v23 =	vor.u32 v23, v25;
	_, v57, vm15 =	vpop (xrf1)  }
0xc0: {  	v27 =	vand.u32 $0x7F, v53;
	v29 =	vand.u32 $0x280, v29;
	_, v34, vm9 =	vpop (xrf1)  }
0xc1: {  	[tilespmem:s24+$0x0] =	vst v46;
	v58 =	vor.u32 v27, v29  }
0xc2: {  	[tilespmem:v19+s11+$0x0] =	vst.idx.add.s32.msk vm7, v32  }
0xc3: {  	[tilespmem:s3+$0x0] =	vst v14;
	v59 =	vld [tilespmem:s18+$0x10]  }
0xc4: {  	[tilespmem:v23+s4+$0x0] =	vst.idx.add.s32.msk vm8, v33  }
0xc5: {  	[tilespmem:s5+$0x0] =	vst v15;
	v60 =	vld [tilespmem:s23+$0x10]  }
0xc6: {  	[tilespmem:v58+s4+$0x0] =	vst.idx.add.s32.msk vm9, v34  }
0xc7: {  	v15 =	vld [tilespmem:s25+$0x10];
	_ =	sdelay $0x2  }
0xc8: {  	vm11 =	vgt.f32 v59, $0.0e+00  }
0xc9: {  	v14 =	vnsel vm11, $0x0, v59;
	vm12 =	vgt.f32 v60, $0.0e+00  }
0xca: {  	v61 =	vshrl.u32 v14, $0x17;
	v19 =	vnsel vm12, $0x0, v60;
	vm13 =	vgt.f32 v15, $0.0e+00  }
0xcb: {  	v18 =	vor.u32 $0x300, v61;
	v62 =	vshrl.u32 v19, $0x17;
	v15 =	vnsel vm13, $0x0, v15  }
0xcc: {  	(xrf1) =	vunique.msk.u32 $0xffff, v18;
	v23 =	vor.u32 $0x300, v62;
	v63 =	vshrl.u32 v15, $0x17  }
0xcd: {  	(xrf1) =	vunique.msk.u32 $0xffff, v23;
	v27 =	vor.u32 $0x300, v63  }
0xce: {  	(xrf1) =	vunique.msk.u32 $0xffff, v27  }
0xcf: {  	[tilespmem:s12+$0x10] =	vst v5  }
0xd0: {  	[tilespmem:s13+$0x10] =	vst v6  }
0xd1: {  	[tilespmem:v4+s7+$0x0] =	vst.idx.add.s32.msk vm0, v7  }
0xd2: {  	[tilespmem:s14+$0x10] =	vst v9  }
0xd3: {  	[tilespmem:s15+$0x10] =	vst v11  }
0xd4: {  	[tilespmem:v8+s31+$0x0] =	vst.idx.add.s32.msk vm1, v28  }
0xd5: {  	[tilespmem:v10+s28+$0x0] =	vst.idx.add.s32.msk vm2, v30  }
0xd6: {  	[tilespmem:v24+s0+$0x0] =	vst.idx.add.s32.msk vm3, v36  }
0xd7: {  	[tilespmem:s16+$0x10] =	vst v43  }
0xd8: {  	[tilespmem:s17+$0x10] =	vst v16  }
0xd9: {  	[tilespmem:s21+$0x10] =	vst v13  }
0xda: {  	[tilespmem:v17+s1+$0x0] =	vst.idx.add.s32.msk vm4, v55;
	_, v4, vm0 =	vpop (xrf1)  }
0xdb: {  	[tilespmem:v22+s30+$0x0] =	vst.idx.add.s32.msk vm14, v56;
	_, v5, vm14 =	vpop (xrf1)  }
0xdc: {  	[tilespmem:v26+s6+$0x0] =	vst.idx.add.s32.msk vm15, v57;
	_, v6, vm15 =	vpop (xrf1)  }
0xdd: {  	[tilespmem:s24+$0x10] =	vst v14  }
0xde: {  	[tilespmem:s3+$0x10] =	vst v19  }
0xdf: {  	[tilespmem:s5+$0x10] =	vst v15  }
0xe0: {  	[tilespmem:v18+s11+$0x0] =	vst.idx.add.s32.msk vm0, v4  }
0xe1: {  	[tilespmem:v23+s4+$0x0] =	vst.idx.add.s32.msk vm14, v5  }
0xe2: {  	s22 =	simm.s32 $0x0;
	[tilespmem:v27+s4+$0x0] =	vst.idx.add.s32.msk vm15, v6  }
0xe3: {  	s0 =	sand.u32 $0xF0, s22;
	v4 =	vld [tilespmem:s4+$0x0]  }
0xe4: {  	v5 =	vld [tilespmem:s0+$0x1100]  }
0xe5: {  	v6 =	vld [tilespmem:s0+$0x1200]  }
0xe6: {  	s23 =	simm.s32 $0x10;
	s24 =	simm.s32 $0x1010;
	v7 =	vld [tilespmem:s0+$0x1300]  }
0xe7: {  	s25 =	sand.u32 $0xF0, s23;
	v8 =	vld [tilespmem:s24+$0x0]  }
0xe8: {  	v9 =	vld [tilespmem:s25+$0x1100]  }
0xe9: {  	v10 =	vld [tilespmem:s25+$0x1200];
	v4 =	vadd.s32 v4, v5  }
0xea: {  	v5 =	vld [tilespmem:s25+$0x1300];
	v4 =	vadd.s32 v6, v4  }
0xeb: {  	s26 =	simm.s32 $0x20;
	s28 =	simm.s32 $0x1020;
	v11 =	vadd.s32 v7, v4  }
0xec: {  	s0 =	sand.u32 $0xF0, s26;
	v6 =	vld [tilespmem:s28+$0x0];
	v4 =	vperm.xlane v11, v2  }
0xed: {  	v7 =	vadd.s32 v8, v9;
	v8 =	vld [tilespmem:s0+$0x1100]  }
0xee: {  	v9 =	vld [tilespmem:s0+$0x1200];
	v7 =	vadd.s32 v10, v7;
	(xrf0) =	vadd.scan.msk.s32 $0xffff, v4  }
0xef: {  	v4 =	vadd.s32 v5, v7;
	v5 =	vld [tilespmem:s0+$0x1300];
	_ =	sdelay $0x1  }
0xf0: {  	v7 =	vperm.xlane v4, v2  }
0xf1: {  	v6 =	vadd.s32 v6, v8  }
0xf2: {  	s29 =	simm.s32 $0x30;
	s30 =	simm.s32 $0x1030;
	(xrf0) =	vadd.scan.msk.s32 $0xffff, v7;
	v7 =	vadd.s32 v9, v6  }
0xf3: {  	s31 =	sand.u32 $0xF0, s29;
	v6 =	vld [tilespmem:s30+$0x0];
	v5 =	vadd.s32 v5, v7;
	v8, _, _ =	vpop (xrf0)  }
0xf4: {  	v7 =	vld [tilespmem:s31+$0x1100];
	v10 =	vperm.xlane v5, v2;
	v9 =	vperm.xlane v8, v2  }
0xf5: {  	[tilespmem:s2+$0x0] =	vst v11;
	s0 =	simm.s32 $0x1400;
	v8 =	vld [tilespmem:s31+$0x1200]  }
0xf6: {  	[tilespmem:s0+$0x0] =	vst v9;
	v9 =	vld [tilespmem:s31+$0x1300];
	_ =	sdelay $0x1  }
0xf7: {  	s1 =	simm.s32 $0x1510;
	s3 =	simm.s32 $0x1040;
	s2 =	simm.s32 $0x40;
	(xrf0) =	vadd.scan.msk.s32 $0xffff, v10;
	v10, _, _ =	vpop (xrf0)  }
.LBB2_6:
0xf8: {  	s4 =	sand.u32 $0xF0, s2;
	p0 =	sne.s32 s2, $0xF0;
	s2 =	sadd.s32 $0x10, s2;
	v11 =	vadd.s32 v6, v7;
	v6 =	vld [tilespmem:s3+$0x0];
	v10 =	vperm.xlane v10, v2  }
.Ltmp2:
0xf9: {  	s0 =	sadd.s32 $0x10, s0;
	v7 =	vld [tilespmem:s4+$0x1100];
	v11 =	vadd.s32 v8, v11;
	[tilespmem:s1+$0x0] =	vst v4;
	v4 =	vmov v5;
	(pc) =	sbr.rel @p0 .LBB2_6-.Ltmp2, $3  }
0xfa: {  	v8 =	vld [tilespmem:s4+$0x1200];
	v5 =	vadd.s32 v9, v11;
	[tilespmem:s0+$0x0] =	vst v10  }
0xfb: {  	v9 =	vld [tilespmem:s4+$0x1300];
	v11 =	vperm.xlane v5, v2;
	_ =	sdelay $0x1  }
0xfc: {  	s3 =	sadd.s32 $0x10, s3;
	s1 =	sadd.s32 $0x10, s1;
	(xrf0) =	vadd.scan.msk.s32 $0xffff, v11;
	v10, _, _ =	vpop (xrf0)  }
0xfd: {  	v6 =	vadd.s32 v6, v7  }
0xfe: {  	v6 =	vadd.s32 v8, v6  }
0xff: {  	v6 =	vadd.s32 v9, v6  }
0x100: {  	v7 =	vperm.xlane v6, v2;
	_ =	sdelay $0x1  }
0x101: {  	(xrf0) =	vadd.scan.msk.s32 $0xffff, v7;
	_ =	sdelay $0x3  }
0x102: {  	[tilespmem:s1+$0x0] =	vst v4;
	s30 =	sadd.s32 $0x10, s1;
	v7 =	vperm.xlane v10, v2;
	v4, _, _ =	vpop (xrf0)  }
0x103: {  	s0 =	sadd.s32 $0x10, s0;
	[tilespmem:s30+$0x0] =	vst v5;
	v4 =	vperm.xlane v4, v2  }
0x104: {  	[tilespmem:s0+$0x0] =	vst v7;
	s0 =	sadd.s32 $0x10, s0;
	v5, _, _ =	vpop (xrf0)  }
0x105: {  	s1 =	sadd.s32 $0x10, s30;
	[tilespmem:s0+$0x0] =	vst v4;
	v4 =	vperm.xlane v5, v2  }
0x106: {  	[tilespmem:s1+$0x0] =	vst v6;
	s0 =	sadd.s32 $0x10, s0  }
0x107: {  	[tilespmem:s0+$0x0] =	vst v4  }
0x108: {  	v6 =	vld.idx.msk [tilespmem:v3+s9+$0x0], $0xffff;
	_ =	sdelay $0x4  }
0x109: {  	v4 =	vperm.xlane v6, v2;
	_ =	sdelay $0x1  }
0x10a: {  	(xrf0) =	vadd.scan.msk.s32 $0xffff, v4;
	_ =	sdelay $0x5  }
0x10b: {  	v4, _, _ =	vpop (xrf0)  }
0x10c: {  	v7 =	vperm.xlane v4, v2;
	_ =	sdelay $0x1  }
0x10d: {  	vm0 =	vgt.s32 v7, $0xFF  }
0x10e: {  	v4 =	vsel vm0, $0x1, v1  }
0x10f: {  	(xrf0) =	vadd.scan.msk.s32 $0xffff, v4;
	_ =	sdelay $0x5  }
0x110: {  	v4, _, _ =	vpop (xrf0)  }
0x111: {  	(v2sf) =	vpush v4, $0xF;
	_ =	sdelay $0xe  }
0x112: {  	s31 =	spop (v2sf)  }
0x113: {  	s2 =	sadd.s32 $0xFFFFFFFF, s31  }
0x114: {  	s0 =	sshll.u32 s2, $0x4  }
0x115: {  	v5 =	vld [tilespmem:s0+$0x1400]  }
0x116: {  	s3 =	simm.s32 $0x40;
	s1 =	simm.s32 $0x0;
	v4 =	vld [tilespmem:s0+$0x1500]  }
.LBB2_8:
0x117: {  	p0 =	sne.s32 s3, $0xFC0;
	[tilespmem:s1+$0x1000] =	vst v1;
	s1 =	smov.u32 s3;
	s3 =	sadd.s32 $0x40, s3  }
.Ltmp3:
0x118: {  	(pc) =	sbr.rel @p0 .LBB2_8-.Ltmp3, $2  }
0x119: {  	_ =	sdelay $0x2  }
0x11a: {  	s1 =	sshra.s32 s1, $0x2  }
0x11b: {  	v8 =	vmov s2  }
0x11c: {  	v6 =	vxor.u32 $0x80000000, v6;
	vm0 =	veq.s32 v8, v0  }
0x11d: {  	v7 =	vxor.u32 $0x80000000, v7;
	v6 =	vnsel vm0, $0x80000000, v6  }
0x11e: {  	(xrf0) =	vmax.scan.msk.u32 $0xffff, v6;
	v6 =	vnsel vm0, $0x80000000, v7  }
0x11f: {  	(xrf0) =	vmax.scan.msk.u32 $0xffff, v6;
	_ =	sdelay $0x4  }
0x120: {  	v6, _, _ =	vpop (xrf0)  }
0x121: {  	(v2sf) =	vpush v6, $0xF;
	v6, _, _ =	vpop (xrf0)  }
0x122: {  	(v2sf) =	vpush v6, $0xF;
	_ =	sdelay $0xd  }
0x123: {  	s25 =	spop (v2sf)  }
0x124: {  	s3 =	spop (v2sf)  }
0x125: {  	s2 =	sxor.u32 $0x80000000, s25;
	s3 =	sxor.u32 $0x80000000, s3  }
0x126: {  	s2 =	ssub.s32 s3, s2  }
0x127: {  	v5 =	vadd.s32 s2, v5  }
0x128: {  	vm0 =	vgt.s32 v5, $0xFF  }
0x129: {  	v6 =	vsel vm0, $0x1, v1  }
0x12a: {  	(xrf0) =	vadd.scan.msk.s32 $0xffff, v6;
	_ =	sdelay $0x5  }
0x12b: {  	v6, _, _ =	vpop (xrf0)  }
0x12c: {  	(v2sf) =	vpush v6, $0xF;
	_ =	sdelay $0xd  }
0x12d: {  	[tilespmem:s1+$0x1000] =	vst v1;
	s26 =	simm.s32 $0x820  }
0x12e: {  	v7 =	vld [tilespmem:s26+$0xFFFFFFE0];
	s30 =	spop (v2sf)  }
0x12f: {  	s12 =	sadd.s32 $0xFFFFFFFF, s30  }
0x130: {  	s0 =	sadd.s32 s0, s12  }
0x131: {  	s11 =	sshll.u32 s0, $0x17  }
0x132: {  	s0 =	sshra.s32 s11, $0x17  }
0x133: {  	v8 =	vshra.s32 v7, $0x17;
	v7 =	vshrl.u32 v7, $0xF;
	v6 =	vmov s0  }
0x134: {  	v7 =	vand.u32 $0xFF, v7;
	vm0 =	veq.s32 v8, v6  }
0x135: {  	(xrf1) =	vunique.msk.u32 vm0, v7;
	_ =	sdelay $0x2  }
0x136: {  	s31 =	simm.s32 $0x860  }
0x137: {  	v8 =	vld [tilespmem:s31+$0xFFFFFFE0];
	_ =	sdelay $0x4  }
0x138: {  	v9 =	vshra.s32 v8, $0x17;
	v8 =	vshrl.u32 v8, $0xF  }
0x139: {  	vm0 =	veq.s32 v9, v6;
	v8 =	vand.u32 $0xFF, v8  }
0x13a: {  	(xrf1) =	vunique.msk.u32 vm0, v8;
	_ =	sdelay $0x2  }
0x13b: {  	s25 =	simm.s32 $0x8A0;
	_, v10, vm0 =	vpop (xrf1)  }
0x13c: {  	v9 =	vld [tilespmem:s25+$0xFFFFFFE0];
	_ =	sdelay $0x3  }
0x13d: {  	s13 =	simm.s32 $0x1000  }
0x13e: {  	v11 =	vshra.s32 v9, $0x17;
	v9 =	vshrl.u32 v9, $0xF;
	[tilespmem:v7+s13+$0x0] =	vst.idx.add.s32.msk vm0, v10  }
0x13f: {  	v7 =	vand.u32 $0xFF, v9;
	v9 =	vld [tilespmem:s26+$0xFFFFFFF0]  }
0x140: {  	vm1 =	veq.s32 v11, v6  }
0x141: {  	(xrf1) =	vunique.msk.u32 vm1, v7;
	_ =	sdelay $0x1  }
0x142: {  	_, v10, vm0 =	vpop (xrf1)  }
0x143: {  	v12 =	vshrl.u32 v9, $0xF  }
0x144: {  	v9 =	vshra.s32 v9, $0x17;
	v13 =	vand.u32 $0xFF, v12  }
0x145: {  	s21 =	simm.s32 $0x8E0;
	vm1 =	veq.s32 v9, v6;
	v9 =	vor.u32 $0x100, v13  }
0x146: {  	v11 =	vld [tilespmem:s21+$0xFFFFFFE0];
	(xrf1) =	vunique.msk.u32 vm1, v9;
	_ =	sdelay $0x1  }
0x147: {  	[tilespmem:v8+s13+$0x0] =	vst.idx.add.s32.msk vm0, v10  }
0x148: {  	v8 =	vld [tilespmem:s31+$0xFFFFFFF0]  }
0x149: {  	s14 =	simm.s32 $0x920  }
0x14a: {  	v15 =	vld [tilespmem:s14+$0xFFFFFFE0];
	v10 =	vshra.s32 v11, $0x17;
	v11 =	vshrl.u32 v11, $0xF  }
0x14b: {  	vm0 =	veq.s32 v10, v6;
	v10 =	vand.u32 $0xFF, v11  }
0x14c: {  	(xrf1) =	vunique.msk.u32 vm0, v10  }
0x14d: {  	v11 =	vshrl.u32 v8, $0xF;
	_, v13, vm0 =	vpop (xrf1)  }
0x14e: {  	v8 =	vshra.s32 v8, $0x17;
	v14 =	vand.u32 $0xFF, v11  }
0x14f: {  	vm1 =	veq.s32 v8, v6;
	v8 =	vor.u32 $0x100, v14;
	v14 =	vshra.s32 v15, $0x17;
	_ =	sdelay $0x2  }
0x150: {  	(xrf1) =	vunique.msk.u32 vm1, v8  }
0x151: {  	v12 =	vand.u32 $0x7F, v12;
	v9 =	vand.u32 $0x180, v9;
	[tilespmem:v7+s13+$0x0] =	vst.idx.add.s32.msk vm0, v13;
	vm0 =	veq.s32 v14, v6;
	_, v14, vm1 =	vpop (xrf1)  }
0x152: {  	v9 =	vor.u32 v12, v9;
	v15 =	vshrl.u32 v15, $0xF  }
0x153: {  	v7 =	vand.u32 $0xFF, v15  }
0x154: {  	s16 =	simm.s32 $0x960;
	v13 =	vld [tilespmem:s25+$0xFFFFFFF0];
	(xrf1) =	vunique.msk.u32 vm0, v7  }
0x155: {  	v15 =	vld [tilespmem:s16+$0xFFFFFFE0];
	_ =	sdelay $0x1  }
0x156: {  	[tilespmem:v9+s13+$0x0] =	vst.idx.add.s32.msk vm1, v14  }
0x157: {  	_, v12, vm0 =	vpop (xrf1);
	v14 =	vld [tilespmem:s26+$0x0]  }
0x158: {  	v16 =	vshrl.u32 v13, $0xF;
	v13 =	vshra.s32 v13, $0x17  }
0x159: {  	vm2 =	veq.s32 v13, v6;
	v13 =	vshra.s32 v15, $0x17;
	v15 =	vshrl.u32 v15, $0xF  }
0x15a: {  	v17 =	vand.u32 $0xFF, v16  }
0x15b: {  	v11 =	vand.u32 $0x7F, v11;
	v8 =	vand.u32 $0x180, v8;
	v9 =	vor.u32 $0x100, v17  }
0x15c: {  	v8 =	vor.u32 v11, v8;
	(xrf1) =	vunique.msk.u32 vm2, v9;
	v11 =	vshrl.u32 v14, $0xF  }
0x15d: {  	vm1 =	veq.s32 v13, v6;
	v13 =	vand.u32 $0xFF, v15;
	[tilespmem:v10+s13+$0x0] =	vst.idx.add.s32.msk vm0, v12;
	_, v15, vm2 =	vpop (xrf1);
	v17 =	vand.u32 $0xFF, v11  }
0x15e: {  	(xrf1) =	vunique.msk.u32 vm1, v13;
	v10 =	vld [tilespmem:s21+$0xFFFFFFF0];
	_ =	sdelay $0x1  }
0x15f: {  	s17 =	simm.s32 $0x9A0;
	v14 =	vshra.s32 v14, $0x17  }
0x160: {  	v12 =	vld [tilespmem:s17+$0xFFFFFFE0];
	vm0 =	veq.s32 v14, v6;
	v14 =	vor.u32 $0x200, v17;
	_, v17, vm1 =	vpop (xrf1);
	_ =	sdelay $0x1  }
0x161: {  	[tilespmem:v8+s13+$0x0] =	vst.idx.add.s32.msk vm2, v15;
	v8 =	vshrl.u32 v10, $0xF  }
0x162: {  	(xrf1) =	vunique.msk.u32 vm0, v14;
	v10 =	vshra.s32 v10, $0x17;
	v15 =	vld [tilespmem:s31+$0x0];
	v18 =	vand.u32 $0xFF, v8  }
0x163: {  	vm0 =	veq.s32 v10, v6;
	v10 =	vor.u32 $0x100, v18  }
0x164: {  	v18 =	vshra.s32 v12, $0x17;
	v12 =	vshrl.u32 v12, $0xF;
	(xrf1) =	vunique.msk.u32 vm0, v10  }
0x165: {  	vm0 =	veq.s32 v18, v6;
	v12 =	vand.u32 $0xFF, v12;
	[tilespmem:v7+s13+$0x0] =	vst.idx.add.s32.msk vm1, v17  }
0x166: {  	v16 =	vand.u32 $0x7F, v16;
	(xrf1) =	vunique.msk.u32 vm0, v12;
	v17 =	vld [tilespmem:s14+$0xFFFFFFF0]  }
0x167: {  	v7 =	vand.u32 $0x180, v9;
	v9 =	vshrl.u32 v15, $0xF  }
0x168: {  	_, v18, vm0 =	vpop (xrf1);
	v15 =	vshra.s32 v15, $0x17;
	v19 =	vand.u32 $0xFF, v9  }
0x169: {  	v7 =	vor.u32 v16, v7;
	vm1 =	veq.s32 v15, v6;
	v15 =	vor.u32 $0x200, v19  }
0x16a: {  	s15 =	simm.s32 $0x9E0;
	_, v16, vm2 =	vpop (xrf1);
	(xrf1) =	vunique.msk.u32 vm1, v15  }
0x16b: {  	v19 =	vld [tilespmem:s15+$0xFFFFFFE0];
	v20 =	vshra.s32 v17, $0x17;
	v17 =	vshrl.u32 v17, $0xF  }
0x16c: {  	vm1 =	veq.s32 v20, v6;
	v20 =	vand.u32 $0xFF, v17;
	_ =	sdelay $0x1  }
0x16d: {  	v11 =	vand.u32 $0x7F, v11;
	v14 =	vand.u32 $0x280, v14;
	[tilespmem:v7+s13+$0x0] =	vst.idx.add.s32.msk vm0, v18  }
0x16e: {  	v11 =	vor.u32 v11, v14;
	v7 =	vld [tilespmem:s25+$0x0]  }
0x16f: {  	v21 =	vshra.s32 v19, $0x17;
	v19 =	vshrl.u32 v19, $0xF;
	v18 =	vor.u32 $0x100, v20;
	_, v20, vm0 =	vpop (xrf1)  }
0x170: {  	[tilespmem:v13+s13+$0x0] =	vst.idx.add.s32.msk vm2, v16;
	v16 =	vand.u32 $0xFF, v19;
	(xrf1) =	vunique.msk.u32 vm1, v18;
	vm1 =	veq.s32 v21, v6  }
0x171: {  	v8 =	vand.u32 $0x7F, v8;
	v10 =	vand.u32 $0x180, v10;
	v13 =	vld [tilespmem:s16+$0xFFFFFFF0];
	(xrf1) =	vunique.msk.u32 vm1, v16;
	_, v14, vm1 =	vpop (xrf1)  }
0x172: {  	v8 =	vor.u32 v8, v10  }
0x173: {  	s18 =	simm.s32 $0xA20;
	v10 =	vshra.s32 v7, $0x17;
	v21 =	vshrl.u32 v7, $0xF;
	_, v7, vm3 =	vpop (xrf1)  }
0x174: {  	v9 =	vand.u32 $0x7F, v9;
	v19 =	vld [tilespmem:s18+$0xFFFFFFE0]  }
0x175: {  	v15 =	vand.u32 $0x280, v15;
	vm2 =	veq.s32 v10, v6;
	v10 =	vand.u32 $0xFF, v21;
	[tilespmem:v11+s13+$0x0] =	vst.idx.add.s32.msk vm0, v20  }
0x176: {  	v22 =	vshrl.u32 v13, $0xF;
	v10 =	vor.u32 $0x200, v10;
	v11 =	vshra.s32 v13, $0x17;
	v13 =	vld [tilespmem:s26+$0x10]  }
0x177: {  	(xrf1) =	vunique.msk.u32 vm2, v10;
	_, v20, vm2 =	vpop (xrf1);
	vm0 =	veq.s32 v11, v6;
	v11 =	vand.u32 $0xFF, v22;
	[tilespmem:v8+s13+$0x0] =	vst.idx.add.s32.msk vm1, v14  }
0x178: {  	v8 =	vor.u32 v9, v15;
	v11 =	vor.u32 $0x100, v11;
	v9 =	vld [tilespmem:s21+$0x0]  }
0x179: {  	[tilespmem:v12+s13+$0x0] =	vst.idx.add.s32.msk vm3, v7;
	v12 =	vshra.s32 v19, $0x17;
	(xrf1) =	vunique.msk.u32 vm0, v11  }
0x17a: {  	v14 =	vshrl.u32 v19, $0xF;
	vm0 =	veq.s32 v12, v6  }
0x17b: {  	v12 =	vand.u32 $0x180, v18;
	v7 =	vshrl.u32 v13, $0xF;
	v13 =	vshra.s32 v13, $0x17  }
0x17c: {  	v15 =	vld [tilespmem:s17+$0xFFFFFFF0];
	v19 =	vand.u32 $0xFF, v7;
	vm1 =	veq.s32 v13, v6;
	v13 =	vand.u32 $0x7F, v17  }
0x17d: {  	[tilespmem:v8+s13+$0x0] =	vst.idx.add.s32.msk vm2, v20;
	v8 =	vor.u32 $0x300, v19;
	v19 =	vor.u32 v13, v12;
	v12 =	vshrl.u32 v9, $0xF  }
0x17e: {  	v17 =	vshra.s32 v9, $0x17;
	v13 =	vand.u32 $0xFF, v14;
	(xrf1) =	vunique.msk.u32 vm1, v8;
	v9 =	vand.u32 $0xFF, v12  }
0x17f: {  	s22 =	simm.s32 $0xA60;
	v24 =	vld [tilespmem:s31+$0x10];
	_, v18, vm3 =	vpop (xrf1);
	vm2 =	veq.s32 v17, v6;
	(xrf1) =	vunique.msk.u32 vm0, v13;
	v14 =	vor.u32 $0x200, v9  }
0x180: {  	v23 =	vld [tilespmem:s22+$0xFFFFFFE0];
	_, v25, vm4 =	vpop (xrf1);
	(xrf1) =	vunique.msk.u32 vm2, v14  }
0x181: {  	v17 =	vshra.s32 v15, $0x17;
	v15 =	vshrl.u32 v15, $0xF  }
0x182: {  	vm0 =	veq.s32 v17, v6;
	v9 =	vand.u32 $0xFF, v15  }
0x183: {  	v17 =	vor.u32 $0x100, v9;
	v9 =	vand.u32 $0x280, v10;
	v10 =	vand.u32 $0x7F, v21  }
0x184: {  	v20 =	vor.u32 v10, v9;
	v9 =	vshrl.u32 v24, $0xF  }
0x185: {  	v10 =	vshra.s32 v24, $0x17;
	v63 =	vand.u32 $0xFF, v9;
	[tilespmem:v19+s13+$0x0] =	vst.idx.add.s32.msk vm3, v18;
	v19 =	vshra.s32 v23, $0x17  }
0x186: {  	(xrf1) =	vunique.msk.u32 vm0, v17;
	_, v21, vm1 =	vpop (xrf1);
	v23 =	vshrl.u32 v23, $0xF;
	vm3 =	veq.s32 v10, v6;
	v10 =	vor.u32 $0x300, v63;
	v18 =	vld [tilespmem:s14+$0x0]  }
0x187: {  	[tilespmem:v16+s13+$0x0] =	vst.idx.add.s32.msk vm4, v25;
	v16 =	vand.u32 $0xFF, v23;
	v23 =	vand.u32 $0x7F, v22;
	_, v22, vm2 =	vpop (xrf1);
	(xrf1) =	vunique.msk.u32 vm3, v10  }
0x188: {  	s1 =	simm.s32 $0xAA0;
	s19 =	simm.s32 $0x1000;
	s20 =	simm.s32 $0x1000  }
0x189: {  	s23 =	simm.s32 $0x1000;
	s29 =	simm.s32 $0x1000;
	s28 =	simm.s32 $0x1000  }
0x18a: {  	s24 =	simm.s32 $0x1000;
	s0 =	simm.s32 $0x24;
	s26 =	simm.s32 $0x1000;
	v11 =	vand.u32 $0x180, v11;
	vm0 =	veq.s32 v19, v6;
	v19 =	vld [tilespmem:s15+$0xFFFFFFF0]  }
.LBB2_10:
0x18b: {  	v24 =	vld [tilespmem:s1+$0xFFFFFFE0];
	(xrf1) =	vunique.msk.u32 vm0, v16;
	v11 =	vor.u32 v23, v11;
	v28 =	vshra.s32 v18, $0x17;
	v25 =	vshrl.u32 v18, $0xF;
	v26 =	vmovc v15;
	s2 =	smov.u32 s19;
	s19 =	smov.u32 s20;
	s20 =	smov.u32 s13  }
0x18c: {  	v23 =	vmovc v17;
	v27 =	vmov v13;
	vm4 =	veq.s32 v28, v6;
	v15 =	vand.u32 $0xFF, v25;
	[tilespmem:v20+s23+$0x0] =	vst.idx.add.s32.msk vm1, v21  }
0x18d: {  	v17 =	vand.u32 $0x7F, v7;
	v28 =	vor.u32 $0x200, v15;
	v29 =	vld [tilespmem:s25+$0x10];
	v15 =	vand.u32 $0x380, v8;
	_, v30, vm0 =	vpop (xrf1);
	s25 =	smov.u32 s21;
	s21 =	smov.u32 s14;
	s14 =	smov.u32 s16  }
0x18e: {  	v7 =	vmov v9;
	v8 =	vmov v10;
	s16 =	smov.u32 s17;
	s17 =	smov.u32 s15;
	s15 =	smov.u32 s18;
	_, v31, vm3 =	vpop (xrf1);
	v32 =	vor.u32 v17, v15;
	(xrf1) =	vunique.msk.u32 vm4, v28  }
0x18f: {  	s0 =	sadd.s32 $0x4, s0;
	v13 =	vmov v16;
	s18 =	smov.u32 s22;
	s22 =	smov.u32 s1;
	v9 =	vshra.s32 v19, $0x17;
	v15 =	vshrl.u32 v19, $0xF  }
0x190: {  	p0 =	slt.u32 s0, $0x7C;
	vm4 =	veq.s32 v9, v6;
	v9 =	vand.u32 $0xFF, v15;
	[tilespmem:v11+s2+$0x0] =	vst.idx.add.s32.msk vm2, v22  }
.Ltmp4:
0x191: {  	v10 =	vand.u32 $0x7F, v12;
	v17 =	vor.u32 $0x100, v9;
	v9 =	vand.u32 $0x280, v14;
	v18 =	vld [tilespmem:s14+$0x0];
	_, v21, vm1 =	vpop (xrf1);
	(pc) =	sbr.rel @p0 .LBB2_10-.Ltmp4, $4  }
0x192: {  	v12 =	vmovc v25;
	v11 =	vshra.s32 v24, $0x17;
	v20 =	vor.u32 v10, v9;
	v9 =	vshrl.u32 v29, $0xF;
	(xrf1) =	vunique.msk.u32 vm4, v17  }
0x193: {  	v16 =	vshrl.u32 v24, $0xF;
	v14 =	vmovc v28;
	v10 =	vshra.s32 v29, $0x17;
	v19 =	vand.u32 $0xFF, v9;
	[tilespmem:v32+s29+$0x0] =	vst.idx.add.s32.msk vm0, v30  }
0x194: {  	vm0 =	veq.s32 v11, v6;
	s29 =	smov.u32 s28;
	s28 =	smov.u32 s23;
	s23 =	smov.u32 s26;
	[tilespmem:v27+s13+$0x0] =	vst.idx.add.s32.msk vm3, v31;
	vm3 =	veq.s32 v10, v6;
	v10 =	vor.u32 $0x300, v19  }
0x195: {  	s1 =	sadd.s32 $0x40, s1;
	v16 =	vand.u32 $0xFF, v16;
	v11 =	vand.u32 $0x180, v23;
	v23 =	vand.u32 $0x7F, v26;
	s26 =	smov.u32 s24;
	s24 =	smov.u32 s2;
	v19 =	vld [tilespmem:s15+$0xFFFFFFF0];
	_, v22, vm2 =	vpop (xrf1);
	(xrf1) =	vunique.msk.u32 vm3, v10  }
0x196: {  	(xrf1) =	vunique.msk.u32 vm0, v16;
	_ =	sdelay $0x6  }
0x197: {  	v23 =	vor.u32 v23, v11;
	_, v11, vm0 =	vpop (xrf1)  }
0x198: {  	v14 =	vand.u32 $0x280, v14;
	v12 =	vand.u32 $0x7F, v12;
	_, v24, vm3 =	vpop (xrf1)  }
0x199: {  	v14 =	vor.u32 v12, v14;
	v12 =	vand.u32 $0x180, v17  }
0x19a: {  	[tilespmem:v20+s23+$0x0] =	vst.idx.add.s32.msk vm1, v21;
	_, v40, vm4 =	vpop (xrf1)  }
0x19b: {  	v21 =	vld [tilespmem:s25+$0x10]  }
0x19c: {  	v15 =	vand.u32 $0x7F, v15;
	[tilespmem:v23+s19+$0x0] =	vst.idx.add.s32.msk vm2, v22;
	_, v41, vm12 =	vpop (xrf1)  }
0x19d: {  	s0 =	simm.s32 $0x1000;
	v15 =	vor.u32 v15, v12;
	v22 =	vld [tilespmem:s16+$0x0];
	_, v12, vm1 =	vpop (xrf1)  }
0x19e: {  	v42 =	vshra.s32 v18, $0x17;
	[tilespmem:v13+s0+$0x0] =	vst.idx.add.s32.msk vm3, v24;
	_, v24, vm3 =	vpop (xrf1)  }
0x19f: {  	v43 =	vshrl.u32 v18, $0xF;
	vm5 =	veq.s32 v42, v6;
	v44 =	vld [tilespmem:s18+$0xFFFFFFF0]  }
0x1a0: {  	v25 =	vshra.s32 v19, $0x17;
	v45 =	vshrl.u32 v19, $0xF;
	v13 =	vand.u32 $0xFF, v43;
	[tilespmem:v14+s26+$0x0] =	vst.idx.add.s32.msk vm4, v40  }
0x1a1: {  	vm13 =	veq.s32 v25, v6;
	v46 =	vor.u32 $0x200, v13;
	v13 =	vand.u32 $0xFF, v45;
	v47 =	vld [tilespmem:s21+$0x10]  }
0x1a2: {  	v26 =	vor.u32 $0x100, v13;
	v13 =	vshrl.u32 v21, $0xF;
	v48 =	vshra.s32 v22, $0x17;
	[tilespmem:v15+s20+$0x0] =	vst.idx.add.s32.msk vm12, v41  }
0x1a3: {  	(xrf1) =	vunique.msk.u32 vm5, v46;
	v22 =	vshrl.u32 v22, $0xF;
	v14 =	vshra.s32 v21, $0x17;
	vm15 =	veq.s32 v48, v6;
	v49 =	vld [tilespmem:s17+$0x0]  }
0x1a4: {  	vm14 =	veq.s32 v14, v6;
	v50 =	vshra.s32 v44, $0x17;
	v15 =	vand.u32 $0xFF, v13;
	[tilespmem:v16+s0+$0x0] =	vst.idx.add.s32.msk vm3, v24  }
0x1a5: {  	(xrf1) =	vunique.msk.u32 vm13, v26;
	v23 =	vshrl.u32 v44, $0xF;
	v14 =	vor.u32 $0x300, v15;
	v15 =	vand.u32 $0xFF, v22;
	v51 =	vld [tilespmem:s22+$0xFFFFFFF0]  }
0x1a6: {  	vm8 =	veq.s32 v50, v6;
	(xrf1) =	vunique.msk.u32 vm14, v14;
	v52 =	vor.u32 $0x200, v15;
	v15 =	vand.u32 $0xFF, v23  }
0x1a7: {  	v53 =	vshra.s32 v47, $0x17;
	(xrf1) =	vunique.msk.u32 vm15, v52;
	v27 =	vor.u32 $0x100, v15;
	v15 =	vshrl.u32 v47, $0xF  }
0x1a8: {  	vm9 =	veq.s32 v53, v6;
	v54 =	vand.u32 $0xFF, v15;
	v28 =	vshrl.u32 v49, $0xF  }
0x1a9: {  	(xrf1) =	vunique.msk.u32 vm8, v27;
	v16 =	vor.u32 $0x300, v54;
	v21 =	vshra.s32 v49, $0x17;
	v55 =	vand.u32 $0xFF, v28  }
0x1aa: {  	(xrf1) =	vunique.msk.u32 vm9, v16;
	vm10 =	veq.s32 v21, v6;
	v56 =	vor.u32 $0x200, v55;
	v57 =	vshrl.u32 v51, $0xF  }
0x1ab: {  	(xrf1) =	vunique.msk.u32 vm10, v56;
	v17 =	vshra.s32 v51, $0x17;
	v29 =	vand.u32 $0xFF, v57  }
0x1ac: {  	vm11 =	veq.s32 v17, v6;
	v29 =	vor.u32 $0x100, v29  }
0x1ad: {  	(xrf1) =	vunique.msk.u32 vm11, v29;
	_ =	sdelay $0x3  }
0x1ae: {  	v18 =	vand.u32 $0x7F, v43;
	v58 =	vand.u32 $0x280, v46;
	_, v30, vm12 =	vpop (xrf1)  }
0x1af: {  	v18 =	vor.u32 v18, v58  }
0x1b0: {  	v19 =	vand.u32 $0x7F, v45;
	v60 =	vand.u32 $0x180, v26;
	_, v59, vm4 =	vpop (xrf1)  }
0x1b1: {  	v19 =	vor.u32 v19, v60;
	v23 =	vand.u32 $0x7F, v23;
	_, v17, vm2 =	vpop (xrf1)  }
0x1b2: {  	v22 =	vand.u32 $0x7F, v22;
	v24 =	vand.u32 $0x280, v52;
	_, v61, vm5 =	vpop (xrf1)  }
0x1b3: {  	v22 =	vor.u32 v22, v24  }
0x1b4: {  	v62 =	vand.u32 $0x180, v27;
	[tilespmem:v18+s24+$0x0] =	vst.idx.add.s32.msk vm12, v30;
	_, v63, vm6 =	vpop (xrf1)  }
0x1b5: {  	v18 =	vor.u32 v23, v62;
	v32 =	vld [tilespmem:s14+$0x10];
	_, v23, vm3 =	vpop (xrf1)  }
0x1b6: {  	v34 =	vand.u32 $0x7F, v28;
	v33 =	vand.u32 $0x280, v56;
	[tilespmem:v19+s13+$0x0] =	vst.idx.add.s32.msk vm4, v59;
	_, v35, vm13 =	vpop (xrf1)  }
0x1b7: {  	v19 =	vor.u32 v34, v33;
	v36 =	vld [tilespmem:s15+$0x0]  }
0x1b8: {  	v38 =	vand.u32 $0x7F, v57;
	v37 =	vand.u32 $0x180, v29;
	[tilespmem:v22+s19+$0x0] =	vst.idx.add.s32.msk vm5, v61;
	_, v39, vm14 =	vpop (xrf1)  }
0x1b9: {  	v20 =	vor.u32 v38, v37;
	v26 =	vld [tilespmem:s16+$0x10]  }
0x1ba: {  	[tilespmem:v18+s0+$0x0] =	vst.idx.add.s32.msk vm6, v63  }
0x1bb: {  	v18 =	vld [tilespmem:s18+$0x0]  }
0x1bc: {  	v40 =	vshrl.u32 v32, $0xF;
	[tilespmem:v19+s20+$0x0] =	vst.idx.add.s32.msk vm13, v35  }
0x1bd: {  	v41 =	vshra.s32 v32, $0x17;
	v42 =	vand.u32 $0xFF, v40;
	v43 =	vshra.s32 v36, $0x17;
	v21 =	vld [tilespmem:s17+$0x10]  }
0x1be: {  	vm15 =	veq.s32 v41, v6;
	v44 =	vshrl.u32 v36, $0xF;
	vm9 =	veq.s32 v43, v6;
	[tilespmem:v20+s0+$0x0] =	vst.idx.add.s32.msk vm14, v39  }
0x1bf: {  	v45 =	vand.u32 $0xFF, v44;
	v46 =	vshrl.u32 v26, $0xF;
	v26 =	vshra.s32 v26, $0x17;
	v25 =	vld [tilespmem:s22+$0x0]  }
0x1c0: {  	v19 =	vor.u32 $0x300, v42;
	v47 =	vand.u32 $0xFF, v46;
	vm10 =	veq.s32 v26, v6  }
0x1c1: {  	v48 =	vshra.s32 v18, $0x17;
	v18 =	vshrl.u32 v18, $0xF;
	v28 =	vor.u32 $0x300, v47  }
0x1c2: {  	(xrf1) =	vunique.msk.u32 vm15, v19;
	vm11 =	veq.s32 v48, v6;
	v49 =	vand.u32 $0xFF, v18;
	v20 =	vor.u32 $0x200, v45  }
0x1c3: {  	v26 =	vor.u32 $0x200, v49;
	(xrf1) =	vunique.msk.u32 vm9, v20;
	v50 =	vshrl.u32 v21, $0xF;
	v21 =	vshra.s32 v21, $0x17  }
0x1c4: {  	(xrf1) =	vunique.msk.u32 vm10, v28;
	v51 =	vand.u32 $0xFF, v50;
	vm12 =	veq.s32 v21, v6;
	v52 =	vshrl.u32 v25, $0xF  }
0x1c5: {  	(xrf1) =	vunique.msk.u32 vm11, v26;
	v30 =	vor.u32 $0x300, v51;
	v25 =	vshra.s32 v25, $0x17;
	v31 =	vand.u32 $0xFF, v52  }
0x1c6: {  	(xrf1) =	vunique.msk.u32 vm12, v30;
	vm13 =	veq.s32 v25, v6;
	v53 =	vor.u32 $0x200, v31  }
0x1c7: {  	(xrf1) =	vunique.msk.u32 vm13, v53;
	_ =	sdelay $0x8  }
0x1c8: {  	_, v54, vm4 =	vpop (xrf1)  }
0x1c9: {  	v27 =	vand.u32 $0x7F, v44;
	v20 =	vand.u32 $0x280, v20;
	_, v32, vm7 =	vpop (xrf1)  }
0x1ca: {  	v20 =	vor.u32 v27, v20;
	_, v55, vm5 =	vpop (xrf1)  }
0x1cb: {  	v18 =	vand.u32 $0x7F, v18;
	v26 =	vand.u32 $0x280, v26;
	_, v33, vm8 =	vpop (xrf1)  }
0x1cc: {  	v18 =	vor.u32 v18, v26;
	_, v56, vm6 =	vpop (xrf1)  }
0x1cd: {  	v21 =	vand.u32 $0x7F, v52;
	v25 =	vand.u32 $0x280, v53;
	_, v34, vm9 =	vpop (xrf1)  }
0x1ce: {  	v21 =	vor.u32 v21, v25  }
0x1cf: {  	[tilespmem:v20+s13+$0x0] =	vst.idx.add.s32.msk vm7, v32  }
0x1d0: {  	v20 =	vld [tilespmem:s15+$0x10]  }
0x1d1: {  	[tilespmem:v18+s0+$0x0] =	vst.idx.add.s32.msk vm8, v33  }
0x1d2: {  	v18 =	vld [tilespmem:s18+$0x10]  }
0x1d3: {  	[tilespmem:v21+s0+$0x0] =	vst.idx.add.s32.msk vm9, v34  }
0x1d4: {  	v21 =	vld [tilespmem:s22+$0x10];
	_ =	sdelay $0x1  }
0x1d5: {  	v57 =	vshrl.u32 v20, $0xF;
	v20 =	vshra.s32 v20, $0x17  }
0x1d6: {  	v58 =	vand.u32 $0xFF, v57;
	vm14 =	veq.s32 v20, v6  }
0x1d7: {  	v59 =	vor.u32 $0x300, v58;
	v60 =	vshrl.u32 v18, $0xF;
	v18 =	vshra.s32 v18, $0x17  }
0x1d8: {  	v61 =	vand.u32 $0xFF, v60;
	vm15 =	veq.s32 v18, v6;
	v62 =	vshrl.u32 v21, $0xF  }
0x1d9: {  	(xrf1) =	vunique.msk.u32 vm14, v59;
	v33 =	vor.u32 $0x300, v61;
	v21 =	vshra.s32 v21, $0x17;
	v63 =	vand.u32 $0xFF, v62  }
0x1da: {  	(xrf1) =	vunique.msk.u32 vm15, v33;
	vm12 =	veq.s32 v21, v6;
	v6 =	vor.u32 $0x300, v63  }
0x1db: {  	(xrf1) =	vunique.msk.u32 vm12, v6;
	_ =	sdelay $0x1  }
0x1dc: {  	v8 =	vand.u32 $0x380, v8;
	v7 =	vand.u32 $0x7F, v7  }
0x1dd: {  	v9 =	vand.u32 $0x7F, v9;
	v7 =	vor.u32 v7, v8;
	v8 =	vand.u32 $0x380, v10  }
0x1de: {  	v8 =	vor.u32 v9, v8;
	v10 =	vand.u32 $0x7F, v13;
	v9 =	vand.u32 $0x380, v14  }
0x1df: {  	v9 =	vor.u32 v10, v9;
	v13 =	vand.u32 $0x7F, v15;
	v10 =	vand.u32 $0x380, v16  }
0x1e0: {  	v10 =	vor.u32 v13, v10;
	v14 =	vand.u32 $0x7F, v40;
	v13 =	vand.u32 $0x380, v19  }
0x1e1: {  	v15 =	vand.u32 $0x7F, v46;
	v13 =	vor.u32 v14, v13;
	v14 =	vand.u32 $0x380, v28  }
0x1e2: {  	[tilespmem:v7+s29+$0x0] =	vst.idx.add.s32.msk vm0, v11;
	v7 =	vor.u32 v15, v14;
	v14 =	vand.u32 $0x7F, v50;
	v11 =	vand.u32 $0x380, v30  }
0x1e3: {  	[tilespmem:v8+s28+$0x0] =	vst.idx.add.s32.msk vm1, v12;
	v8 =	vor.u32 v14, v11;
	v12 =	vand.u32 $0x7F, v57;
	v11 =	vand.u32 $0x380, v59  }
0x1e4: {  	[tilespmem:v9+s23+$0x0] =	vst.idx.add.s32.msk vm2, v17;
	v9 =	vor.u32 v12, v11;
	v12 =	vand.u32 $0x7F, v60;
	_ =	sdelay $0x1  }
0x1e5: {  	_, v14, vm13 =	vpop (xrf1)  }
0x1e6: {  	v11 =	vand.u32 $0x380, v33;
	_, v15, vm14 =	vpop (xrf1)  }
0x1e7: {  	[tilespmem:v10+s26+$0x0] =	vst.idx.add.s32.msk vm3, v23;
	v10 =	vor.u32 v12, v11;
	v11 =	vand.u32 $0x7F, v62;
	v6 =	vand.u32 $0x380, v6;
	_, v12, vm15 =	vpop (xrf1)  }
0x1e8: {  	[tilespmem:v13+s24+$0x0] =	vst.idx.add.s32.msk vm4, v54;
	v6 =	vor.u32 v11, v6  }
0x1e9: {  	[tilespmem:v7+s19+$0x0] =	vst.idx.add.s32.msk vm5, v55  }
0x1ea: {  	[tilespmem:v8+s20+$0x0] =	vst.idx.add.s32.msk vm6, v56  }
0x1eb: {  	[tilespmem:v9+s13+$0x0] =	vst.idx.add.s32.msk vm13, v14  }
0x1ec: {  	[tilespmem:v10+s0+$0x0] =	vst.idx.add.s32.msk vm14, v15  }
0x1ed: {  	s1 =	simm.s32 $0x0;
	[tilespmem:v6+s0+$0x0] =	vst.idx.add.s32.msk vm15, v12  }
0x1ee: {  	s22 =	sand.u32 $0xF0, s1;
	v6 =	vld [tilespmem:s0+$0x0]  }
0x1ef: {  	v7 =	vld [tilespmem:s22+$0x1100]  }
0x1f0: {  	v8 =	vld [tilespmem:s22+$0x1200]  }
0x1f1: {  	s23 =	simm.s32 $0x10;
	s24 =	simm.s32 $0x1010;
	v9 =	vld [tilespmem:s22+$0x1300]  }
0x1f2: {  	s25 =	sand.u32 $0xF0, s23;
	v10 =	vld [tilespmem:s24+$0x0]  }
0x1f3: {  	v11 =	vld [tilespmem:s25+$0x1100]  }
0x1f4: {  	v12 =	vld [tilespmem:s25+$0x1200];
	v6 =	vadd.s32 v6, v7  }
0x1f5: {  	v7 =	vld [tilespmem:s25+$0x1300];
	v6 =	vadd.s32 v8, v6  }
0x1f6: {  	s28 =	simm.s32 $0x1020;
	s26 =	simm.s32 $0x20;
	v13 =	vadd.s32 v9, v6  }
0x1f7: {  	s0 =	sand.u32 $0xF0, s26;
	v8 =	vld [tilespmem:s28+$0x0];
	v6 =	vperm.xlane v13, v2  }
0x1f8: {  	v9 =	vadd.s32 v10, v11;
	v10 =	vld [tilespmem:s0+$0x1100]  }
0x1f9: {  	v11 =	vld [tilespmem:s0+$0x1200];
	v9 =	vadd.s32 v12, v9;
	(xrf0) =	vadd.scan.msk.s32 $0xffff, v6  }
0x1fa: {  	v6 =	vadd.s32 v7, v9;
	v7 =	vld [tilespmem:s0+$0x1300];
	_ =	sdelay $0x1  }
0x1fb: {  	v9 =	vperm.xlane v6, v2  }
0x1fc: {  	v8 =	vadd.s32 v8, v10  }
0x1fd: {  	s30 =	simm.s32 $0x1030;
	s29 =	simm.s32 $0x30;
	(xrf0) =	vadd.scan.msk.s32 $0xffff, v9;
	v9 =	vadd.s32 v11, v8  }
0x1fe: {  	s31 =	sand.u32 $0xF0, s29;
	v8 =	vld [tilespmem:s30+$0x0];
	v7 =	vadd.s32 v7, v9;
	v10, _, _ =	vpop (xrf0)  }
0x1ff: {  	s2 =	simm.s32 $0x1500;
	v9 =	vld [tilespmem:s31+$0x1100];
	v12 =	vperm.xlane v7, v2;
	v11 =	vperm.xlane v10, v2  }
0x200: {  	[tilespmem:s2+$0x0] =	vst v13;
	s0 =	simm.s32 $0x1400;
	v10 =	vld [tilespmem:s31+$0x1200]  }
0x201: {  	[tilespmem:s0+$0x0] =	vst v11;
	v11 =	vld [tilespmem:s31+$0x1300];
	_ =	sdelay $0x1  }
0x202: {  	s3 =	simm.s32 $0x1040;
	s1 =	simm.s32 $0x1510;
	s2 =	simm.s32 $0x40;
	(xrf0) =	vadd.scan.msk.s32 $0xffff, v12;
	v12, _, _ =	vpop (xrf0)  }
.LBB2_12:
0x203: {  	s4 =	sand.u32 $0xF0, s2;
	p0 =	sne.s32 s2, $0xF0;
	s2 =	sadd.s32 $0x10, s2;
	v13 =	vadd.s32 v8, v9;
	v8 =	vld [tilespmem:s3+$0x0];
	v12 =	vperm.xlane v12, v2  }
.Ltmp5:
0x204: {  	s0 =	sadd.s32 $0x10, s0;
	v9 =	vld [tilespmem:s4+$0x1100];
	v13 =	vadd.s32 v10, v13;
	[tilespmem:s1+$0x0] =	vst v6;
	v6 =	vmov v7;
	(pc) =	sbr.rel @p0 .LBB2_12-.Ltmp5, $3  }
0x205: {  	v10 =	vld [tilespmem:s4+$0x1200];
	v7 =	vadd.s32 v11, v13;
	[tilespmem:s0+$0x0] =	vst v12  }
0x206: {  	v11 =	vld [tilespmem:s4+$0x1300];
	v13 =	vperm.xlane v7, v2;
	_ =	sdelay $0x1  }
0x207: {  	s3 =	sadd.s32 $0x10, s3;
	s1 =	sadd.s32 $0x10, s1;
	(xrf0) =	vadd.scan.msk.s32 $0xffff, v13;
	v12, _, _ =	vpop (xrf0)  }
0x208: {  	v8 =	vadd.s32 v8, v9  }
0x209: {  	v8 =	vadd.s32 v10, v8  }
0x20a: {  	v8 =	vadd.s32 v11, v8  }
0x20b: {  	v10 =	vmov s12;
	v9 =	vperm.xlane v8, v2  }
0x20c: {  	v5 =	vxor.u32 $0x80000000, v5;
	vm0 =	veq.s32 v10, v0  }
0x20d: {  	v4 =	vxor.u32 $0x80000000, v4;
	v5 =	vnsel vm0, $0x80000000, v5;
	(xrf0) =	vadd.scan.msk.s32 $0xffff, v9  }
0x20e: {  	v4 =	vnsel vm0, $0x80000000, v4;
	(xrf0) =	vmax.scan.msk.u32 $0xffff, v5  }
0x20f: {  	(xrf0) =	vmax.scan.msk.u32 $0xffff, v4  }
0x210: {  	v5 =	vperm.xlane v12, v2;
	_ =	sdelay $0x1  }
0x211: {  	v4, _, _ =	vpop (xrf0)  }
0x212: {  	[tilespmem:s1+$0x0] =	vst v6;
	s0 =	sadd.s32 $0x10, s0;
	v9, _, _ =	vpop (xrf0)  }
0x213: {  	s28 =	sadd.s32 $0x10, s1;
	[tilespmem:s0+$0x0] =	vst v5;
	v4 =	vperm.xlane v4, v2;
	v5, _, _ =	vpop (xrf0)  }
0x214: {  	[tilespmem:s28+$0x0] =	vst v7;
	s0 =	sadd.s32 $0x10, s0;
	(v2sf) =	vpush v5, $0xF;
	v5, _, _ =	vpop (xrf0)  }
0x215: {  	s1 =	sadd.s32 $0x10, s28;
	[tilespmem:s0+$0x0] =	vst v4;
	v4 =	vperm.xlane v9, v2;
	(v2sf) =	vpush v5, $0xF  }
0x216: {  	[tilespmem:s1+$0x0] =	vst v8;
	s0 =	sadd.s32 $0x10, s0  }
0x217: {  	[tilespmem:s0+$0x0] =	vst v4  }
0x218: {  	v5 =	vld.idx.msk [tilespmem:v3+s9+$0x0], $0xffff;
	_ =	sdelay $0x4  }
0x219: {  	v4 =	vperm.xlane v5, v2;
	_ =	sdelay $0x1  }
0x21a: {  	(xrf0) =	vadd.scan.msk.s32 $0xffff, v4;
	_ =	sdelay $0x3  }
0x21b: {  	s29 =	spop (v2sf)  }
0x21c: {  	s30 =	spop (v2sf)  }
0x21d: {  	v4, _, _ =	vpop (xrf0);
	s0 =	sxor.u32 $0x80000000, s29;
	s1 =	sxor.u32 $0x80000000, s30  }
0x21e: {  	v8 =	vperm.xlane v4, v2;
	s12 =	ssub.s32 s0, s1  }
0x21f: {  	s1 =	ssub.s32 $0x100, s12  }
0x220: {  	vm15 =	vge.s32 v8, s1  }
0x221: {  	v4 =	vsel vm15, $0x1, v1  }
0x222: {  	(xrf0) =	vadd.scan.msk.s32 $0xffff, v4;
	_ =	sdelay $0x5  }
0x223: {  	v4, _, _ =	vpop (xrf0)  }
0x224: {  	(v2sf) =	vpush v4, $0xF;
	_ =	sdelay $0xe  }
0x225: {  	s31 =	spop (v2sf)  }
0x226: {  	s2 =	sadd.s32 $0xFFFFFFFF, s31  }
0x227: {  	s0 =	sshll.u32 s2, $0x4  }
0x228: {  	v7 =	vld [tilespmem:s0+$0x1400]  }
0x229: {  	s3 =	simm.s32 $0x40;
	v6 =	vmov s1;
	s1 =	simm.s32 $0x0;
	v4 =	vld [tilespmem:s0+$0x1500]  }
.LBB2_14:
0x22a: {  	p0 =	sne.s32 s3, $0xFC0;
	[tilespmem:s1+$0x1000] =	vst v1;
	s1 =	smov.u32 s3;
	s3 =	sadd.s32 $0x40, s3  }
.Ltmp6:
0x22b: {  	(pc) =	sbr.rel @p0 .LBB2_14-.Ltmp6, $2  }
0x22c: {  	_ =	sdelay $0x2  }
0x22d: {  	s1 =	sshra.s32 s1, $0x2  }
0x22e: {  	v9 =	vmov s2  }
0x22f: {  	v5 =	vxor.u32 $0x80000000, v5;
	vm0 =	veq.s32 v9, v0  }
0x230: {  	v8 =	vxor.u32 $0x80000000, v8;
	v5 =	vnsel vm0, $0x80000000, v5  }
0x231: {  	(xrf0) =	vmax.scan.msk.u32 $0xffff, v5;
	v5 =	vnsel vm0, $0x80000000, v8  }
0x232: {  	(xrf0) =	vmax.scan.msk.u32 $0xffff, v5;
	_ =	sdelay $0x4  }
0x233: {  	v5, _, _ =	vpop (xrf0)  }
0x234: {  	(v2sf) =	vpush v5, $0xF;
	v5, _, _ =	vpop (xrf0)  }
0x235: {  	(v2sf) =	vpush v5, $0xF;
	_ =	sdelay $0xd  }
0x236: {  	s23 =	spop (v2sf)  }
0x237: {  	s3 =	spop (v2sf)  }
0x238: {  	s2 =	sxor.u32 $0x80000000, s23;
	s3 =	sxor.u32 $0x80000000, s3  }
0x239: {  	s2 =	ssub.s32 s3, s2  }
0x23a: {  	v5 =	vadd.s32 s2, v7  }
0x23b: {  	vm0 =	vge.s32 v5, v6  }
0x23c: {  	v6 =	vsel vm0, $0x1, v1  }
0x23d: {  	(xrf0) =	vadd.scan.msk.s32 $0xffff, v6;
	_ =	sdelay $0x5  }
0x23e: {  	v6, _, _ =	vpop (xrf0)  }
0x23f: {  	(v2sf) =	vpush v6, $0xF;
	_ =	sdelay $0xe  }
0x240: {  	[tilespmem:s1+$0x1000] =	vst v1;
	s25 =	simm.s32 $0x820;
	s24 =	spop (v2sf)  }
0x241: {  	v7 =	vld [tilespmem:s25+$0xFFFFFFE0];
	s13 =	sadd.s32 $0xFFFFFFFF, s24  }
0x242: {  	s0 =	sadd.s32 s0, s13  }
0x243: {  	s0 =	sshll.u32 s0, $0xF  }
0x244: {  	s11 =	sor.u32 s11, s0  }
0x245: {  	s0 =	sshra.s32 s11, $0xF  }
0x246: {  	v8 =	vshra.s32 v7, $0xF;
	v7 =	vshrl.u32 v7, $0x7;
	v6 =	vmov s0  }
0x247: {  	v7 =	vand.u32 $0xFF, v7;
	vm0 =	veq.s32 v8, v6  }
0x248: {  	(xrf1) =	vunique.msk.u32 vm0, v7;
	_ =	sdelay $0x2  }
0x249: {  	s31 =	simm.s32 $0x860  }
0x24a: {  	v8 =	vld [tilespmem:s31+$0xFFFFFFE0];
	_ =	sdelay $0x4  }
0x24b: {  	v9 =	vshra.s32 v8, $0xF;
	v8 =	vshrl.u32 v8, $0x7  }
0x24c: {  	vm0 =	veq.s32 v9, v6;
	v8 =	vand.u32 $0xFF, v8  }
0x24d: {  	(xrf1) =	vunique.msk.u32 vm0, v8;
	_ =	sdelay $0x2  }
0x24e: {  	s26 =	simm.s32 $0x8A0;
	_, v10, vm0 =	vpop (xrf1)  }
0x24f: {  	v9 =	vld [tilespmem:s26+$0xFFFFFFE0];
	_ =	sdelay $0x3  }
0x250: {  	s14 =	simm.s32 $0x1000  }
0x251: {  	v11 =	vshra.s32 v9, $0xF;
	v9 =	vshrl.u32 v9, $0x7;
	[tilespmem:v7+s14+$0x0] =	vst.idx.add.s32.msk vm0, v10  }
0x252: {  	v7 =	vand.u32 $0xFF, v9;
	v9 =	vld [tilespmem:s25+$0xFFFFFFF0]  }
0x253: {  	vm1 =	veq.s32 v11, v6  }
0x254: {  	(xrf1) =	vunique.msk.u32 vm1, v7;
	_ =	sdelay $0x1  }
0x255: {  	_, v10, vm0 =	vpop (xrf1)  }
0x256: {  	v12 =	vshrl.u32 v9, $0x7  }
0x257: {  	v9 =	vshra.s32 v9, $0xF;
	v13 =	vand.u32 $0xFF, v12  }
0x258: {  	s22 =	simm.s32 $0x8E0;
	vm1 =	veq.s32 v9, v6;
	v9 =	vor.u32 $0x100, v13  }
0x259: {  	v11 =	vld [tilespmem:s22+$0xFFFFFFE0];
	(xrf1) =	vunique.msk.u32 vm1, v9;
	_ =	sdelay $0x1  }
0x25a: {  	[tilespmem:v8+s14+$0x0] =	vst.idx.add.s32.msk vm0, v10  }
0x25b: {  	v8 =	vld [tilespmem:s31+$0xFFFFFFF0]  }
0x25c: {  	s15 =	simm.s32 $0x920  }
0x25d: {  	v15 =	vld [tilespmem:s15+$0xFFFFFFE0];
	v10 =	vshra.s32 v11, $0xF;
	v11 =	vshrl.u32 v11, $0x7  }
0x25e: {  	vm0 =	veq.s32 v10, v6;
	v10 =	vand.u32 $0xFF, v11  }
0x25f: {  	(xrf1) =	vunique.msk.u32 vm0, v10  }
0x260: {  	v11 =	vshrl.u32 v8, $0x7;
	_, v13, vm0 =	vpop (xrf1)  }
0x261: {  	v8 =	vshra.s32 v8, $0xF;
	v14 =	vand.u32 $0xFF, v11  }
0x262: {  	vm1 =	veq.s32 v8, v6;
	v8 =	vor.u32 $0x100, v14;
	v14 =	vshra.s32 v15, $0xF;
	_ =	sdelay $0x2  }
0x263: {  	(xrf1) =	vunique.msk.u32 vm1, v8  }
0x264: {  	v12 =	vand.u32 $0x7F, v12;
	v9 =	vand.u32 $0x180, v9;
	[tilespmem:v7+s14+$0x0] =	vst.idx.add.s32.msk vm0, v13;
	vm0 =	veq.s32 v14, v6;
	_, v14, vm1 =	vpop (xrf1)  }
0x265: {  	v9 =	vor.u32 v12, v9;
	v15 =	vshrl.u32 v15, $0x7  }
0x266: {  	v7 =	vand.u32 $0xFF, v15  }
0x267: {  	s17 =	simm.s32 $0x960;
	v13 =	vld [tilespmem:s26+$0xFFFFFFF0];
	(xrf1) =	vunique.msk.u32 vm0, v7  }
0x268: {  	v15 =	vld [tilespmem:s17+$0xFFFFFFE0];
	_ =	sdelay $0x1  }
0x269: {  	[tilespmem:v9+s14+$0x0] =	vst.idx.add.s32.msk vm1, v14  }
0x26a: {  	_, v12, vm0 =	vpop (xrf1);
	v14 =	vld [tilespmem:s25+$0x0]  }
0x26b: {  	v16 =	vshrl.u32 v13, $0x7;
	v13 =	vshra.s32 v13, $0xF  }
0x26c: {  	vm2 =	veq.s32 v13, v6;
	v13 =	vshra.s32 v15, $0xF;
	v15 =	vshrl.u32 v15, $0x7  }
0x26d: {  	v17 =	vand.u32 $0xFF, v16  }
0x26e: {  	v11 =	vand.u32 $0x7F, v11;
	v8 =	vand.u32 $0x180, v8;
	v9 =	vor.u32 $0x100, v17  }
0x26f: {  	v8 =	vor.u32 v11, v8;
	(xrf1) =	vunique.msk.u32 vm2, v9;
	v11 =	vshrl.u32 v14, $0x7  }
0x270: {  	vm1 =	veq.s32 v13, v6;
	v13 =	vand.u32 $0xFF, v15;
	[tilespmem:v10+s14+$0x0] =	vst.idx.add.s32.msk vm0, v12;
	_, v15, vm2 =	vpop (xrf1);
	v17 =	vand.u32 $0xFF, v11  }
0x271: {  	(xrf1) =	vunique.msk.u32 vm1, v13;
	v10 =	vld [tilespmem:s22+$0xFFFFFFF0];
	_ =	sdelay $0x1  }
0x272: {  	s18 =	simm.s32 $0x9A0;
	v14 =	vshra.s32 v14, $0xF  }
0x273: {  	v12 =	vld [tilespmem:s18+$0xFFFFFFE0];
	vm0 =	veq.s32 v14, v6;
	v14 =	vor.u32 $0x200, v17;
	_, v17, vm1 =	vpop (xrf1);
	_ =	sdelay $0x1  }
0x274: {  	[tilespmem:v8+s14+$0x0] =	vst.idx.add.s32.msk vm2, v15;
	v8 =	vshrl.u32 v10, $0x7  }
0x275: {  	(xrf1) =	vunique.msk.u32 vm0, v14;
	v10 =	vshra.s32 v10, $0xF;
	v15 =	vld [tilespmem:s31+$0x0];
	v18 =	vand.u32 $0xFF, v8  }
0x276: {  	vm0 =	veq.s32 v10, v6;
	v10 =	vor.u32 $0x100, v18  }
0x277: {  	v18 =	vshra.s32 v12, $0xF;
	v12 =	vshrl.u32 v12, $0x7;
	(xrf1) =	vunique.msk.u32 vm0, v10  }
0x278: {  	vm0 =	veq.s32 v18, v6;
	v12 =	vand.u32 $0xFF, v12;
	[tilespmem:v7+s14+$0x0] =	vst.idx.add.s32.msk vm1, v17  }
0x279: {  	v16 =	vand.u32 $0x7F, v16;
	(xrf1) =	vunique.msk.u32 vm0, v12;
	v17 =	vld [tilespmem:s15+$0xFFFFFFF0]  }
0x27a: {  	v7 =	vand.u32 $0x180, v9;
	v9 =	vshrl.u32 v15, $0x7  }
0x27b: {  	_, v18, vm0 =	vpop (xrf1);
	v15 =	vshra.s32 v15, $0xF;
	v19 =	vand.u32 $0xFF, v9  }
0x27c: {  	v7 =	vor.u32 v16, v7;
	vm1 =	veq.s32 v15, v6;
	v15 =	vor.u32 $0x200, v19  }
0x27d: {  	s16 =	simm.s32 $0x9E0;
	_, v16, vm2 =	vpop (xrf1);
	(xrf1) =	vunique.msk.u32 vm1, v15  }
0x27e: {  	v19 =	vld [tilespmem:s16+$0xFFFFFFE0];
	v20 =	vshra.s32 v17, $0xF;
	v17 =	vshrl.u32 v17, $0x7  }
0x27f: {  	vm1 =	veq.s32 v20, v6;
	v20 =	vand.u32 $0xFF, v17;
	_ =	sdelay $0x1  }
0x280: {  	v11 =	vand.u32 $0x7F, v11;
	v14 =	vand.u32 $0x280, v14;
	[tilespmem:v7+s14+$0x0] =	vst.idx.add.s32.msk vm0, v18  }
0x281: {  	v11 =	vor.u32 v11, v14;
	v7 =	vld [tilespmem:s26+$0x0]  }
0x282: {  	v21 =	vshra.s32 v19, $0xF;
	v19 =	vshrl.u32 v19, $0x7;
	v18 =	vor.u32 $0x100, v20;
	_, v20, vm0 =	vpop (xrf1)  }
0x283: {  	[tilespmem:v13+s14+$0x0] =	vst.idx.add.s32.msk vm2, v16;
	v16 =	vand.u32 $0xFF, v19;
	(xrf1) =	vunique.msk.u32 vm1, v18;
	vm1 =	veq.s32 v21, v6  }
0x284: {  	v8 =	vand.u32 $0x7F, v8;
	v10 =	vand.u32 $0x180, v10;
	v13 =	vld [tilespmem:s17+$0xFFFFFFF0];
	(xrf1) =	vunique.msk.u32 vm1, v16;
	_, v14, vm1 =	vpop (xrf1)  }
0x285: {  	v8 =	vor.u32 v8, v10  }
0x286: {  	s19 =	simm.s32 $0xA20;
	v10 =	vshra.s32 v7, $0xF;
	v21 =	vshrl.u32 v7, $0x7;
	_, v7, vm3 =	vpop (xrf1)  }
0x287: {  	v9 =	vand.u32 $0x7F, v9;
	v19 =	vld [tilespmem:s19+$0xFFFFFFE0]  }
0x288: {  	v15 =	vand.u32 $0x280, v15;
	vm2 =	veq.s32 v10, v6;
	v10 =	vand.u32 $0xFF, v21;
	[tilespmem:v11+s14+$0x0] =	vst.idx.add.s32.msk vm0, v20  }
0x289: {  	v22 =	vshrl.u32 v13, $0x7;
	v10 =	vor.u32 $0x200, v10;
	v11 =	vshra.s32 v13, $0xF;
	v13 =	vld [tilespmem:s25+$0x10]  }
0x28a: {  	(xrf1) =	vunique.msk.u32 vm2, v10;
	_, v20, vm2 =	vpop (xrf1);
	vm0 =	veq.s32 v11, v6;
	v11 =	vand.u32 $0xFF, v22;
	[tilespmem:v8+s14+$0x0] =	vst.idx.add.s32.msk vm1, v14  }
0x28b: {  	v8 =	vor.u32 v9, v15;
	v11 =	vor.u32 $0x100, v11;
	v9 =	vld [tilespmem:s22+$0x0]  }
0x28c: {  	[tilespmem:v12+s14+$0x0] =	vst.idx.add.s32.msk vm3, v7;
	v12 =	vshra.s32 v19, $0xF;
	(xrf1) =	vunique.msk.u32 vm0, v11  }
0x28d: {  	v14 =	vshrl.u32 v19, $0x7;
	vm0 =	veq.s32 v12, v6  }
0x28e: {  	v12 =	vand.u32 $0x180, v18;
	v7 =	vshrl.u32 v13, $0x7;
	v13 =	vshra.s32 v13, $0xF  }
0x28f: {  	v15 =	vld [tilespmem:s18+$0xFFFFFFF0];
	v19 =	vand.u32 $0xFF, v7;
	vm1 =	veq.s32 v13, v6;
	v13 =	vand.u32 $0x7F, v17  }
0x290: {  	[tilespmem:v8+s14+$0x0] =	vst.idx.add.s32.msk vm2, v20;
	v8 =	vor.u32 $0x300, v19;
	v19 =	vor.u32 v13, v12;
	v12 =	vshrl.u32 v9, $0x7  }
0x291: {  	v17 =	vshra.s32 v9, $0xF;
	v13 =	vand.u32 $0xFF, v14;
	(xrf1) =	vunique.msk.u32 vm1, v8;
	v9 =	vand.u32 $0xFF, v12  }
0x292: {  	s23 =	simm.s32 $0xA60;
	v24 =	vld [tilespmem:s31+$0x10];
	_, v18, vm3 =	vpop (xrf1);
	vm2 =	veq.s32 v17, v6;
	(xrf1) =	vunique.msk.u32 vm0, v13;
	v14 =	vor.u32 $0x200, v9  }
0x293: {  	v23 =	vld [tilespmem:s23+$0xFFFFFFE0];
	_, v25, vm4 =	vpop (xrf1);
	(xrf1) =	vunique.msk.u32 vm2, v14  }
0x294: {  	v17 =	vshra.s32 v15, $0xF;
	v15 =	vshrl.u32 v15, $0x7  }
0x295: {  	vm0 =	veq.s32 v17, v6;
	v9 =	vand.u32 $0xFF, v15  }
0x296: {  	v17 =	vor.u32 $0x100, v9;
	v9 =	vand.u32 $0x280, v10;
	v10 =	vand.u32 $0x7F, v21  }
0x297: {  	v20 =	vor.u32 v10, v9;
	v9 =	vshrl.u32 v24, $0x7  }
0x298: {  	v10 =	vshra.s32 v24, $0xF;
	v63 =	vand.u32 $0xFF, v9;
	[tilespmem:v19+s14+$0x0] =	vst.idx.add.s32.msk vm3, v18;
	v19 =	vshra.s32 v23, $0xF  }
0x299: {  	(xrf1) =	vunique.msk.u32 vm0, v17;
	_, v21, vm1 =	vpop (xrf1);
	v23 =	vshrl.u32 v23, $0x7;
	vm3 =	veq.s32 v10, v6;
	v10 =	vor.u32 $0x300, v63;
	v18 =	vld [tilespmem:s15+$0x0]  }
0x29a: {  	[tilespmem:v16+s14+$0x0] =	vst.idx.add.s32.msk vm4, v25;
	v16 =	vand.u32 $0xFF, v23;
	v23 =	vand.u32 $0x7F, v22;
	_, v22, vm2 =	vpop (xrf1);
	(xrf1) =	vunique.msk.u32 vm3, v10  }
0x29b: {  	s1 =	simm.s32 $0xAA0;
	s20 =	simm.s32 $0x1000;
	s21 =	simm.s32 $0x1000  }
0x29c: {  	s30 =	simm.s32 $0x1000;
	s29 =	simm.s32 $0x1000;
	s28 =	simm.s32 $0x1000  }
0x29d: {  	s24 =	simm.s32 $0x1000;
	s0 =	simm.s32 $0x24;
	s25 =	simm.s32 $0x1000;
	v11 =	vand.u32 $0x180, v11;
	vm0 =	veq.s32 v19, v6;
	v19 =	vld [tilespmem:s16+$0xFFFFFFF0]  }
.LBB2_16:
0x29e: {  	v24 =	vld [tilespmem:s1+$0xFFFFFFE0];
	(xrf1) =	vunique.msk.u32 vm0, v16;
	v11 =	vor.u32 v23, v11;
	v28 =	vshra.s32 v18, $0xF;
	v25 =	vshrl.u32 v18, $0x7;
	v26 =	vmovc v15;
	s2 =	smov.u32 s20;
	s20 =	smov.u32 s21;
	s21 =	smov.u32 s14  }
0x29f: {  	v23 =	vmovc v17;
	v27 =	vmov v13;
	vm4 =	veq.s32 v28, v6;
	v15 =	vand.u32 $0xFF, v25;
	[tilespmem:v20+s24+$0x0] =	vst.idx.add.s32.msk vm1, v21  }
0x2a0: {  	v17 =	vand.u32 $0x7F, v7;
	v28 =	vor.u32 $0x200, v15;
	v29 =	vld [tilespmem:s26+$0x10];
	v15 =	vand.u32 $0x380, v8;
	_, v30, vm0 =	vpop (xrf1);
	s26 =	smov.u32 s22;
	s22 =	smov.u32 s15;
	s15 =	smov.u32 s17  }
0x2a1: {  	v7 =	vmov v9;
	v8 =	vmov v10;
	s17 =	smov.u32 s18;
	s18 =	smov.u32 s16;
	s16 =	smov.u32 s19;
	_, v31, vm3 =	vpop (xrf1);
	v32 =	vor.u32 v17, v15;
	(xrf1) =	vunique.msk.u32 vm4, v28  }
0x2a2: {  	s0 =	sadd.s32 $0x4, s0;
	v13 =	vmov v16;
	s19 =	smov.u32 s23;
	s23 =	smov.u32 s1;
	v9 =	vshra.s32 v19, $0xF;
	v15 =	vshrl.u32 v19, $0x7  }
0x2a3: {  	p0 =	slt.u32 s0, $0x7C;
	vm4 =	veq.s32 v9, v6;
	v9 =	vand.u32 $0xFF, v15;
	[tilespmem:v11+s2+$0x0] =	vst.idx.add.s32.msk vm2, v22  }
.Ltmp7:
0x2a4: {  	v10 =	vand.u32 $0x7F, v12;
	v17 =	vor.u32 $0x100, v9;
	v9 =	vand.u32 $0x280, v14;
	v18 =	vld [tilespmem:s15+$0x0];
	_, v21, vm1 =	vpop (xrf1);
	(pc) =	sbr.rel @p0 .LBB2_16-.Ltmp7, $4  }
0x2a5: {  	v12 =	vmovc v25;
	v11 =	vshra.s32 v24, $0xF;
	v20 =	vor.u32 v10, v9;
	v9 =	vshrl.u32 v29, $0x7;
	(xrf1) =	vunique.msk.u32 vm4, v17  }
0x2a6: {  	v16 =	vshrl.u32 v24, $0x7;
	v14 =	vmovc v28;
	v10 =	vshra.s32 v29, $0xF;
	v19 =	vand.u32 $0xFF, v9;
	[tilespmem:v32+s30+$0x0] =	vst.idx.add.s32.msk vm0, v30  }
0x2a7: {  	vm0 =	veq.s32 v11, v6;
	s30 =	smov.u32 s29;
	s29 =	smov.u32 s24;
	s24 =	smov.u32 s28;
	[tilespmem:v27+s14+$0x0] =	vst.idx.add.s32.msk vm3, v31;
	vm3 =	veq.s32 v10, v6;
	v10 =	vor.u32 $0x300, v19  }
0x2a8: {  	s1 =	sadd.s32 $0x40, s1;
	v16 =	vand.u32 $0xFF, v16;
	v11 =	vand.u32 $0x180, v23;
	v23 =	vand.u32 $0x7F, v26;
	s28 =	smov.u32 s25;
	s25 =	smov.u32 s2;
	v19 =	vld [tilespmem:s16+$0xFFFFFFF0];
	_, v22, vm2 =	vpop (xrf1);
	(xrf1) =	vunique.msk.u32 vm3, v10  }
0x2a9: {  	(xrf1) =	vunique.msk.u32 vm0, v16;
	_ =	sdelay $0x6  }
0x2aa: {  	v23 =	vor.u32 v23, v11;
	_, v11, vm0 =	vpop (xrf1)  }
0x2ab: {  	v14 =	vand.u32 $0x280, v14;
	v12 =	vand.u32 $0x7F, v12;
	_, v24, vm3 =	vpop (xrf1)  }
0x2ac: {  	v14 =	vor.u32 v12, v14;
	v12 =	vand.u32 $0x180, v17  }
0x2ad: {  	[tilespmem:v20+s24+$0x0] =	vst.idx.add.s32.msk vm1, v21;
	_, v40, vm4 =	vpop (xrf1)  }
0x2ae: {  	v21 =	vld [tilespmem:s26+$0x10]  }
0x2af: {  	v15 =	vand.u32 $0x7F, v15;
	[tilespmem:v23+s20+$0x0] =	vst.idx.add.s32.msk vm2, v22;
	_, v41, vm12 =	vpop (xrf1)  }
0x2b0: {  	s0 =	simm.s32 $0x1000;
	v15 =	vor.u32 v15, v12;
	v22 =	vld [tilespmem:s17+$0x0];
	_, v12, vm1 =	vpop (xrf1)  }
0x2b1: {  	v42 =	vshra.s32 v18, $0xF;
	[tilespmem:v13+s0+$0x0] =	vst.idx.add.s32.msk vm3, v24;
	_, v24, vm3 =	vpop (xrf1)  }
0x2b2: {  	v43 =	vshrl.u32 v18, $0x7;
	vm5 =	veq.s32 v42, v6;
	v44 =	vld [tilespmem:s19+$0xFFFFFFF0]  }
0x2b3: {  	v25 =	vshra.s32 v19, $0xF;
	v45 =	vshrl.u32 v19, $0x7;
	v13 =	vand.u32 $0xFF, v43;
	[tilespmem:v14+s28+$0x0] =	vst.idx.add.s32.msk vm4, v40  }
0x2b4: {  	vm13 =	veq.s32 v25, v6;
	v46 =	vor.u32 $0x200, v13;
	v13 =	vand.u32 $0xFF, v45;
	v47 =	vld [tilespmem:s22+$0x10]  }
0x2b5: {  	v26 =	vor.u32 $0x100, v13;
	v13 =	vshrl.u32 v21, $0x7;
	v48 =	vshra.s32 v22, $0xF;
	[tilespmem:v15+s21+$0x0] =	vst.idx.add.s32.msk vm12, v41  }
0x2b6: {  	(xrf1) =	vunique.msk.u32 vm5, v46;
	v22 =	vshrl.u32 v22, $0x7;
	v14 =	vshra.s32 v21, $0xF;
	vm15 =	veq.s32 v48, v6;
	v49 =	vld [tilespmem:s18+$0x0]  }
0x2b7: {  	vm14 =	veq.s32 v14, v6;
	v50 =	vshra.s32 v44, $0xF;
	v15 =	vand.u32 $0xFF, v13;
	[tilespmem:v16+s0+$0x0] =	vst.idx.add.s32.msk vm3, v24  }
0x2b8: {  	(xrf1) =	vunique.msk.u32 vm13, v26;
	v23 =	vshrl.u32 v44, $0x7;
	v14 =	vor.u32 $0x300, v15;
	v15 =	vand.u32 $0xFF, v22;
	v51 =	vld [tilespmem:s23+$0xFFFFFFF0]  }
0x2b9: {  	vm8 =	veq.s32 v50, v6;
	(xrf1) =	vunique.msk.u32 vm14, v14;
	v52 =	vor.u32 $0x200, v15;
	v15 =	vand.u32 $0xFF, v23  }
0x2ba: {  	v53 =	vshra.s32 v47, $0xF;
	(xrf1) =	vunique.msk.u32 vm15, v52;
	v27 =	vor.u32 $0x100, v15;
	v15 =	vshrl.u32 v47, $0x7  }
0x2bb: {  	vm9 =	veq.s32 v53, v6;
	v54 =	vand.u32 $0xFF, v15;
	v28 =	vshrl.u32 v49, $0x7  }
0x2bc: {  	(xrf1) =	vunique.msk.u32 vm8, v27;
	v16 =	vor.u32 $0x300, v54;
	v21 =	vshra.s32 v49, $0xF;
	v55 =	vand.u32 $0xFF, v28  }
0x2bd: {  	(xrf1) =	vunique.msk.u32 vm9, v16;
	vm10 =	veq.s32 v21, v6;
	v56 =	vor.u32 $0x200, v55;
	v57 =	vshrl.u32 v51, $0x7  }
0x2be: {  	(xrf1) =	vunique.msk.u32 vm10, v56;
	v17 =	vshra.s32 v51, $0xF;
	v29 =	vand.u32 $0xFF, v57  }
0x2bf: {  	vm11 =	veq.s32 v17, v6;
	v29 =	vor.u32 $0x100, v29  }
0x2c0: {  	(xrf1) =	vunique.msk.u32 vm11, v29;
	_ =	sdelay $0x3  }
0x2c1: {  	v18 =	vand.u32 $0x7F, v43;
	v58 =	vand.u32 $0x280, v46;
	_, v30, vm12 =	vpop (xrf1)  }
0x2c2: {  	v18 =	vor.u32 v18, v58  }
0x2c3: {  	v19 =	vand.u32 $0x7F, v45;
	v60 =	vand.u32 $0x180, v26;
	_, v59, vm4 =	vpop (xrf1)  }
0x2c4: {  	v19 =	vor.u32 v19, v60;
	v23 =	vand.u32 $0x7F, v23;
	_, v17, vm2 =	vpop (xrf1)  }
0x2c5: {  	v22 =	vand.u32 $0x7F, v22;
	v24 =	vand.u32 $0x280, v52;
	_, v61, vm5 =	vpop (xrf1)  }
0x2c6: {  	v22 =	vor.u32 v22, v24  }
0x2c7: {  	v62 =	vand.u32 $0x180, v27;
	[tilespmem:v18+s25+$0x0] =	vst.idx.add.s32.msk vm12, v30;
	_, v63, vm6 =	vpop (xrf1)  }
0x2c8: {  	v18 =	vor.u32 v23, v62;
	v32 =	vld [tilespmem:s15+$0x10];
	_, v23, vm3 =	vpop (xrf1)  }
0x2c9: {  	v34 =	vand.u32 $0x7F, v28;
	v33 =	vand.u32 $0x280, v56;
	[tilespmem:v19+s14+$0x0] =	vst.idx.add.s32.msk vm4, v59;
	_, v35, vm13 =	vpop (xrf1)  }
0x2ca: {  	v19 =	vor.u32 v34, v33;
	v36 =	vld [tilespmem:s16+$0x0]  }
0x2cb: {  	v38 =	vand.u32 $0x7F, v57;
	v37 =	vand.u32 $0x180, v29;
	[tilespmem:v22+s20+$0x0] =	vst.idx.add.s32.msk vm5, v61;
	_, v39, vm14 =	vpop (xrf1)  }
0x2cc: {  	v20 =	vor.u32 v38, v37;
	v26 =	vld [tilespmem:s17+$0x10]  }
0x2cd: {  	[tilespmem:v18+s0+$0x0] =	vst.idx.add.s32.msk vm6, v63  }
0x2ce: {  	v18 =	vld [tilespmem:s19+$0x0]  }
0x2cf: {  	v40 =	vshrl.u32 v32, $0x7;
	[tilespmem:v19+s21+$0x0] =	vst.idx.add.s32.msk vm13, v35  }
0x2d0: {  	v41 =	vshra.s32 v32, $0xF;
	v42 =	vand.u32 $0xFF, v40;
	v43 =	vshra.s32 v36, $0xF;
	v21 =	vld [tilespmem:s18+$0x10]  }
0x2d1: {  	vm15 =	veq.s32 v41, v6;
	v44 =	vshrl.u32 v36, $0x7;
	vm9 =	veq.s32 v43, v6;
	[tilespmem:v20+s0+$0x0] =	vst.idx.add.s32.msk vm14, v39  }
0x2d2: {  	v45 =	vand.u32 $0xFF, v44;
	v46 =	vshrl.u32 v26, $0x7;
	v26 =	vshra.s32 v26, $0xF;
	v25 =	vld [tilespmem:s23+$0x0]  }
0x2d3: {  	v19 =	vor.u32 $0x300, v42;
	v47 =	vand.u32 $0xFF, v46;
	vm10 =	veq.s32 v26, v6  }
0x2d4: {  	v48 =	vshra.s32 v18, $0xF;
	v18 =	vshrl.u32 v18, $0x7;
	v28 =	vor.u32 $0x300, v47  }
0x2d5: {  	(xrf1) =	vunique.msk.u32 vm15, v19;
	vm11 =	veq.s32 v48, v6;
	v49 =	vand.u32 $0xFF, v18;
	v20 =	vor.u32 $0x200, v45  }
0x2d6: {  	v26 =	vor.u32 $0x200, v49;
	(xrf1) =	vunique.msk.u32 vm9, v20;
	v50 =	vshrl.u32 v21, $0x7;
	v21 =	vshra.s32 v21, $0xF  }
0x2d7: {  	(xrf1) =	vunique.msk.u32 vm10, v28;
	v51 =	vand.u32 $0xFF, v50;
	vm12 =	veq.s32 v21, v6;
	v52 =	vshrl.u32 v25, $0x7  }
0x2d8: {  	(xrf1) =	vunique.msk.u32 vm11, v26;
	v30 =	vor.u32 $0x300, v51;
	v25 =	vshra.s32 v25, $0xF;
	v31 =	vand.u32 $0xFF, v52  }
0x2d9: {  	(xrf1) =	vunique.msk.u32 vm12, v30;
	vm13 =	veq.s32 v25, v6;
	v53 =	vor.u32 $0x200, v31  }
0x2da: {  	(xrf1) =	vunique.msk.u32 vm13, v53;
	_ =	sdelay $0x8  }
0x2db: {  	_, v54, vm4 =	vpop (xrf1)  }
0x2dc: {  	v27 =	vand.u32 $0x7F, v44;
	v20 =	vand.u32 $0x280, v20;
	_, v32, vm7 =	vpop (xrf1)  }
0x2dd: {  	v20 =	vor.u32 v27, v20;
	_, v55, vm5 =	vpop (xrf1)  }
0x2de: {  	v18 =	vand.u32 $0x7F, v18;
	v26 =	vand.u32 $0x280, v26;
	_, v33, vm8 =	vpop (xrf1)  }
0x2df: {  	v18 =	vor.u32 v18, v26;
	_, v56, vm6 =	vpop (xrf1)  }
0x2e0: {  	v21 =	vand.u32 $0x7F, v52;
	v25 =	vand.u32 $0x280, v53;
	_, v34, vm9 =	vpop (xrf1)  }
0x2e1: {  	v21 =	vor.u32 v21, v25  }
0x2e2: {  	[tilespmem:v20+s14+$0x0] =	vst.idx.add.s32.msk vm7, v32  }
0x2e3: {  	v20 =	vld [tilespmem:s16+$0x10]  }
0x2e4: {  	[tilespmem:v18+s0+$0x0] =	vst.idx.add.s32.msk vm8, v33  }
0x2e5: {  	v18 =	vld [tilespmem:s19+$0x10]  }
0x2e6: {  	[tilespmem:v21+s0+$0x0] =	vst.idx.add.s32.msk vm9, v34  }
0x2e7: {  	v21 =	vld [tilespmem:s23+$0x10];
	_ =	sdelay $0x1  }
0x2e8: {  	v57 =	vshrl.u32 v20, $0x7;
	v20 =	vshra.s32 v20, $0xF  }
0x2e9: {  	v58 =	vand.u32 $0xFF, v57;
	vm14 =	veq.s32 v20, v6  }
0x2ea: {  	v59 =	vor.u32 $0x300, v58;
	v60 =	vshrl.u32 v18, $0x7;
	v18 =	vshra.s32 v18, $0xF  }
0x2eb: {  	v61 =	vand.u32 $0xFF, v60;
	vm15 =	veq.s32 v18, v6;
	v62 =	vshrl.u32 v21, $0x7  }
0x2ec: {  	(xrf1) =	vunique.msk.u32 vm14, v59;
	v33 =	vor.u32 $0x300, v61;
	v21 =	vshra.s32 v21, $0xF;
	v63 =	vand.u32 $0xFF, v62  }
0x2ed: {  	(xrf1) =	vunique.msk.u32 vm15, v33;
	vm12 =	veq.s32 v21, v6;
	v6 =	vor.u32 $0x300, v63  }
0x2ee: {  	(xrf1) =	vunique.msk.u32 vm12, v6;
	_ =	sdelay $0x1  }
0x2ef: {  	v8 =	vand.u32 $0x380, v8;
	v7 =	vand.u32 $0x7F, v7  }
0x2f0: {  	v9 =	vand.u32 $0x7F, v9;
	v7 =	vor.u32 v7, v8;
	v8 =	vand.u32 $0x380, v10  }
0x2f1: {  	v8 =	vor.u32 v9, v8;
	v10 =	vand.u32 $0x7F, v13;
	v9 =	vand.u32 $0x380, v14  }
0x2f2: {  	v9 =	vor.u32 v10, v9;
	v13 =	vand.u32 $0x7F, v15;
	v10 =	vand.u32 $0x380, v16  }
0x2f3: {  	v10 =	vor.u32 v13, v10;
	v14 =	vand.u32 $0x7F, v40;
	v13 =	vand.u32 $0x380, v19  }
0x2f4: {  	v15 =	vand.u32 $0x7F, v46;
	v13 =	vor.u32 v14, v13;
	v14 =	vand.u32 $0x380, v28  }
0x2f5: {  	[tilespmem:v7+s30+$0x0] =	vst.idx.add.s32.msk vm0, v11;
	v7 =	vor.u32 v15, v14;
	v14 =	vand.u32 $0x7F, v50;
	v11 =	vand.u32 $0x380, v30  }
0x2f6: {  	[tilespmem:v8+s29+$0x0] =	vst.idx.add.s32.msk vm1, v12;
	v8 =	vor.u32 v14, v11;
	v12 =	vand.u32 $0x7F, v57;
	v11 =	vand.u32 $0x380, v59  }
0x2f7: {  	[tilespmem:v9+s24+$0x0] =	vst.idx.add.s32.msk vm2, v17;
	v9 =	vor.u32 v12, v11;
	v12 =	vand.u32 $0x7F, v60;
	_ =	sdelay $0x1  }
0x2f8: {  	_, v14, vm13 =	vpop (xrf1)  }
0x2f9: {  	v11 =	vand.u32 $0x380, v33;
	_, v15, vm14 =	vpop (xrf1)  }
0x2fa: {  	[tilespmem:v10+s28+$0x0] =	vst.idx.add.s32.msk vm3, v23;
	v10 =	vor.u32 v12, v11;
	v11 =	vand.u32 $0x7F, v62;
	v6 =	vand.u32 $0x380, v6;
	_, v12, vm15 =	vpop (xrf1)  }
0x2fb: {  	[tilespmem:v13+s25+$0x0] =	vst.idx.add.s32.msk vm4, v54;
	v6 =	vor.u32 v11, v6  }
0x2fc: {  	[tilespmem:v7+s20+$0x0] =	vst.idx.add.s32.msk vm5, v55  }
0x2fd: {  	[tilespmem:v8+s21+$0x0] =	vst.idx.add.s32.msk vm6, v56  }
0x2fe: {  	[tilespmem:v9+s14+$0x0] =	vst.idx.add.s32.msk vm13, v14  }
0x2ff: {  	[tilespmem:v10+s0+$0x0] =	vst.idx.add.s32.msk vm14, v15  }
0x300: {  	s1 =	simm.s32 $0x0;
	[tilespmem:v6+s0+$0x0] =	vst.idx.add.s32.msk vm15, v12  }
0x301: {  	s22 =	sand.u32 $0xF0, s1;
	v6 =	vld [tilespmem:s0+$0x0]  }
0x302: {  	v7 =	vld [tilespmem:s22+$0x1100]  }
0x303: {  	v8 =	vld [tilespmem:s22+$0x1200]  }
0x304: {  	s24 =	simm.s32 $0x1010;
	s23 =	simm.s32 $0x10;
	v9 =	vld [tilespmem:s22+$0x1300]  }
0x305: {  	s25 =	sand.u32 $0xF0, s23;
	v10 =	vld [tilespmem:s24+$0x0]  }
0x306: {  	v11 =	vld [tilespmem:s25+$0x1100]  }
0x307: {  	v12 =	vld [tilespmem:s25+$0x1200];
	v6 =	vadd.s32 v6, v7  }
0x308: {  	v7 =	vld [tilespmem:s25+$0x1300];
	v6 =	vadd.s32 v8, v6  }
0x309: {  	s26 =	simm.s32 $0x20;
	s28 =	simm.s32 $0x1020;
	v13 =	vadd.s32 v9, v6  }
0x30a: {  	s0 =	sand.u32 $0xF0, s26;
	v8 =	vld [tilespmem:s28+$0x0];
	v6 =	vperm.xlane v13, v2  }
0x30b: {  	v9 =	vadd.s32 v10, v11;
	v10 =	vld [tilespmem:s0+$0x1100]  }
0x30c: {  	v11 =	vld [tilespmem:s0+$0x1200];
	v9 =	vadd.s32 v12, v9;
	(xrf0) =	vadd.scan.msk.s32 $0xffff, v6  }
0x30d: {  	v6 =	vadd.s32 v7, v9;
	v7 =	vld [tilespmem:s0+$0x1300];
	_ =	sdelay $0x1  }
0x30e: {  	v9 =	vperm.xlane v6, v2  }
0x30f: {  	v8 =	vadd.s32 v8, v10  }
0x310: {  	s30 =	simm.s32 $0x1030;
	s29 =	simm.s32 $0x30;
	(xrf0) =	vadd.scan.msk.s32 $0xffff, v9;
	v9 =	vadd.s32 v11, v8  }
0x311: {  	s31 =	sand.u32 $0xF0, s29;
	v8 =	vld [tilespmem:s30+$0x0];
	v7 =	vadd.s32 v7, v9;
	v10, _, _ =	vpop (xrf0)  }
0x312: {  	s2 =	simm.s32 $0x1500;
	v9 =	vld [tilespmem:s31+$0x1100];
	v12 =	vperm.xlane v7, v2;
	v11 =	vperm.xlane v10, v2  }
0x313: {  	[tilespmem:s2+$0x0] =	vst v13;
	s0 =	simm.s32 $0x1400;
	v10 =	vld [tilespmem:s31+$0x1200]  }
0x314: {  	[tilespmem:s0+$0x0] =	vst v11;
	v11 =	vld [tilespmem:s31+$0x1300];
	_ =	sdelay $0x1  }
0x315: {  	s3 =	simm.s32 $0x1040;
	s1 =	simm.s32 $0x1510;
	s2 =	simm.s32 $0x40;
	(xrf0) =	vadd.scan.msk.s32 $0xffff, v12;
	v12, _, _ =	vpop (xrf0)  }
.LBB2_18:
0x316: {  	s4 =	sand.u32 $0xF0, s2;
	p0 =	sne.s32 s2, $0xF0;
	s2 =	sadd.s32 $0x10, s2;
	v13 =	vadd.s32 v8, v9;
	v8 =	vld [tilespmem:s3+$0x0];
	v12 =	vperm.xlane v12, v2  }
.Ltmp8:
0x317: {  	s0 =	sadd.s32 $0x10, s0;
	v9 =	vld [tilespmem:s4+$0x1100];
	v13 =	vadd.s32 v10, v13;
	[tilespmem:s1+$0x0] =	vst v6;
	v6 =	vmov v7;
	(pc) =	sbr.rel @p0 .LBB2_18-.Ltmp8, $3  }
0x318: {  	v10 =	vld [tilespmem:s4+$0x1200];
	v7 =	vadd.s32 v11, v13;
	[tilespmem:s0+$0x0] =	vst v12  }
0x319: {  	v11 =	vld [tilespmem:s4+$0x1300];
	v13 =	vperm.xlane v7, v2;
	_ =	sdelay $0x1  }
0x31a: {  	s3 =	sadd.s32 $0x10, s3;
	s1 =	sadd.s32 $0x10, s1;
	(xrf0) =	vadd.scan.msk.s32 $0xffff, v13;
	v12, _, _ =	vpop (xrf0)  }
0x31b: {  	v8 =	vadd.s32 v8, v9  }
0x31c: {  	v8 =	vadd.s32 v10, v8  }
0x31d: {  	v8 =	vadd.s32 v11, v8  }
0x31e: {  	v10 =	vmov s13;
	v9 =	vperm.xlane v8, v2  }
0x31f: {  	v5 =	vxor.u32 $0x80000000, v5;
	vm0 =	veq.s32 v10, v0  }
0x320: {  	v4 =	vxor.u32 $0x80000000, v4;
	v5 =	vnsel vm0, $0x80000000, v5;
	(xrf0) =	vadd.scan.msk.s32 $0xffff, v9  }
0x321: {  	v4 =	vnsel vm0, $0x80000000, v4;
	(xrf0) =	vmax.scan.msk.u32 $0xffff, v5  }
0x322: {  	(xrf0) =	vmax.scan.msk.u32 $0xffff, v4  }
0x323: {  	v5 =	vperm.xlane v12, v2;
	_ =	sdelay $0x1  }
0x324: {  	v4, _, _ =	vpop (xrf0)  }
0x325: {  	[tilespmem:s1+$0x0] =	vst v6;
	s0 =	sadd.s32 $0x10, s0;
	v9, _, _ =	vpop (xrf0)  }
0x326: {  	s28 =	sadd.s32 $0x10, s1;
	[tilespmem:s0+$0x0] =	vst v5;
	v4 =	vperm.xlane v4, v2;
	v5, _, _ =	vpop (xrf0)  }
0x327: {  	[tilespmem:s28+$0x0] =	vst v7;
	s0 =	sadd.s32 $0x10, s0;
	(v2sf) =	vpush v5, $0xF;
	v5, _, _ =	vpop (xrf0)  }
0x328: {  	s1 =	sadd.s32 $0x10, s28;
	[tilespmem:s0+$0x0] =	vst v4;
	v4 =	vperm.xlane v9, v2;
	(v2sf) =	vpush v5, $0xF  }
0x329: {  	[tilespmem:s1+$0x0] =	vst v8;
	s0 =	sadd.s32 $0x10, s0  }
0x32a: {  	[tilespmem:s0+$0x0] =	vst v4  }
0x32b: {  	v5 =	vld.idx.msk [tilespmem:v3+s9+$0x0], $0xffff;
	_ =	sdelay $0x4  }
0x32c: {  	v4 =	vperm.xlane v5, v2;
	_ =	sdelay $0x1  }
0x32d: {  	(xrf0) =	vadd.scan.msk.s32 $0xffff, v4;
	_ =	sdelay $0x3  }
0x32e: {  	s29 =	spop (v2sf)  }
0x32f: {  	s30 =	spop (v2sf)  }
0x330: {  	v4, _, _ =	vpop (xrf0);
	s0 =	sadd.s32 s29, s12;
	s1 =	sxor.u32 $0x7FFFFFFF, s30  }
0x331: {  	v8 =	vperm.xlane v4, v2;
	s1 =	sadd.s32 s1, s0  }
0x332: {  	s3 =	ssub.s32 $0x800000FF, s1  }
0x333: {  	vm15 =	vge.s32 v8, s3  }
0x334: {  	v4 =	vsel vm15, $0x1, v1  }
0x335: {  	(xrf0) =	vadd.scan.msk.s32 $0xffff, v4;
	_ =	sdelay $0x5  }
0x336: {  	v4, _, _ =	vpop (xrf0)  }
0x337: {  	(v2sf) =	vpush v4, $0xF;
	_ =	sdelay $0xe  }
0x338: {  	s31 =	spop (v2sf)  }
0x339: {  	s2 =	sadd.s32 $0xFFFFFFFF, s31  }
0x33a: {  	s0 =	sshll.u32 s2, $0x4  }
0x33b: {  	v6 =	vld [tilespmem:s0+$0x1400]  }
0x33c: {  	s12 =	sadd.s32 $0x80000001, s1;
	s1 =	simm.s32 $0x0;
	v7 =	vmov s3;
	s3 =	simm.s32 $0x40;
	v4 =	vld [tilespmem:s0+$0x1500]  }
.LBB2_20:
0x33d: {  	p0 =	sne.s32 s3, $0xFC0;
	[tilespmem:s1+$0x1000] =	vst v1;
	s1 =	smov.u32 s3;
	s3 =	sadd.s32 $0x40, s3  }
.Ltmp9:
0x33e: {  	(pc) =	sbr.rel @p0 .LBB2_20-.Ltmp9, $2  }
0x33f: {  	_ =	sdelay $0x2  }
0x340: {  	s1 =	sshra.s32 s1, $0x2  }
0x341: {  	v9 =	vmov s2  }
0x342: {  	v5 =	vxor.u32 $0x80000000, v5;
	vm0 =	veq.s32 v9, v0  }
0x343: {  	v8 =	vxor.u32 $0x80000000, v8;
	v5 =	vnsel vm0, $0x80000000, v5  }
0x344: {  	(xrf0) =	vmax.scan.msk.u32 $0xffff, v5;
	v5 =	vnsel vm0, $0x80000000, v8  }
0x345: {  	(xrf0) =	vmax.scan.msk.u32 $0xffff, v5;
	_ =	sdelay $0x4  }
0x346: {  	v5, _, _ =	vpop (xrf0)  }
0x347: {  	(v2sf) =	vpush v5, $0xF;
	v5, _, _ =	vpop (xrf0)  }
0x348: {  	(v2sf) =	vpush v5, $0xF;
	_ =	sdelay $0xd  }
0x349: {  	s25 =	spop (v2sf)  }
0x34a: {  	s3 =	spop (v2sf)  }
0x34b: {  	s2 =	sxor.u32 $0x80000000, s25;
	s3 =	sxor.u32 $0x80000000, s3  }
0x34c: {  	s2 =	ssub.s32 s3, s2  }
0x34d: {  	v5 =	vadd.s32 s2, v6  }
0x34e: {  	vm0 =	vge.s32 v5, v7  }
0x34f: {  	v6 =	vsel vm0, $0x1, v1  }
0x350: {  	(xrf0) =	vadd.scan.msk.s32 $0xffff, v6;
	_ =	sdelay $0x5  }
0x351: {  	v6, _, _ =	vpop (xrf0)  }
0x352: {  	(v2sf) =	vpush v6, $0xF;
	_ =	sdelay $0xe  }
0x353: {  	[tilespmem:s1+$0x1000] =	vst v1;
	s29 =	simm.s32 $0x820;
	s26 =	spop (v2sf)  }
0x354: {  	v7 =	vld [tilespmem:s29+$0xFFFFFFE0];
	s13 =	sadd.s32 $0xFFFFFFFF, s26  }
0x355: {  	s0 =	sadd.s32 s0, s13  }
0x356: {  	s0 =	sshll.u32 s0, $0x7  }
0x357: {  	s11 =	sor.u32 s11, s0  }
0x358: {  	s0 =	sshra.s32 s11, $0x7  }
0x359: {  	v8 =	vshra.s32 v7, $0x7;
	v6 =	vmov s0  }
0x35a: {  	v7 =	vand.u32 $0x7F, v7;
	vm0 =	veq.s32 v8, v6  }
0x35b: {  	s30 =	simm.s32 $0x860;
	(xrf1) =	vunique.msk.u32 vm0, v7  }
0x35c: {  	v8 =	vld [tilespmem:s30+$0xFFFFFFE0];
	_ =	sdelay $0x4  }
0x35d: {  	v9 =	vshra.s32 v8, $0x7  }
0x35e: {  	v8 =	vand.u32 $0x7F, v8;
	vm0 =	veq.s32 v9, v6  }
0x35f: {  	(xrf1) =	vunique.msk.u32 vm0, v8;
	_ =	sdelay $0x3  }
0x360: {  	s31 =	simm.s32 $0x8A0  }
0x361: {  	v9 =	vld [tilespmem:s31+$0xFFFFFFE0]  }
0x362: {  	_, v10, vm0 =	vpop (xrf1);
	_ =	sdelay $0x3  }
0x363: {  	s0 =	simm.s32 $0x8E0;
	v11 =	vshra.s32 v9, $0x7  }
0x364: {  	s6 =	simm.s32 $0x1000;
	v9 =	vand.u32 $0x7F, v9;
	vm1 =	veq.s32 v11, v6;
	v11 =	vld [tilespmem:s0+$0xFFFFFFE0]  }
0x365: {  	(xrf1) =	vunique.msk.u32 vm1, v9;
	[tilespmem:v7+s6+$0x0] =	vst.idx.add.s32.msk vm0, v10  }
0x366: {  	v7 =	vld [tilespmem:s29+$0xFFFFFFF0]  }
0x367: {  	_, v12, vm0 =	vpop (xrf1);
	_ =	sdelay $0x1  }
0x368: {  	v10 =	vshra.s32 v11, $0x7  }
0x369: {  	vm1 =	veq.s32 v10, v6;
	v10 =	vand.u32 $0x7F, v11  }
0x36a: {  	s19 =	simm.s32 $0x920;
	(xrf1) =	vunique.msk.u32 vm1, v10;
	v11 =	vshra.s32 v7, $0x7;
	v7 =	vand.u32 $0x7F, v7  }
0x36b: {  	v13 =	vld [tilespmem:s19+$0xFFFFFFE0];
	vm1 =	veq.s32 v11, v6;
	v7 =	vor.u32 $0x100, v7  }
0x36c: {  	[tilespmem:v8+s6+$0x0] =	vst.idx.add.s32.msk vm0, v12;
	(xrf1) =	vunique.msk.u32 vm1, v7  }
0x36d: {  	v8 =	vld [tilespmem:s30+$0xFFFFFFF0];
	_ =	sdelay $0x2  }
0x36e: {  	v12 =	vshra.s32 v13, $0x7  }
0x36f: {  	vm1 =	veq.s32 v12, v6;
	v12 =	vand.u32 $0x7F, v13  }
0x370: {  	s14 =	simm.s32 $0x960;
	(xrf1) =	vunique.msk.u32 vm1, v12;
	_, v11, vm0 =	vpop (xrf1);
	v13 =	vshra.s32 v8, $0x7;
	v8 =	vand.u32 $0x7F, v8  }
0x371: {  	v14 =	vld [tilespmem:s14+$0xFFFFFFE0];
	vm1 =	veq.s32 v13, v6;
	v8 =	vor.u32 $0x100, v8  }
0x372: {  	(xrf1) =	vunique.msk.u32 vm1, v8;
	_ =	sdelay $0x3  }
0x373: {  	v13 =	vshra.s32 v14, $0x7;
	[tilespmem:v9+s6+$0x0] =	vst.idx.add.s32.msk vm0, v11;
	_, v11, vm0 =	vpop (xrf1)  }
0x374: {  	vm1 =	veq.s32 v13, v6;
	v13 =	vand.u32 $0x7F, v14;
	v9 =	vld [tilespmem:s31+$0xFFFFFFF0]  }
0x375: {  	s16 =	simm.s32 $0x9A0;
	(xrf1) =	vunique.msk.u32 vm1, v13;
	_, v14, vm2 =	vpop (xrf1)  }
0x376: {  	v16 =	vld [tilespmem:s16+$0xFFFFFFE0];
	_ =	sdelay $0x2  }
0x377: {  	v15 =	vshra.s32 v9, $0x7;
	v9 =	vand.u32 $0x7F, v9;
	[tilespmem:v10+s6+$0x0] =	vst.idx.add.s32.msk vm0, v11  }
0x378: {  	vm1 =	veq.s32 v15, v6;
	v9 =	vor.u32 $0x100, v9;
	v10 =	vld [tilespmem:s0+$0xFFFFFFF0]  }
0x379: {  	v11 =	vshra.s32 v16, $0x7;
	(xrf1) =	vunique.msk.u32 vm1, v9;
	[tilespmem:v7+s6+$0x0] =	vst.idx.add.s32.msk vm2, v14;
	_, v7, vm0 =	vpop (xrf1)  }
0x37a: {  	vm1 =	veq.s32 v11, v6;
	v11 =	vand.u32 $0x7F, v16;
	v14 =	vld [tilespmem:s29+$0x0]  }
0x37b: {  	(xrf1) =	vunique.msk.u32 vm1, v11;
	_, v16, vm1 =	vpop (xrf1);
	_ =	sdelay $0x1  }
0x37c: {  	s18 =	simm.s32 $0x9E0;
	v15 =	vshra.s32 v10, $0x7;
	v10 =	vand.u32 $0x7F, v10  }
0x37d: {  	vm2 =	veq.s32 v15, v6;
	v10 =	vor.u32 $0x100, v10;
	v15 =	vld [tilespmem:s18+$0xFFFFFFE0]  }
0x37e: {  	(xrf1) =	vunique.msk.u32 vm2, v10;
	[tilespmem:v12+s6+$0x0] =	vst.idx.add.s32.msk vm0, v7;
	v7 =	vshra.s32 v14, $0x7;
	v12 =	vand.u32 $0x7F, v14  }
0x37f: {  	v14 =	vld [tilespmem:s19+$0xFFFFFFF0];
	vm0 =	veq.s32 v7, v6;
	v7 =	vor.u32 $0x200, v12  }
0x380: {  	[tilespmem:v8+s6+$0x0] =	vst.idx.add.s32.msk vm1, v16;
	(xrf1) =	vunique.msk.u32 vm0, v7;
	_, v8, vm0 =	vpop (xrf1)  }
0x381: {  	v12 =	vld [tilespmem:s30+$0x0];
	_ =	sdelay $0x1  }
0x382: {  	v16 =	vshra.s32 v15, $0x7  }
0x383: {  	s15 =	simm.s32 $0xA20;
	v15 =	vand.u32 $0x7F, v15;
	vm2 =	veq.s32 v16, v6  }
0x384: {  	v18 =	vld [tilespmem:s15+$0xFFFFFFE0];
	(xrf1) =	vunique.msk.u32 vm2, v15;
	v16 =	vshra.s32 v14, $0x7  }
0x385: {  	_, v17, vm1 =	vpop (xrf1);
	v14 =	vand.u32 $0x7F, v14;
	[tilespmem:v13+s6+$0x0] =	vst.idx.add.s32.msk vm0, v8;
	v8 =	vshra.s32 v12, $0x7;
	v12 =	vand.u32 $0x7F, v12  }
0x386: {  	vm2 =	veq.s32 v16, v6;
	v14 =	vor.u32 $0x100, v14  }
0x387: {  	(xrf1) =	vunique.msk.u32 vm2, v14  }
0x388: {  	v13 =	vld [tilespmem:s14+$0xFFFFFFF0];
	vm0 =	veq.s32 v8, v6;
	v8 =	vor.u32 $0x200, v12  }
0x389: {  	_, v12, vm2 =	vpop (xrf1);
	(xrf1) =	vunique.msk.u32 vm0, v8  }
0x38a: {  	v16 =	vshra.s32 v18, $0x7  }
0x38b: {  	[tilespmem:v9+s6+$0x0] =	vst.idx.add.s32.msk vm1, v17;
	vm1 =	veq.s32 v16, v6;
	v16 =	vand.u32 $0x7F, v18;
	_, v17, vm0 =	vpop (xrf1)  }
0x38c: {  	(xrf1) =	vunique.msk.u32 vm1, v16  }
0x38d: {  	s17 =	simm.s32 $0xA60;
	v9 =	vld [tilespmem:s31+$0x0];
	v18 =	vshra.s32 v13, $0x7;
	v13 =	vand.u32 $0x7F, v13  }
0x38e: {  	v19 =	vld [tilespmem:s17+$0xFFFFFFE0];
	vm1 =	veq.s32 v18, v6;
	v18 =	vor.u32 $0x100, v13  }
0x38f: {  	[tilespmem:v11+s6+$0x0] =	vst.idx.add.s32.msk vm2, v12;
	_, v11, vm2 =	vpop (xrf1);
	(xrf1) =	vunique.msk.u32 vm1, v18  }
0x390: {  	v13 =	vld [tilespmem:s16+$0xFFFFFFF0]  }
0x391: {  	[tilespmem:v10+s6+$0x0] =	vst.idx.add.s32.msk vm0, v17  }
0x392: {  	v12 =	vshra.s32 v9, $0x7;
	v9 =	vand.u32 $0x7F, v9;
	_, v20, vm0 =	vpop (xrf1);
	v17 =	vld [tilespmem:s0+$0x0]  }
0x393: {  	vm1 =	veq.s32 v12, v6;
	v9 =	vor.u32 $0x200, v9  }
0x394: {  	v10 =	vshra.s32 v19, $0x7;
	(xrf1) =	vunique.msk.u32 vm1, v9  }
0x395: {  	vm1 =	veq.s32 v10, v6;
	v10 =	vshra.s32 v13, $0x7;
	[tilespmem:v7+s6+$0x0] =	vst.idx.add.s32.msk vm2, v11;
	_, v7, vm2 =	vpop (xrf1)  }
0x396: {  	v12 =	vand.u32 $0x7F, v19;
	v11 =	vand.u32 $0x7F, v13;
	vm3 =	veq.s32 v10, v6  }
0x397: {  	(xrf1) =	vunique.msk.u32 vm1, v12;
	v10 =	vor.u32 $0x100, v11;
	v11 =	vshra.s32 v17, $0x7;
	v13 =	vand.u32 $0x7F, v17;
	v17 =	vld [tilespmem:s29+$0x10];
	_, v19, vm1 =	vpop (xrf1)  }
0x398: {  	s1 =	simm.s32 $0xAA0;
	[tilespmem:v15+s6+$0x0] =	vst.idx.add.s32.msk vm0, v20  }
0x399: {  	(xrf1) =	vunique.msk.u32 vm3, v10;
	vm3 =	veq.s32 v11, v6;
	v11 =	vor.u32 $0x200, v13;
	v13 =	vld [tilespmem:s1+$0xFFFFFFE0]  }
0x39a: {  	v15 =	vld [tilespmem:s18+$0xFFFFFFF0];
	_, v20, vm0 =	vpop (xrf1)  }
0x39b: {  	(xrf1) =	vunique.msk.u32 vm3, v11;
	[tilespmem:v14+s6+$0x0] =	vst.idx.add.s32.msk vm2, v7  }
0x39c: {  	v21 =	vld [tilespmem:s19+$0x0]  }
0x39d: {  	v7 =	vshra.s32 v17, $0x7;
	v14 =	vand.u32 $0x7F, v17;
	[tilespmem:v8+s6+$0x0] =	vst.idx.add.s32.msk vm1, v19;
	_, v8, vm1 =	vpop (xrf1)  }
0x39e: {  	s23 =	simm.s32 $0xAE0;
	vm2 =	veq.s32 v7, v6;
	v7 =	vor.u32 $0x300, v14;
	v14 =	vshra.s32 v13, $0x7;
	v17 =	vld [tilespmem:s30+$0x10]  }
0x39f: {  	v23 =	vld [tilespmem:s23+$0xFFFFFFE0];
	(xrf1) =	vunique.msk.u32 vm2, v7;
	vm2 =	veq.s32 v14, v6  }
0x3a0: {  	v14 =	vand.u32 $0x7F, v13;
	v13 =	vshra.s32 v15, $0x7;
	v15 =	vand.u32 $0x7F, v15;
	[tilespmem:v16+s6+$0x0] =	vst.idx.add.s32.msk vm0, v20  }
0x3a1: {  	(xrf1) =	vunique.msk.u32 vm2, v14;
	vm0 =	veq.s32 v13, v6;
	v15 =	vor.u32 $0x100, v15;
	v13 =	vshra.s32 v21, $0x7  }
0x3a2: {  	_, v22, vm3 =	vpop (xrf1);
	(xrf1) =	vunique.msk.u32 vm0, v15;
	v16 =	vand.u32 $0x7F, v21;
	vm0 =	veq.s32 v13, v6  }
0x3a3: {  	v13 =	vor.u32 $0x200, v16;
	[tilespmem:v18+s6+$0x0] =	vst.idx.add.s32.msk vm1, v8;
	v8 =	vshra.s32 v17, $0x7;
	v16 =	vand.u32 $0x7F, v17  }
0x3a4: {  	v24 =	vld [tilespmem:s15+$0xFFFFFFF0];
	(xrf1) =	vunique.msk.u32 vm0, v13;
	vm0 =	veq.s32 v8, v6;
	v8 =	vor.u32 $0x300, v16;
	v16 =	vshra.s32 v23, $0x7  }
0x3a5: {  	(xrf1) =	vunique.msk.u32 vm0, v8;
	vm0 =	veq.s32 v16, v6;
	v16 =	vand.u32 $0x7F, v23  }
0x3a6: {  	s4 =	simm.s32 $0xB20;
	s21 =	simm.s32 $0x1000;
	_, v19, vm1 =	vpop (xrf1);
	(xrf1) =	vunique.msk.u32 vm0, v16  }
0x3a7: {  	s20 =	simm.s32 $0x1000;
	s7 =	simm.s32 $0x1000;
	s24 =	simm.s32 $0x1000;
	v17 =	vld [tilespmem:s14+$0x0]  }
0x3a8: {  	s22 =	simm.s32 $0x1000;
	s28 =	simm.s32 $0x1000;
	s25 =	simm.s32 $0x1000;
	[tilespmem:v9+s6+$0x0] =	vst.idx.add.s32.msk vm3, v22;
	_, v20, vm2 =	vpop (xrf1)  }
0x3a9: {  	s3 =	simm.s32 $0x2C;
	s2 =	simm.s32 $0x1000;
	s26 =	simm.s32 $0x1000;
	v22 =	vshra.s32 v24, $0x7;
	v23 =	vand.u32 $0x7F, v24;
	v18 =	vld [tilespmem:s31+$0x10];
	_, v21, vm3 =	vpop (xrf1)  }
.LBB2_22:
0x3aa: {  	s29 =	smov.u32 s21  }
0x3ab: {  	s21 =	smov.u32 s20;
	s20 =	smov.u32 s7;
	s7 =	smov.u32 s24  }
0x3ac: {  	v9 =	vld [tilespmem:s4+$0xFFFFFFE0];
	vm0 =	veq.s32 v22, v6;
	v22 =	vor.u32 $0x100, v23;
	s24 =	smov.u32 s26;
	s26 =	smov.u32 s22;
	s22 =	smov.u32 s25  }
0x3ad: {  	v26 =	vshra.s32 v17, $0x7;
	v17 =	vand.u32 $0x7F, v17;
	s25 =	smov.u32 s6;
	s5 =	smov.u32 s16;
	s16 =	smov.u32 s18;
	[tilespmem:v12+s6+$0x0] =	vst.idx.add.s32.msk vm1, v19;
	(xrf1) =	vunique.msk.u32 vm0, v22;
	_, v23, vm0 =	vpop (xrf1)  }
0x3ae: {  	s18 =	smov.u32 s15;
	s15 =	smov.u32 s17;
	s3 =	sadd.s32 $0x4, s3;
	vm1 =	veq.s32 v26, v6;
	v25 =	vor.u32 $0x200, v17;
	v12 =	vmovc v14;
	v14 =	vmov v16;
	v24 =	vld [tilespmem:s17+$0xFFFFFFF0]  }
0x3af: {  	p0 =	slt.u32 s3, $0x7C;
	v16 =	vshra.s32 v18, $0x7;
	v18 =	vand.u32 $0x7F, v18;
	s17 =	smov.u32 s1;
	s1 =	smov.u32 s23;
	[tilespmem:v10+s24+$0x0] =	vst.idx.add.s32.msk vm2, v20;
	(xrf1) =	vunique.msk.u32 vm1, v25;
	v10 =	vmovc v15  }
.Ltmp10:
0x3b0: {  	s23 =	smov.u32 s4;
	vm2 =	veq.s32 v16, v6;
	v26 =	vor.u32 $0x300, v18;
	v15 =	vmov v22;
	_, v19, vm1 =	vpop (xrf1);
	v17 =	vld [tilespmem:s5+$0x0];
	(pc) =	sbr.rel @p0 .LBB2_22-.Ltmp10, $4  }
0x3b1: {  	[tilespmem:v11+s21+$0x0] =	vst.idx.add.s32.msk vm3, v21;
	(xrf1) =	vunique.msk.u32 vm2, v26;
	v11 =	vmov v13;
	v13 =	vmov v25  }
0x3b2: {  	v16 =	vshra.s32 v9, $0x7;
	_, v20, vm2 =	vpop (xrf1);
	v18 =	vld [tilespmem:s0+$0x10];
	s0 =	smov.u32 s19;
	s19 =	smov.u32 s14;
	s14 =	smov.u32 s5  }
0x3b3: {  	vm3 =	veq.s32 v16, v6;
	v16 =	vand.u32 $0x7F, v9;
	[tilespmem:v7+s28+$0x0] =	vst.idx.add.s32.msk vm0, v23;
	v7 =	vmovc v8;
	v8 =	vmov v26  }
0x3b4: {  	s4 =	sadd.s32 $0x40, s4;
	v22 =	vshra.s32 v24, $0x7;
	v23 =	vand.u32 $0x7F, v24;
	s28 =	smov.u32 s2;
	s2 =	smov.u32 s29;
	(xrf1) =	vunique.msk.u32 vm3, v16;
	_, v21, vm3 =	vpop (xrf1)  }
0x3b5: {  	_ =	sdelay $0x5  }
0x3b6: {  	s3 =	simm.s32 $0x1000;
	_, v9, vm0 =	vpop (xrf1)  }
0x3b7: {  	[tilespmem:v12+s3+$0x0] =	vst.idx.add.s32.msk vm1, v19;
	_, v12, vm4 =	vpop (xrf1)  }
0x3b8: {  	[tilespmem:v10+s26+$0x0] =	vst.idx.add.s32.msk vm2, v20  }
0x3b9: {  	[tilespmem:v11+s20+$0x0] =	vst.idx.add.s32.msk vm3, v21;
	_, v20, vm2 =	vpop (xrf1)  }
0x3ba: {  	v24 =	vld [tilespmem:s16+$0x0]  }
0x3bb: {  	v25 =	vld [tilespmem:s0+$0x10];
	_, v21, vm3 =	vpop (xrf1)  }
0x3bc: {  	v19 =	vld [tilespmem:s17+$0xFFFFFFF0];
	_, v10, vm1 =	vpop (xrf1)  }
0x3bd: {  	vm5 =	veq.s32 v22, v6;
	v28 =	vor.u32 $0x100, v23;
	v11 =	vshra.s32 v17, $0x7;
	[tilespmem:v14+s3+$0x0] =	vst.idx.add.s32.msk vm4, v12;
	_, v12, vm4 =	vpop (xrf1)  }
0x3be: {  	(xrf1) =	vunique.msk.u32 vm5, v28;
	vm12 =	veq.s32 v11, v6;
	v11 =	vshra.s32 v18, $0x7;
	v29 =	vld [tilespmem:s1+$0xFFFFFFF0]  }
0x3bf: {  	v30 =	vand.u32 $0x7F, v18;
	vm6 =	veq.s32 v11, v6;
	v14 =	vand.u32 $0x7F, v17;
	[tilespmem:v15+s22+$0x0] =	vst.idx.add.s32.msk vm2, v20  }
0x3c0: {  	v11 =	vor.u32 $0x300, v30;
	v34 =	vand.u32 $0x7F, v24;
	v14 =	vor.u32 $0x200, v14;
	v32 =	vld [tilespmem:s18+$0x0]  }
0x3c1: {  	v31 =	vand.u32 $0x7F, v19;
	(xrf1) =	vunique.msk.u32 vm12, v14;
	v15 =	vshra.s32 v19, $0x7;
	[tilespmem:v13+s7+$0x0] =	vst.idx.add.s32.msk vm3, v21  }
0x3c2: {  	(xrf1) =	vunique.msk.u32 vm6, v11;
	vm13 =	veq.s32 v15, v6;
	v15 =	vor.u32 $0x100, v31;
	v13 =	vshra.s32 v24, $0x7;
	v33 =	vld [tilespmem:s19+$0x10]  }
0x3c3: {  	(xrf1) =	vunique.msk.u32 vm13, v15;
	vm14 =	veq.s32 v13, v6;
	v13 =	vshra.s32 v25, $0x7;
	[tilespmem:v16+s3+$0x0] =	vst.idx.add.s32.msk vm4, v12  }
0x3c4: {  	v35 =	vand.u32 $0x7F, v25;
	vm15 =	veq.s32 v13, v6;
	v12 =	vor.u32 $0x200, v34;
	v13 =	vld [tilespmem:s23+$0xFFFFFFF0]  }
0x3c5: {  	v36 =	vshra.s32 v29, $0x7;
	v17 =	vand.u32 $0x7F, v29;
	v16 =	vor.u32 $0x300, v35;
	(xrf1) =	vunique.msk.u32 vm14, v12  }
0x3c6: {  	vm6 =	veq.s32 v36, v6;
	v17 =	vor.u32 $0x100, v17;
	v37 =	vshra.s32 v32, $0x7;
	(xrf1) =	vunique.msk.u32 vm15, v16  }
0x3c7: {  	v19 =	vand.u32 $0x7F, v32;
	vm7 =	veq.s32 v37, v6;
	v38 =	vshra.s32 v33, $0x7;
	(xrf1) =	vunique.msk.u32 vm6, v17  }
0x3c8: {  	v19 =	vor.u32 $0x200, v19;
	v18 =	vand.u32 $0x7F, v33;
	vm8 =	veq.s32 v38, v6  }
0x3c9: {  	v18 =	vor.u32 $0x300, v18;
	(xrf1) =	vunique.msk.u32 vm7, v19;
	v39 =	vshra.s32 v13, $0x7;
	v13 =	vand.u32 $0x7F, v13  }
0x3ca: {  	(xrf1) =	vunique.msk.u32 vm8, v18;
	vm9 =	veq.s32 v39, v6;
	v13 =	vor.u32 $0x100, v13  }
0x3cb: {  	(xrf1) =	vunique.msk.u32 vm9, v13;
	_ =	sdelay $0x1  }
0x3cc: {  	_, v40, vm10 =	vpop (xrf1);
	_ =	sdelay $0x1  }
0x3cd: {  	_, v41, vm11 =	vpop (xrf1)  }
0x3ce: {  	_, v42, vm2 =	vpop (xrf1)  }
0x3cf: {  	_, v43, vm12 =	vpop (xrf1);
	_ =	sdelay $0x1  }
0x3d0: {  	[tilespmem:v28+s25+$0x0] =	vst.idx.add.s32.msk vm10, v40;
	_, v44, vm13 =	vpop (xrf1)  }
0x3d1: {  	v22 =	vld [tilespmem:s15+$0x0];
	_, v45, vm3 =	vpop (xrf1)  }
0x3d2: {  	[tilespmem:v14+s24+$0x0] =	vst.idx.add.s32.msk vm11, v41;
	_, v14, vm7 =	vpop (xrf1)  }
0x3d3: {  	v21 =	vld [tilespmem:s14+$0x10]  }
0x3d4: {  	[tilespmem:v15+s3+$0x0] =	vst.idx.add.s32.msk vm12, v43;
	_, v15, vm5 =	vpop (xrf1)  }
0x3d5: {  	v24 =	vld [tilespmem:s17+$0x0];
	_, v26, vm4 =	vpop (xrf1)  }
0x3d6: {  	[tilespmem:v12+s26+$0x0] =	vst.idx.add.s32.msk vm13, v44;
	_, v12, vm6 =	vpop (xrf1)  }
0x3d7: {  	v20 =	vld [tilespmem:s16+$0x10]  }
0x3d8: {  	[tilespmem:v17+s3+$0x0] =	vst.idx.add.s32.msk vm7, v14  }
0x3d9: {  	v17 =	vld [tilespmem:s1+$0x0]  }
0x3da: {  	v46 =	vand.u32 $0x7F, v21;
	v48 =	vshra.s32 v24, $0x7;
	[tilespmem:v19+s22+$0x0] =	vst.idx.add.s32.msk vm5, v15  }
0x3db: {  	vm9 =	veq.s32 v48, v6;
	v14 =	vshra.s32 v22, $0x7;
	v22 =	vand.u32 $0x7F, v22;
	v47 =	vld [tilespmem:s18+$0x10]  }
0x3dc: {  	vm14 =	veq.s32 v14, v6;
	v14 =	vor.u32 $0x200, v22;
	v15 =	vshra.s32 v21, $0x7;
	[tilespmem:v13+s3+$0x0] =	vst.idx.add.s32.msk vm6, v12  }
0x3dd: {  	vm15 =	veq.s32 v15, v6;
	v15 =	vor.u32 $0x300, v46;
	(xrf1) =	vunique.msk.u32 vm14, v14;
	v12 =	vand.u32 $0x7F, v24;
	v49 =	vld [tilespmem:s23+$0x0]  }
0x3de: {  	(xrf1) =	vunique.msk.u32 vm15, v15;
	v13 =	vshra.s32 v20, $0x7;
	v20 =	vand.u32 $0x7F, v20;
	v12 =	vor.u32 $0x200, v12  }
0x3df: {  	vm10 =	veq.s32 v13, v6;
	v13 =	vor.u32 $0x300, v20;
	v50 =	vshra.s32 v17, $0x7;
	(xrf1) =	vunique.msk.u32 vm9, v12  }
0x3e0: {  	v17 =	vand.u32 $0x7F, v17;
	vm11 =	veq.s32 v50, v6;
	v51 =	vshra.s32 v47, $0x7  }
0x3e1: {  	v17 =	vor.u32 $0x200, v17;
	v21 =	vand.u32 $0x7F, v47;
	(xrf1) =	vunique.msk.u32 vm10, v13;
	vm12 =	veq.s32 v51, v6  }
0x3e2: {  	v52 =	vor.u32 $0x300, v21;
	(xrf1) =	vunique.msk.u32 vm11, v17;
	v53 =	vshra.s32 v49, $0x7;
	v19 =	vand.u32 $0x7F, v49  }
0x3e3: {  	(xrf1) =	vunique.msk.u32 vm12, v52;
	vm13 =	veq.s32 v53, v6;
	v19 =	vor.u32 $0x200, v19  }
0x3e4: {  	(xrf1) =	vunique.msk.u32 vm13, v19;
	_ =	sdelay $0x6  }
0x3e5: {  	_, v54, vm8 =	vpop (xrf1)  }
0x3e6: {  	_, v55, vm6 =	vpop (xrf1)  }
0x3e7: {  	_, v56, vm9 =	vpop (xrf1);
	_ =	sdelay $0x1  }
0x3e8: {  	_, v27, vm5 =	vpop (xrf1)  }
0x3e9: {  	_, v28, vm10 =	vpop (xrf1)  }
0x3ea: {  	_, v29, vm7 =	vpop (xrf1)  }
0x3eb: {  	[tilespmem:v14+s25+$0x0] =	vst.idx.add.s32.msk vm8, v54;
	_, v14, vm8 =	vpop (xrf1)  }
0x3ec: {  	[tilespmem:v12+s3+$0x0] =	vst.idx.add.s32.msk vm9, v56  }
0x3ed: {  	v12 =	vld [tilespmem:s15+$0x10]  }
0x3ee: {  	v57 =	vld [tilespmem:s17+$0x10]  }
0x3ef: {  	[tilespmem:v17+s3+$0x0] =	vst.idx.add.s32.msk vm10, v28  }
0x3f0: {  	v58 =	vld [tilespmem:s1+$0x10]  }
0x3f1: {  	[tilespmem:v19+s3+$0x0] =	vst.idx.add.s32.msk vm8, v14  }
0x3f2: {  	v14 =	vld [tilespmem:s23+$0x10]  }
0x3f3: {  	v59 =	vshra.s32 v12, $0x7;
	v12 =	vand.u32 $0x7F, v12  }
0x3f4: {  	vm14 =	veq.s32 v59, v6;
	v12 =	vor.u32 $0x300, v12;
	v60 =	vshra.s32 v57, $0x7  }
0x3f5: {  	v17 =	vand.u32 $0x7F, v57;
	vm15 =	veq.s32 v60, v6;
	v61 =	vshra.s32 v58, $0x7  }
0x3f6: {  	(xrf1) =	vunique.msk.u32 vm14, v12;
	v17 =	vor.u32 $0x300, v17;
	v21 =	vand.u32 $0x7F, v58;
	vm12 =	veq.s32 v61, v6  }
0x3f7: {  	(xrf1) =	vunique.msk.u32 vm15, v17;
	v62 =	vor.u32 $0x300, v21;
	v63 =	vshra.s32 v14, $0x7;
	v14 =	vand.u32 $0x7F, v14  }
0x3f8: {  	(xrf1) =	vunique.msk.u32 vm12, v62;
	vm13 =	veq.s32 v63, v6;
	v6 =	vor.u32 $0x300, v14  }
0x3f9: {  	(xrf1) =	vunique.msk.u32 vm13, v6;
	_ =	sdelay $0x8  }
0x3fa: {  	[tilespmem:v7+s28+$0x0] =	vst.idx.add.s32.msk vm0, v9  }
0x3fb: {  	[tilespmem:v8+s2+$0x0] =	vst.idx.add.s32.msk vm1, v10  }
0x3fc: {  	[tilespmem:v11+s21+$0x0] =	vst.idx.add.s32.msk vm2, v42;
	_, v7, vm0 =	vpop (xrf1)  }
0x3fd: {  	[tilespmem:v16+s20+$0x0] =	vst.idx.add.s32.msk vm3, v45;
	_, v8, vm1 =	vpop (xrf1)  }
0x3fe: {  	[tilespmem:v18+s7+$0x0] =	vst.idx.add.s32.msk vm4, v26;
	_, v9, vm14 =	vpop (xrf1)  }
0x3ff: {  	[tilespmem:v15+s24+$0x0] =	vst.idx.add.s32.msk vm6, v55;
	_, v10, vm15 =	vpop (xrf1)  }
0x400: {  	[tilespmem:v13+s26+$0x0] =	vst.idx.add.s32.msk vm5, v27  }
0x401: {  	[tilespmem:v52+s22+$0x0] =	vst.idx.add.s32.msk vm7, v29  }
0x402: {  	[tilespmem:v12+s25+$0x0] =	vst.idx.add.s32.msk vm0, v7  }
0x403: {  	[tilespmem:v17+s3+$0x0] =	vst.idx.add.s32.msk vm1, v8  }
0x404: {  	[tilespmem:v62+s3+$0x0] =	vst.idx.add.s32.msk vm14, v9  }
0x405: {  	s21 =	simm.s32 $0x0;
	[tilespmem:v6+s3+$0x0] =	vst.idx.add.s32.msk vm15, v10  }
0x406: {  	s0 =	sand.u32 $0xF0, s21;
	v6 =	vld [tilespmem:s3+$0x0]  }
0x407: {  	v7 =	vld [tilespmem:s0+$0x1100]  }
0x408: {  	v8 =	vld [tilespmem:s0+$0x1200]  }
0x409: {  	s22 =	simm.s32 $0x10;
	s23 =	simm.s32 $0x1010;
	v9 =	vld [tilespmem:s0+$0x1300]  }
0x40a: {  	s24 =	sand.u32 $0xF0, s22;
	v10 =	vld [tilespmem:s23+$0x0]  }
0x40b: {  	v11 =	vld [tilespmem:s24+$0x1100]  }
0x40c: {  	v12 =	vld [tilespmem:s24+$0x1200];
	v6 =	vadd.s32 v6, v7  }
0x40d: {  	v7 =	vld [tilespmem:s24+$0x1300];
	v6 =	vadd.s32 v8, v6  }
0x40e: {  	s26 =	simm.s32 $0x1020;
	s25 =	simm.s32 $0x20;
	v13 =	vadd.s32 v9, v6  }
0x40f: {  	s0 =	sand.u32 $0xF0, s25;
	v8 =	vld [tilespmem:s26+$0x0];
	v6 =	vperm.xlane v13, v2  }
0x410: {  	v9 =	vadd.s32 v10, v11;
	v10 =	vld [tilespmem:s0+$0x1100]  }
0x411: {  	v11 =	vld [tilespmem:s0+$0x1200];
	v9 =	vadd.s32 v12, v9;
	(xrf0) =	vadd.scan.msk.s32 $0xffff, v6  }
0x412: {  	v6 =	vadd.s32 v7, v9;
	v7 =	vld [tilespmem:s0+$0x1300];
	_ =	sdelay $0x1  }
0x413: {  	v9 =	vperm.xlane v6, v2  }
0x414: {  	v8 =	vadd.s32 v8, v10  }
0x415: {  	s29 =	simm.s32 $0x1030;
	s28 =	simm.s32 $0x30;
	(xrf0) =	vadd.scan.msk.s32 $0xffff, v9;
	v9 =	vadd.s32 v11, v8  }
0x416: {  	s30 =	sand.u32 $0xF0, s28;
	v8 =	vld [tilespmem:s29+$0x0];
	v7 =	vadd.s32 v7, v9;
	v10, _, _ =	vpop (xrf0)  }
0x417: {  	s31 =	simm.s32 $0x1500;
	v9 =	vld [tilespmem:s30+$0x1100];
	v12 =	vperm.xlane v7, v2;
	v11 =	vperm.xlane v10, v2  }
0x418: {  	[tilespmem:s31+$0x0] =	vst v13;
	s0 =	simm.s32 $0x1400;
	v10 =	vld [tilespmem:s30+$0x1200]  }
0x419: {  	[tilespmem:s0+$0x0] =	vst v11;
	v11 =	vld [tilespmem:s30+$0x1300];
	_ =	sdelay $0x1  }
0x41a: {  	s2 =	simm.s32 $0x40;
	s1 =	simm.s32 $0x1510;
	s3 =	simm.s32 $0x1040;
	(xrf0) =	vadd.scan.msk.s32 $0xffff, v12;
	v12, _, _ =	vpop (xrf0)  }
.LBB2_24:
0x41b: {  	s4 =	sand.u32 $0xF0, s2;
	p0 =	sne.s32 s2, $0xF0;
	s2 =	sadd.s32 $0x10, s2;
	v13 =	vadd.s32 v8, v9;
	v8 =	vld [tilespmem:s3+$0x0];
	v12 =	vperm.xlane v12, v2  }
.Ltmp11:
0x41c: {  	s0 =	sadd.s32 $0x10, s0;
	v9 =	vld [tilespmem:s4+$0x1100];
	v13 =	vadd.s32 v10, v13;
	[tilespmem:s1+$0x0] =	vst v6;
	v6 =	vmov v7;
	(pc) =	sbr.rel @p0 .LBB2_24-.Ltmp11, $3  }
0x41d: {  	v10 =	vld [tilespmem:s4+$0x1200];
	v7 =	vadd.s32 v11, v13;
	[tilespmem:s0+$0x0] =	vst v12  }
0x41e: {  	v11 =	vld [tilespmem:s4+$0x1300];
	v13 =	vperm.xlane v7, v2;
	_ =	sdelay $0x1  }
0x41f: {  	s3 =	sadd.s32 $0x10, s3;
	s1 =	sadd.s32 $0x10, s1;
	(xrf0) =	vadd.scan.msk.s32 $0xffff, v13;
	v12, _, _ =	vpop (xrf0)  }
0x420: {  	v8 =	vadd.s32 v8, v9  }
0x421: {  	v8 =	vadd.s32 v10, v8  }
0x422: {  	v8 =	vadd.s32 v11, v8  }
0x423: {  	v10 =	vmov s13;
	v9 =	vperm.xlane v8, v2  }
0x424: {  	v5 =	vxor.u32 $0x80000000, v5;
	vm0 =	veq.s32 v10, v0  }
0x425: {  	v5 =	vnsel vm0, $0x80000000, v5;
	(xrf0) =	vadd.scan.msk.s32 $0xffff, v9  }
0x426: {  	v4 =	vxor.u32 $0x80000000, v4;
	(xrf0) =	vmax.scan.msk.u32 $0xffff, v5  }
0x427: {  	v4 =	vnsel vm0, $0x80000000, v4  }
0x428: {  	v5 =	vperm.xlane v12, v2;
	(xrf0) =	vmax.scan.msk.u32 $0xffff, v4;
	_ =	sdelay $0x1  }
0x429: {  	v4, _, _ =	vpop (xrf0)  }
0x42a: {  	[tilespmem:s1+$0x0] =	vst v6;
	s0 =	sadd.s32 $0x10, s0;
	v9, _, _ =	vpop (xrf0)  }
0x42b: {  	s26 =	sadd.s32 $0x10, s1;
	[tilespmem:s0+$0x0] =	vst v5;
	v4 =	vperm.xlane v4, v2;
	v5, _, _ =	vpop (xrf0)  }
0x42c: {  	[tilespmem:s26+$0x0] =	vst v7;
	s0 =	sadd.s32 $0x10, s0;
	(v2sf) =	vpush v5, $0xF  }
0x42d: {  	s1 =	sadd.s32 $0x10, s26;
	[tilespmem:s0+$0x0] =	vst v4;
	v4 =	vperm.xlane v9, v2;
	v5, _, _ =	vpop (xrf0)  }
0x42e: {  	[tilespmem:s1+$0x0] =	vst v8;
	s0 =	sadd.s32 $0x10, s0;
	(v2sf) =	vpush v5, $0xF  }
0x42f: {  	[tilespmem:s0+$0x0] =	vst v4  }
0x430: {  	v4 =	vld.idx.msk [tilespmem:v3+s9+$0x0], $0xffff;
	_ =	sdelay $0x4  }
0x431: {  	v5 =	vperm.xlane v4, v2;
	_ =	sdelay $0x1  }
0x432: {  	(xrf0) =	vadd.scan.msk.s32 $0xffff, v5;
	_ =	sdelay $0x3  }
0x433: {  	s28 =	spop (v2sf)  }
0x434: {  	s0 =	sxor.u32 $0x7FFFFFFF, s28  }
0x435: {  	v5, _, _ =	vpop (xrf0);
	s29 =	spop (v2sf);
	s0 =	ssub.s32 s0, s12  }
0x436: {  	v5 =	vperm.xlane v5, v2;
	s0 =	sadd.s32 s29, s0  }
0x437: {  	s0 =	sadd.s32 $0x80000101, s0  }
0x438: {  	vm0 =	vge.s32 v5, s0  }
0x439: {  	v6 =	vsel vm0, $0x1, v1  }
0x43a: {  	(xrf0) =	vadd.scan.msk.s32 $0xffff, v6;
	_ =	sdelay $0x5  }
0x43b: {  	v6, _, _ =	vpop (xrf0)  }
0x43c: {  	(v2sf) =	vpush v6, $0xF;
	_ =	sdelay $0xe  }
0x43d: {  	s30 =	spop (v2sf)  }
0x43e: {  	s1 =	sadd.s32 $0xFFFFFFFF, s30  }
0x43f: {  	v6 =	vmov s1  }
0x440: {  	v4 =	vxor.u32 $0x80000000, v4;
	vm0 =	veq.s32 v6, v0  }
0x441: {  	v5 =	vxor.u32 $0x80000000, v5;
	v4 =	vnsel vm0, $0x80000000, v4  }
0x442: {  	(xrf0) =	vmax.scan.msk.u32 $0xffff, v4;
	v4 =	vnsel vm0, $0x80000000, v5  }
0x443: {  	(xrf0) =	vmax.scan.msk.u32 $0xffff, v4;
	_ =	sdelay $0x4  }
0x444: {  	v4, _, _ =	vpop (xrf0)  }
0x445: {  	(v2sf) =	vpush v4, $0xF;
	v4, _, _ =	vpop (xrf0)  }
0x446: {  	(v2sf) =	vpush v4, $0xF;
	_ =	sdelay $0xb  }
0x447: {  	s1 =	sshll.u32 s1, $0x4  }
0x448: {  	v4 =	vld [tilespmem:s1+$0x1400]  }
0x449: {  	s2 =	spop (v2sf)  }
0x44a: {  	s3 =	spop (v2sf)  }
0x44b: {  	s2 =	sxor.u32 $0x80000000, s2;
	s3 =	sxor.u32 $0x80000000, s3  }
0x44c: {  	s2 =	ssub.s32 s3, s2  }
0x44d: {  	v4 =	vadd.s32 s2, v4  }
0x44e: {  	vm0 =	vge.s32 v4, s0  }
0x44f: {  	v4 =	vsel vm0, $0x1, v1  }
0x450: {  	(xrf0) =	vadd.scan.msk.s32 $0xffff, v4;
	_ =	sdelay $0x5  }
0x451: {  	v4, _, _ =	vpop (xrf0)  }
0x452: {  	(v2sf) =	vpush v4, $0xF;
	_ =	sdelay $0xd  }
0x453: {  	s5 =	simm.s32 $0x820  }
0x454: {  	v5 =	vld [tilespmem:s5+$0xFFFFFFE0];
	s0 =	simm.s32 $0x20;
	s31 =	spop (v2sf)  }
0x455: {  	v6 =	vld [tilespmem:s0+$0xFFFFFFE0];
	s1 =	sadd.s32 s31, s1  }
0x456: {  	s1 =	sadd.s32 $0xFFFFFFFF, s1  }
0x457: {  	s1 =	sor.u32 s11, s1  }
0x458: {  	v4 =	vmov s1  }
0x459: {  	s1 =	simm.s32 $0x60;
	vm0 =	vlt.s32 v5, v4  }
0x45a: {  	s3 =	simm.s32 $0x860;
	v7 =	vld [tilespmem:s1+$0xFFFFFFE0];
	v6 =	vsel vm0, $0x0, v6  }
0x45b: {  	[tilespmem:s0+$0xFFFFFFE0] =	vst v6;
	v6 =	vld [tilespmem:s3+$0xFFFFFFE0]  }
0x45c: {  	v8 =	vld [tilespmem:s5+$0xFFFFFFF0]  }
0x45d: {  	v5 =	vld [tilespmem:s0+$0xFFFFFFF0];
	_ =	sdelay $0x2  }
0x45e: {  	s2 =	simm.s32 $0xA0;
	vm0 =	vlt.s32 v6, v4;
	v6 =	vld [tilespmem:s1+$0xFFFFFFF0]  }
0x45f: {  	s6 =	simm.s32 $0x8A0;
	v7 =	vsel vm0, $0x0, v7;
	vm0 =	vlt.s32 v8, v4;
	v8 =	vld [tilespmem:s2+$0xFFFFFFE0]  }
0x460: {  	[tilespmem:s1+$0xFFFFFFE0] =	vst v7;
	v5 =	vsel vm0, $0x0, v5;
	v7 =	vld [tilespmem:s6+$0xFFFFFFE0]  }
0x461: {  	[tilespmem:s0+$0xFFFFFFF0] =	vst v5;
	v11 =	vld [tilespmem:s3+$0xFFFFFFF0]  }
0x462: {  	v12 =	vld [tilespmem:s5+$0x0]  }
0x463: {  	v10 =	vld [tilespmem:s0+$0x0]  }
0x464: {  	v9 =	vld [tilespmem:s2+$0xFFFFFFF0]  }
0x465: {  	s4 =	simm.s32 $0xE0;
	v5 =	vld [tilespmem:s1+$0x0];
	vm0 =	vlt.s32 v7, v4  }
0x466: {  	s11 =	simm.s32 $0x8E0;
	v7 =	vsel vm0, $0x0, v8;
	vm0 =	vlt.s32 v11, v4;
	v11 =	vld [tilespmem:s4+$0xFFFFFFE0]  }
0x467: {  	[tilespmem:s2+$0xFFFFFFE0] =	vst v7;
	v6 =	vsel vm0, $0x0, v6;
	vm0 =	vlt.s32 v12, v4;
	v12 =	vld [tilespmem:s11+$0xFFFFFFE0]  }
0x468: {  	[tilespmem:s1+$0xFFFFFFF0] =	vst v6;
	v6 =	vsel vm0, $0x0, v10;
	v13 =	vld [tilespmem:s6+$0xFFFFFFF0]  }
0x469: {  	[tilespmem:s0+$0x0] =	vst v6;
	v8 =	vld [tilespmem:s3+$0x0]  }
0x46a: {  	v6 =	vld [tilespmem:s5+$0x10]  }
0x46b: {  	v7 =	vld [tilespmem:s0+$0x10]  }
0x46c: {  	v10 =	vld [tilespmem:s2+$0x0];
	vm0 =	vlt.s32 v12, v4  }
0x46d: {  	s7 =	simm.s32 $0x8E0;
	s12 =	simm.s32 $0x120;
	s5 =	simm.s32 $0xC;
	v12 =	vsel vm0, $0x0, v11;
	v11 =	vld [tilespmem:s4+$0xFFFFFFF0];
	vm0 =	vlt.s32 v13, v4  }
.LBB2_26:
0x46e: {  	v13 =	vld [tilespmem:s12+$0xFFFFFFE0];
	[tilespmem:s4+$0xFFFFFFE0] =	vst v12;
	s11 =	sadd.s32 $0x40, s11;
	v9 =	vsel vm0, $0x0, v9;
	vm0 =	vlt.s32 v8, v4  }
0x46f: {  	s5 =	sadd.s32 $0x4, s5;
	v12 =	vld [tilespmem:s11+$0xFFFFFFE0];
	[tilespmem:s2+$0xFFFFFFF0] =	vst v9;
	v9 =	vsel vm0, $0x0, v5;
	vm0 =	vlt.s32 v6, v4  }
0x470: {  	p0 =	slt.u32 s5, $0x7C;
	v14 =	vld [tilespmem:s7+$0xFFFFFFF0];
	[tilespmem:s1+$0x0] =	vst v9;
	v6 =	vsel vm0, $0x0, v7  }
.Ltmp12:
0x471: {  	v8 =	vld [tilespmem:s6+$0x0];
	[tilespmem:s0+$0x10] =	vst v6;
	v5 =	vmov v10;
	s0 =	smov.u32 s1;
	s1 =	smov.u32 s2;
	(pc) =	sbr.rel @p0 .LBB2_26-.Ltmp12, $4  }
0x472: {  	v6 =	vld [tilespmem:s3+$0x10];
	v9 =	vmov v11;
	s3 =	smov.u32 s6;
	s6 =	smov.u32 s7  }
0x473: {  	s2 =	smov.u32 s4;
	s7 =	smov.u32 s11;
	v7 =	vld [tilespmem:s0+$0x10]  }
0x474: {  	s4 =	smov.u32 s12;
	vm0 =	vlt.s32 v12, v4;
	v10 =	vld [tilespmem:s2+$0x0]  }
0x475: {  	s12 =	sadd.s32 $0x40, s12;
	v12 =	vsel vm0, $0x0, v13;
	v11 =	vld [tilespmem:s4+$0xFFFFFFF0];
	vm0 =	vlt.s32 v14, v4  }
0x476: {  	[tilespmem:s4+$0xFFFFFFE0] =	vst v12  }
0x477: {  	v12 =	vld [tilespmem:s7+$0xFFFFFFF0];
	_ =	sdelay $0x4  }
0x478: {  	v9 =	vsel vm0, $0x0, v9;
	vm8 =	vlt.s32 v12, v4  }
0x479: {  	[tilespmem:s2+$0xFFFFFFF0] =	vst v9;
	v11 =	vsel vm8, $0x0, v11  }
0x47a: {  	v9 =	vld [tilespmem:s6+$0x0];
	[tilespmem:s4+$0xFFFFFFF0] =	vst v11  }
0x47b: {  	v11 =	vld [tilespmem:s7+$0x0]  }
0x47c: {  	v58 =	vld [tilespmem:s4+$0x0];
	_ =	sdelay $0x1  }
0x47d: {  	vm9 =	vlt.s32 v8, v4  }
0x47e: {  	v60 =	vld [tilespmem:s1+$0x10];
	v5 =	vsel vm9, $0x0, v5;
	vm10 =	vlt.s32 v9, v4  }
0x47f: {  	v62 =	vld [tilespmem:s2+$0x10];
	[tilespmem:s1+$0x0] =	vst v5;
	v59 =	vsel vm10, $0x0, v10;
	vm11 =	vlt.s32 v11, v4  }
0x480: {  	v5 =	vld [tilespmem:s3+$0x10];
	[tilespmem:s2+$0x0] =	vst v59;
	v61 =	vsel vm11, $0x0, v58  }
0x481: {  	v8 =	vld [tilespmem:s6+$0x10];
	[tilespmem:s4+$0x0] =	vst v61  }
0x482: {  	v10 =	vld [tilespmem:s7+$0x10]  }
0x483: {  	v63 =	vld [tilespmem:s4+$0x10]  }
0x484: {  	vm12 =	vlt.s32 v6, v4  }
0x485: {  	v6 =	vsel vm12, $0x0, v7;
	vm13 =	vlt.s32 v5, v4  }
0x486: {  	[tilespmem:s0+$0x10] =	vst v6;
	v5 =	vsel vm13, $0x0, v60;
	vm14 =	vlt.s32 v8, v4  }
0x487: {  	[tilespmem:s1+$0x10] =	vst v5;
	v5 =	vsel vm14, $0x0, v62;
	vm15 =	vlt.s32 v10, v4  }
0x488: {  	[tilespmem:s2+$0x10] =	vst v5;
	v4 =	vsel vm15, $0x0, v63  }
0x489: {  	s6 =	simm.s32 $0x0;
	[tilespmem:s4+$0x10] =	vst v4  }
0x48a: {  	s1 =	simm.s32 $0x80;
	s2 =	simm.s32 $0x400;
	s0 =	rddreg [dreg:$0x4]  }
0x48b: {  	[hbm4b:s0+s1] =	stream.strided.scatter [tilespmem:s6], [sflag:$0x1], $0x800, s2, s1, $0x38;
	[tilespmem:$0x1600] =	vst v63  }
0x48c: {  	_ =	swait.ge [sflag:s8], $0x800  }
0x48d: {  	s10 =	sadd.s32 $0x1, s10;
	s31 =	rddreg [dreg:$0x5]  }
0x48e: {  	p0 =	sne.s32 s10, s31  }
.Ltmp13:
0x48f: {  	_ = 	snop;
	(pc) =	sbr.rel @p0 .LBB2_1-.Ltmp13, $3  }
0x490: {  	_ =	sdelay $0x1  }
0x491: {  	[sflag:s8] =	ssyncset.done $0x0  }
0x492: {  	[sflag:s8] =	ssyncadd.s32 $0xFFFFF800  }
0x493: {  	_ =	sfence.sel $0x180000  }
0x494: {  	[bflag:$0x0] =	sbarrier.arrive $0xFFFF  }
0x495: {  	_ =	strace $0x90000047  }
0x496: {  	s0 =	stileid.u32;
	[bflag:$0x2] =	sbarrier.arrive $0xFFFF  }
0x497: {  	p0 =	sne.s32 s0, $0x0;
	s0 =	rddreg [dreg:$0x2]  }
0x498: {  	s0 =	sadd.s32 @!p0 $0x100000, s0  }
0x499: {  	[sflag:s0] =	ssyncadd.tile.s32 @!p0 $0x1;
	_ =	shalt  }
.Lfunc_end2:
_tile_overlayer_lowered:
.L_overlay_start_2:
0x49a: {  	(tag) =	ssettag $0x2  }
0x49b: {  	s0 =	rddreg [dreg:$0x0];
	s2 =	stileid.u32  }
0x49c: {  	s1 =	rddreg [dreg:$0x1];
	p0 =	sne.s32 s2, $0x0  }
0x49d: {  	s3 =	rddreg [dreg:$0x2];
	[bflag:$0x3] =	sbarrier.arrive $0xFFFF;
	s2 =	simm.s32 @!p0 $0x1C01  }
0x49e: {  	[timem:s3], [sflag:s2] =	dma.local @!p0 [hbm:s0], s1  }
0x49f: {  	s0 =	simm.s32 @!p0 $0x1  }
0x4a0: {  	_ =	swait.ge @!p0 [sflag:s0], s1  }
0x4a1: {  	s1 =	ssub.s32 @!p0 $0x0, s1;
	[sflag:s0] =	ssyncset.done @!p0 $0x0  }
0x4a2: {  	[sflag:s0] =	ssyncadd.s32 @!p0 s1  }
0x4a3: {  	[bflag:$0x3] =	sbarrier.arrive $0xFFFF  }
0x4a4: {  	_ =	shalt  }

</sc_bundles>
